<compile_context>
chip_gen: v7x
topology: tpu7x:2x2x1
jax: 0.10.2.dev20260603
libtpu: 0.0.44.dev20260713+nightly
codegen_flags: <defaults>
</compile_context>

<pallas_src>
import functools

import jax
import jax.numpy as jnp
from jax import lax
from jax.experimental import pallas as pl
from jax.experimental.pallas import tpu as pltpu
from jax.experimental.pallas import tpu_sc as plsc

N = 50000
E = 1600000
N_OPS = 128
HIDDEN = 512

NC = 2
NS = 16
NW = NC * NS

BLK = 512
GRID = 98
N_PAD = GRID * BLK
RPS = N_PAD // NS
ZROWS = 784

MB = 128
EPT = E // NW
NFULL = EPT // MB
TAIL = EPT - NFULL * MB
NSET = 10
NGRP = NFULL // NSET
RPB = N_PAD // NW


def _build_body(xnum, opidx, emb, xs_out, xnb, oib, embv, xb):
    c = lax.axis_index("c")
    s = lax.axis_index("s")
    wid = s * NC + c
    r0 = pl.multiple_of(wid * RPB, 8)
    pltpu.sync_copy(xnum.at[pl.ds(r0 * 2, RPB * 2)], xnb)
    pltpu.sync_copy(opidx.at[pl.ds(r0, RPB)], oib)
    pltpu.sync_copy(emb, embv)

    iota16 = lax.broadcasted_iota(jnp.int32, (16,), 0)
    z16 = jnp.zeros((16,), jnp.float32)

    def _bld(g, carry):
        rows16 = g * 16 + iota16
        idx16 = oib[pl.ds(g * 16, 16)]
        for col in range(2):
            cc = jnp.full((16,), col, jnp.int32)
            v = plsc.load_gather(xnb, [rows16 * 2 + col])
            plsc.store_scatter(xb, [rows16, cc], v)
        for ec in range(8):
            v = plsc.load_gather(embv, [idx16, jnp.full((16,), ec, jnp.int32)])
            plsc.store_scatter(
                xb, [rows16, jnp.full((16,), 2 + ec, jnp.int32)], v)
        for zc in range(10, 16):
            plsc.store_scatter(
                xb, [rows16, jnp.full((16,), zc, jnp.int32)], z16)
        return carry
    lax.fori_loop(0, RPB // 16, _bld, 0)
    pltpu.sync_copy(xb, xs_out.at[pl.ds(r0, RPB)])


def _build_x(xnum_p, opidx_p, emb):
    mesh = plsc.VectorSubcoreMesh(core_axis_name="c", subcore_axis_name="s")
    fn = functools.partial(
        pl.kernel,
        out_type=jax.ShapeDtypeStruct((N_PAD, 16), jnp.float32),
        mesh=mesh,
        compiler_params=pltpu.CompilerParams(
            use_tc_tiling_on_sc=False, needs_layout_passes=False),
        scratch_types=[
            pltpu.VMEM((RPB * 2,), jnp.float32),
            pltpu.VMEM((RPB,), jnp.int32),
            pltpu.VMEM((N_OPS, 8), jnp.float32),
            pltpu.VMEM((RPB, 16), jnp.float32),
        ],
    )(_build_body)
    return fn(xnum_p, opidx_p, emb)


def _edge_body(xpad, edges, agg_hbm,
               sbuf, dbuf, rbuf, s_t, d_t, r_t, zbuf, aggs,
               gsem, isem, ssem):
    c = lax.axis_index("c")
    s = lax.axis_index("s")
    wid = s * NC + c

    sbase = pl.multiple_of(s * RPS, 8)

    @pl.when(c == 0)
    def _():
        pltpu.sync_copy(xpad.at[pl.ds(sbase, RPS)],
                        aggs.at[pl.ds(sbase, RPS)])

    @pl.when(c != 0)
    def _():
        z16 = jnp.zeros((16,), jnp.float32)

        def _zrow(i, carry):
            zbuf[i, :] = z16
            return carry
        lax.fori_loop(0, ZROWS, _zrow, 0)
        for q in range(RPS // ZROWS):
            pltpu.sync_copy(zbuf, aggs.at[pl.ds(sbase + q * ZROWS, ZROWS)])
    plsc.subcore_barrier()

    e0 = pl.multiple_of(wid * EPT, 8)

    def idx_copy(m, u):
        off = pl.multiple_of(e0 + m * MB, 8)
        cp1 = pltpu.make_async_copy(
            edges.at[pl.ds(off, MB)], sbuf[u], isem[u])
        cp1.start()
        cp2 = pltpu.make_async_copy(
            edges.at[pl.ds(E + off, MB)], dbuf[u], isem[u])
        cp2.start()
        return cp1, cp2

    def gather(u):
        return pltpu.make_async_copy(xpad.at[sbuf[u]], rbuf[u], gsem[u])

    for u in range(NSET):
        cp1, cp2 = idx_copy(u, u)
        cp1.wait()
        cp2.wait()
    for u in range(NSET):
        gather(u).start()

    def _group(g, carry):
        m0 = g * NSET
        scs = []
        for u in range(NSET):
            gather(u).wait()
            scs.append(
                pltpu.async_copy(rbuf[u], aggs.at[dbuf[u]], ssem[u],
                                 add=True))
        idxs = []
        for u in range(NSET):
            scs[u].wait()
            idxs.append(idx_copy(m0 + NSET + u, u))
        for u in range(NSET):
            idxs[u][0].wait()
            idxs[u][1].wait()
            gather(u).start()
        return carry
    lax.fori_loop(0, NGRP - 1, _group, 0)

    scs = []
    for u in range(NSET):
        gather(u).wait()
        scs.append(
            pltpu.async_copy(rbuf[u], aggs.at[dbuf[u]], ssem[u], add=True))
    for u in range(NSET):
        scs[u].wait()

    off_t = pl.multiple_of(e0 + NFULL * MB, 8)
    pltpu.sync_copy(edges.at[pl.ds(off_t, TAIL)], s_t)
    pltpu.sync_copy(edges.at[pl.ds(E + off_t, TAIL)], d_t)
    cp_t = pltpu.make_async_copy(xpad.at[s_t], r_t, gsem[0])
    cp_t.start()
    cp_t.wait()
    pltpu.sync_copy(r_t, aggs.at[d_t], add=True)

    plsc.subcore_barrier()
    pltpu.sync_copy(aggs.at[pl.ds(sbase, RPS)],
                    agg_hbm.at[c, pl.ds(sbase, RPS)])


def _edge_agg(x_pad, edges):
    mesh = plsc.VectorSubcoreMesh(core_axis_name="c", subcore_axis_name="s")
    fn = functools.partial(
        pl.kernel,
        out_type=jax.ShapeDtypeStruct((NC, N_PAD, 16), jnp.float32),
        mesh=mesh,
        compiler_params=pltpu.CompilerParams(use_tc_tiling_on_sc=False),
        scratch_types=[
            [pltpu.VMEM((MB,), jnp.int32)] * NSET,
            [pltpu.VMEM((MB,), jnp.int32)] * NSET,
            [pltpu.VMEM((MB, 16), jnp.float32)] * NSET,
            pltpu.VMEM((TAIL,), jnp.int32),
            pltpu.VMEM((TAIL,), jnp.int32),
            pltpu.VMEM((TAIL, 16), jnp.float32),
            pltpu.VMEM((ZROWS, 16), jnp.float32),
            pltpu.VMEM_SHARED((N_PAD, 16), jnp.float32),
            [pltpu.SemaphoreType.DMA] * NSET,
            [pltpu.SemaphoreType.DMA] * NSET,
            [pltpu.SemaphoreType.DMA] * NSET,
        ],
    )(_edge_body)
    return fn(x_pad, edges)


def _mlp_body(a_ref, w1_ref, b1_ref, w2_ref, b2_ref,
              g_ref, be_ref, o_ref):
    m = pl.program_id(0)
    h0 = a_ref[0] + a_ref[1]
    h1 = jnp.maximum(
        jnp.dot(h0, w1_ref[...], preferred_element_type=jnp.float32)
        + b1_ref[...], 0.0)
    h2 = jnp.dot(h1.astype(jnp.bfloat16), w2_ref[...],
                 preferred_element_type=jnp.float32) + b2_ref[...]
    mu = jnp.mean(h2, axis=-1, keepdims=True)
    d = h2 - mu
    var = jnp.mean(d * d, axis=-1, keepdims=True)
    hn = d * lax.rsqrt(var + 1e-5)

    @pl.when(m == 0)
    def _():
        o_ref[...] = jnp.zeros_like(o_ref)

    @pl.when(m < GRID - 1)
    def _():
        o_ref[...] += jnp.sum(hn, axis=0, keepdims=True)

    @pl.when(m == GRID - 1)
    def _():
        rows = m * BLK + lax.broadcasted_iota(jnp.int32, (BLK, 1), 0)
        hnm = jnp.where(rows < N, hn, 0.0)
        acc = o_ref[...] + jnp.sum(hnm, axis=0, keepdims=True)
        o_ref[...] = acc * (g_ref[...] * (1.0 / N)) + be_ref[...]


def _mlp_mean(agg, w1p, b1, w2, b2, gamma, beta):
    row512 = pl.BlockSpec((1, HIDDEN), lambda m: (0, 0))
    return pl.pallas_call(
        _mlp_body,
        grid=(GRID,),
        in_specs=[
            pl.BlockSpec((NC, BLK, 16), lambda m: (0, m, 0)),
            pl.BlockSpec((16, HIDDEN), lambda m: (0, 0)),
            row512,
            pl.BlockSpec((HIDDEN, HIDDEN), lambda m: (0, 0)),
            row512, row512, row512,
        ],
        out_specs=pl.BlockSpec((1, HIDDEN), lambda m: (0, 0)),
        out_shape=jax.ShapeDtypeStruct((1, HIDDEN), jnp.float32),
    )(agg, w1p, b1, w2, b2, gamma, beta)


@jax.jit
def kernel(x_num, op_idx, edge_index, op_emb, W1, b1, W2, b2, gamma, beta):
    op_idx = op_idx.astype(jnp.int32)
    edge_index = edge_index.astype(jnp.int32)

    xnum_f = jnp.zeros((N_PAD * 2,), jnp.float32).at[:2 * N].set(
        x_num.reshape(2 * N))
    opidx_p = jnp.zeros((N_PAD,), jnp.int32).at[:N].set(op_idx)
    w1p = jnp.zeros((16, HIDDEN), jnp.float32).at[0:10, :].set(W1)

    x_pad = _build_x(xnum_f, opidx_p, op_emb)
    agg = _edge_agg(x_pad, edge_index.reshape(2 * E))
    out = _mlp_mean(agg,
                    w1p, b1.reshape(1, HIDDEN), W2.astype(jnp.bfloat16),
                    b2.reshape(1, HIDDEN), gamma.reshape(1, HIDDEN),
                    beta.reshape(1, HIDDEN))
    return out[0]

# --- scband reference (transcript-rebuilt; emitter-appended) ---
"""Pipeline reference for scband-ginencoder-81209241632879 (READ-ONLY COPY).

The authoritative reference and input builder live on the scoring server;
editing this copy changes nothing except your own understanding.
"""

import jax, jax.numpy as jnp
import numpy as np

N = 50000
E = 1600000
N_OPS = 128
HIDDEN = 512

def setup_inputs(seed: int = 0) -> dict:
    key = jax.random.key(seed)
    ks = jax.random.split(key, 8)
    x_num = jax.random.normal(ks[0], (N, 2), dtype=jnp.float32)
    op_idx = jax.random.randint(ks[1], (N,), 0, N_OPS, dtype=jnp.int64 if jax.config.jax_enable_x64 else jnp.int32)
    edge_index = jax.random.randint(ks[2], (2, E), 0, N, dtype=jnp.int64 if jax.config.jax_enable_x64 else jnp.int32)
    op_emb = jax.random.normal(ks[3], (N_OPS, 8), dtype=jnp.float32)
    W1 = jax.random.normal(ks[4], (10, HIDDEN), dtype=jnp.float32) * (1.0 / np.sqrt(10))
    b1 = jnp.zeros((HIDDEN,), dtype=jnp.float32)
    W2 = jax.random.normal(ks[5], (HIDDEN, HIDDEN), dtype=jnp.float32) * (1.0 / np.sqrt(HIDDEN))
    b2 = jnp.zeros((HIDDEN,), dtype=jnp.float32)
    gamma = jnp.ones((HIDDEN,), dtype=jnp.float32)
    beta = jnp.zeros((HIDDEN,), dtype=jnp.float32)
    return {"x_num": x_num, "op_idx": op_idx, "edge_index": edge_index,
            "op_emb": op_emb, "W1": W1, "b1": b1, "W2": W2, "b2": b2,
            "gamma": gamma, "beta": beta}

def reference(x_num, op_idx, edge_index, op_emb, W1, b1, W2, b2, gamma, beta):
    # x = cat([x_num, op_emb(op_idx)], dim=1) -> [N, 10]
    x = jnp.concatenate([x_num, jnp.take(op_emb, op_idx, axis=0)], axis=1)
    # GINConv with eps=0 (default): h0 = (1+eps)*x + sum_{j in N(i)} x_j
    # edge_index[0] = source, edge_index[1] = target; messages flow src -> dst
    msgs = jnp.take(x, edge_index[0], axis=0)            # gather [E, 10]
    agg = jnp.zeros_like(x).at[edge_index[1]].add(msgs)  # scatter-add [N, 10]
    h0 = x + agg
    # MLP: Linear(10, hidden) -> ReLU -> Linear(hidden, hidden)
    h = jnp.maximum(h0 @ W1 + b1, 0.0) @ W2 + b2
    # LayerNorm(hidden)
    mu = jnp.mean(h, axis=-1, keepdims=True)
    var = jnp.var(h, axis=-1, keepdims=True)
    h = (h - mu) / jnp.sqrt(var + 1e-5) * gamma + beta
    # dropout is identity at eval time
    return jnp.mean(h, axis=0)

if __name__ == "__main__":
    import jax
    _d = setup_inputs()
    print(jax.jit(kernel)(*tuple(_d.values())))

</pallas_src>

<mosaic_0001>
#map = affine_map<(d0, d1) -> (0)>
#map1 = affine_map<(d0, d1) -> (0, 0)>
module attributes {stable_mosaic.version = 14 : i64} {
  func.func @_build_body(%arg0: i32, %arg1: i32, %arg2: memref<100352xf32, #tpu.memory_space<hbm>>, %arg3: memref<50176xi32, #tpu.memory_space<hbm>>, %arg4: memref<128x8xf32, #tpu.memory_space<hbm>>, %arg5: memref<50176x16xf32, #tpu.memory_space<hbm>>, %arg6: memref<3136xf32, #tpu.memory_space<vmem>>, %arg7: memref<1568xi32, #tpu.memory_space<vmem>>, %arg8: memref<128x8xf32, #tpu.memory_space<vmem>>, %arg9: memref<1568x16xf32, #tpu.memory_space<vmem>>) attributes {dimension_semantics = [#tpu.dimension_semantics<core_parallel>, #tpu.dimension_semantics<subcore_parallel>], iteration_bounds = array<i64: 2, 16>, scalar_prefetch = 0 : i64, scratch_operands = 4 : i64, tpu.core_type = #tpu.core_type<sc_vector_subcore>, window_params = [{transform_indices = #map}, {transform_indices = #map}, {transform_indices = #map1}, {transform_indices = #map1}]} {
    %mul3A = arith.constant 2 : i32
    %mul3A_0 = arith.muli %arg1, %mul3A : i32
    %add3A = arith.addi %mul3A_0, %arg0 : i32
    %mul3A_1 = arith.constant 1568 : i32
    %mul3A_2 = arith.muli %add3A, %mul3A_1 : i32
    %multiple_of3A = tpu.assume_multiple %mul3A_2, 8 : i32
    %mul3A_3 = arith.constant 2 : i32
    %mul3A_4 = arith.muli %multiple_of3A, %mul3A_3 : i32
    "tpu.region"() ({
      %run_scoped3A = tpu.sem_alloc : memref<!tpu.dma_semaphore, #tpu.memory_space<semaphore_mem>>
      %dma_start3A = tpu.memref_slice %arg2[%mul3A_4] : memref<100352xf32, #tpu.memory_space<hbm>> -> memref<3136xf32, #tpu.memory_space<hbm>>
      %dma_start3A_11 = tpu.memref_slice %arg2[%mul3A_4] : memref<100352xf32, #tpu.memory_space<hbm>> -> memref<3136xf32, #tpu.memory_space<hbm>>
      tpu.enqueue_dma source(%dma_start3A_11 : memref<3136xf32, #tpu.memory_space<hbm>>) target(%arg6 : memref<3136xf32, #tpu.memory_space<vmem>>) target_semaphore(%run_scoped3A : memref<!tpu.dma_semaphore, #tpu.memory_space<semaphore_mem>>)
      %dma_wait3A = tpu.memref_slice %arg2[%mul3A_4] : memref<100352xf32, #tpu.memory_space<hbm>> -> memref<3136xf32, #tpu.memory_space<hbm>>
      %dma_wait3A_12 = tpu.memref_slice %arg2[%mul3A_4] : memref<100352xf32, #tpu.memory_space<hbm>> -> memref<3136xf32, #tpu.memory_space<hbm>>
      tpu.wait_dma2 semaphore(%run_scoped3A : memref<!tpu.dma_semaphore, #tpu.memory_space<semaphore_mem>>) src(%dma_wait3A_12 : memref<3136xf32, #tpu.memory_space<hbm>>) dst(%arg6 : memref<3136xf32, #tpu.memory_space<vmem>>)
      tpu.yield
    }) : () -> ()
    "tpu.region"() ({
      %run_scoped3A = tpu.sem_alloc : memref<!tpu.dma_semaphore, #tpu.memory_space<semaphore_mem>>
      %dma_start3A = tpu.memref_slice %arg3[%multiple_of3A] : memref<50176xi32, #tpu.memory_space<hbm>> -> memref<1568xi32, #tpu.memory_space<hbm>>
      %dma_start3A_11 = tpu.memref_slice %arg3[%multiple_of3A] : memref<50176xi32, #tpu.memory_space<hbm>> -> memref<1568xi32, #tpu.memory_space<hbm>>
      tpu.enqueue_dma source(%dma_start3A_11 : memref<1568xi32, #tpu.memory_space<hbm>>) target(%arg7 : memref<1568xi32, #tpu.memory_space<vmem>>) target_semaphore(%run_scoped3A : memref<!tpu.dma_semaphore, #tpu.memory_space<semaphore_mem>>)
      %dma_wait3A = tpu.memref_slice %arg3[%multiple_of3A] : memref<50176xi32, #tpu.memory_space<hbm>> -> memref<1568xi32, #tpu.memory_space<hbm>>
      %dma_wait3A_12 = tpu.memref_slice %arg3[%multiple_of3A] : memref<50176xi32, #tpu.memory_space<hbm>> -> memref<1568xi32, #tpu.memory_space<hbm>>
      tpu.wait_dma2 semaphore(%run_scoped3A : memref<!tpu.dma_semaphore, #tpu.memory_space<semaphore_mem>>) src(%dma_wait3A_12 : memref<1568xi32, #tpu.memory_space<hbm>>) dst(%arg7 : memref<1568xi32, #tpu.memory_space<vmem>>)
      tpu.yield
    }) : () -> ()
    "tpu.region"() ({
      %run_scoped3A = tpu.sem_alloc : memref<!tpu.dma_semaphore, #tpu.memory_space<semaphore_mem>>
      tpu.enqueue_dma source(%arg4 : memref<128x8xf32, #tpu.memory_space<hbm>>) target(%arg8 : memref<128x8xf32, #tpu.memory_space<vmem>>) target_semaphore(%run_scoped3A : memref<!tpu.dma_semaphore, #tpu.memory_space<semaphore_mem>>)
      tpu.wait_dma2 semaphore(%run_scoped3A : memref<!tpu.dma_semaphore, #tpu.memory_space<semaphore_mem>>) src(%arg4 : memref<128x8xf32, #tpu.memory_space<hbm>>) dst(%arg8 : memref<128x8xf32, #tpu.memory_space<vmem>>)
      tpu.yield
    }) : () -> ()
    %iota3A = tpu.iota {dimensions = array<i32: 0>} : vector<16xi32>
    %broadcast_in_dim3A = arith.constant 0.000000e+00 : f32
    %broadcast_in_dim3A_5 = vector.broadcast %broadcast_in_dim3A : f32 to vector<16xf32>
    %scan3A = arith.constant 0 : i32
    %scan3A_6 = arith.constant 0 : i32
    %scan3A_7 = arith.constant 98 : i32
    %scan3A_8 = arith.addi %scan3A_6, %scan3A_7 : i32
    %scan3A_9 = arith.constant 1 : i32
    scf.for %scan3A_11 = %scan3A_6 to %scan3A_8 step %scan3A_9  : i32 {
      %mul3A_12 = arith.constant 16 : i32
      %mul3A_13 = arith.muli %scan3A_11, %mul3A_12 : i32
      %add3A_14 = vector.broadcast %mul3A_13 : i32 to vector<16xi32>
      %add3A_15 = arith.addi %add3A_14, %iota3A : vector<16xi32>
      %mul3A_16 = arith.constant 16 : i32
      %mul3A_17 = arith.muli %scan3A_11, %mul3A_16 : i32
      %get3A = arith.index_cast %mul3A_17 : i32 to index
      %get3A_18 = tpu.vector_load %arg7[%get3A] {strides = array<i32>} : memref<1568xi32, #tpu.memory_space<vmem>>, vector<16xi32>,
      %broadcast_in_dim3A_19 = arith.constant 0 : i32
      %broadcast_in_dim3A_20 = vector.broadcast %broadcast_in_dim3A_19 : i32 to vector<16xi32>
      %mul3A_21 = arith.constant 2 : i32
      %mul3A_22 = vector.broadcast %mul3A_21 : i32 to vector<16xi32>
      %mul3A_23 = arith.muli %add3A_15, %mul3A_22 : vector<16xi32>
      %add3A_24 = arith.constant 0 : i32
      %add3A_25 = vector.broadcast %add3A_24 : i32 to vector<16xi32>
      %add3A_26 = arith.addi %mul3A_23, %add3A_25 : vector<16xi32>
      %gather3A = tpu.vector_load_idx %arg6[%add3A_26] : memref<3136xf32, #tpu.memory_space<vmem>>[vector<16xi32>], vector<16xf32>,
      tpu.vector_store_idx %arg9[%add3A_15, %broadcast_in_dim3A_20], %gather3A : memref<1568x16xf32, #tpu.memory_space<vmem>>[vector<16xi32>, vector<16xi32>], vector<16xf32>,
      %broadcast_in_dim3A_27 = arith.constant 1 : i32
      %broadcast_in_dim3A_28 = vector.broadcast %broadcast_in_dim3A_27 : i32 to vector<16xi32>
      %mul3A_29 = arith.constant 2 : i32
      %mul3A_30 = vector.broadcast %mul3A_29 : i32 to vector<16xi32>
      %mul3A_31 = arith.muli %add3A_15, %mul3A_30 : vector<16xi32>
      %add3A_32 = arith.constant 1 : i32
      %add3A_33 = vector.broadcast %add3A_32 : i32 to vector<16xi32>
      %add3A_34 = arith.addi %mul3A_31, %add3A_33 : vector<16xi32>
      %gather3A_35 = tpu.vector_load_idx %arg6[%add3A_34] : memref<3136xf32, #tpu.memory_space<vmem>>[vector<16xi32>], vector<16xf32>,
      tpu.vector_store_idx %arg9[%add3A_15, %broadcast_in_dim3A_28], %gather3A_35 : memref<1568x16xf32, #tpu.memory_space<vmem>>[vector<16xi32>, vector<16xi32>], vector<16xf32>,
      %broadcast_in_dim3A_36 = arith.constant 0 : i32
      %broadcast_in_dim3A_37 = vector.broadcast %broadcast_in_dim3A_36 : i32 to vector<16xi32>
      %gather3A_38 = tpu.vector_load_idx %arg8[%get3A_18, %broadcast_in_dim3A_37] : memref<128x8xf32, #tpu.memory_space<vmem>>[vector<16xi32>, vector<16xi32>], vector<16xf32>,
      %broadcast_in_dim3A_39 = arith.constant 2 : i32
      %broadcast_in_dim3A_40 = vector.broadcast %broadcast_in_dim3A_39 : i32 to vector<16xi32>
      tpu.vector_store_idx %arg9[%add3A_15, %broadcast_in_dim3A_40], %gather3A_38 : memref<1568x16xf32, #tpu.memory_space<vmem>>[vector<16xi32>, vector<16xi32>], vector<16xf32>,
      %broadcast_in_dim3A_41 = arith.constant 1 : i32
      %broadcast_in_dim3A_42 = vector.broadcast %broadcast_in_dim3A_41 : i32 to vector<16xi32>
      %gather3A_43 = tpu.vector_load_idx %arg8[%get3A_18, %broadcast_in_dim3A_42] : memref<128x8xf32, #tpu.memory_space<vmem>>[vector<16xi32>, vector<16xi32>], vector<16xf32>,
      %broadcast_in_dim3A_44 = arith.constant 3 : i32
      %broadcast_in_dim3A_45 = vector.broadcast %broadcast_in_dim3A_44 : i32 to vector<16xi32>
      tpu.vector_store_idx %arg9[%add3A_15, %broadcast_in_dim3A_45], %gather3A_43 : memref<1568x16xf32, #tpu.memory_space<vmem>>[vector<16xi32>, vector<16xi32>], vector<16xf32>,
      %broadcast_in_dim3A_46 = arith.constant 2 : i32
      %broadcast_in_dim3A_47 = vector.broadcast %broadcast_in_dim3A_46 : i32 to vector<16xi32>
      %gather3A_48 = tpu.vector_load_idx %arg8[%get3A_18, %broadcast_in_dim3A_47] : memref<128x8xf32, #tpu.memory_space<vmem>>[vector<16xi32>, vector<16xi32>], vector<16xf32>,
      %broadcast_in_dim3A_49 = arith.constant 4 : i32
      %broadcast_in_dim3A_50 = vector.broadcast %broadcast_in_dim3A_49 : i32 to vector<16xi32>
      tpu.vector_store_idx %arg9[%add3A_15, %broadcast_in_dim3A_50], %gather3A_48 : memref<1568x16xf32, #tpu.memory_space<vmem>>[vector<16xi32>, vector<16xi32>], vector<16xf32>,
      %broadcast_in_dim3A_51 = arith.constant 3 : i32
      %broadcast_in_dim3A_52 = vector.broadcast %broadcast_in_dim3A_51 : i32 to vector<16xi32>
      %gather3A_53 = tpu.vector_load_idx %arg8[%get3A_18, %broadcast_in_dim3A_52] : memref<128x8xf32, #tpu.memory_space<vmem>>[vector<16xi32>, vector<16xi32>], vector<16xf32>,
      %broadcast_in_dim3A_54 = arith.constant 5 : i32
      %broadcast_in_dim3A_55 = vector.broadcast %broadcast_in_dim3A_54 : i32 to vector<16xi32>
      tpu.vector_store_idx %arg9[%add3A_15, %broadcast_in_dim3A_55], %gather3A_53 : memref<1568x16xf32, #tpu.memory_space<vmem>>[vector<16xi32>, vector<16xi32>], vector<16xf32>,
      %broadcast_in_dim3A_56 = arith.constant 4 : i32
      %broadcast_in_dim3A_57 = vector.broadcast %broadcast_in_dim3A_56 : i32 to vector<16xi32>
      %gather3A_58 = tpu.vector_load_idx %arg8[%get3A_18, %broadcast_in_dim3A_57] : memref<128x8xf32, #tpu.memory_space<vmem>>[vector<16xi32>, vector<16xi32>], vector<16xf32>,
      %broadcast_in_dim3A_59 = arith.constant 6 : i32
      %broadcast_in_dim3A_60 = vector.broadcast %broadcast_in_dim3A_59 : i32 to vector<16xi32>
      tpu.vector_store_idx %arg9[%add3A_15, %broadcast_in_dim3A_60], %gather3A_58 : memref<1568x16xf32, #tpu.memory_space<vmem>>[vector<16xi32>, vector<16xi32>], vector<16xf32>,
      %broadcast_in_dim3A_61 = arith.constant 5 : i32
      %broadcast_in_dim3A_62 = vector.broadcast %broadcast_in_dim3A_61 : i32 to vector<16xi32>
      %gather3A_63 = tpu.vector_load_idx %arg8[%get3A_18, %broadcast_in_dim3A_62] : memref<128x8xf32, #tpu.memory_space<vmem>>[vector<16xi32>, vector<16xi32>], vector<16xf32>,
      %broadcast_in_dim3A_64 = arith.constant 7 : i32
      %broadcast_in_dim3A_65 = vector.broadcast %broadcast_in_dim3A_64 : i32 to vector<16xi32>
      tpu.vector_store_idx %arg9[%add3A_15, %broadcast_in_dim3A_65], %gather3A_63 : memref<1568x16xf32, #tpu.memory_space<vmem>>[vector<16xi32>, vector<16xi32>], vector<16xf32>,
      %broadcast_in_dim3A_66 = arith.constant 6 : i32
      %broadcast_in_dim3A_67 = vector.broadcast %broadcast_in_dim3A_66 : i32 to vector<16xi32>
      %gather3A_68 = tpu.vector_load_idx %arg8[%get3A_18, %broadcast_in_dim3A_67] : memref<128x8xf32, #tpu.memory_space<vmem>>[vector<16xi32>, vector<16xi32>], vector<16xf32>,
      %broadcast_in_dim3A_69 = arith.constant 8 : i32
      %broadcast_in_dim3A_70 = vector.broadcast %broadcast_in_dim3A_69 : i32 to vector<16xi32>
      tpu.vector_store_idx %arg9[%add3A_15, %broadcast_in_dim3A_70], %gather3A_68 : memref<1568x16xf32, #tpu.memory_space<vmem>>[vector<16xi32>, vector<16xi32>], vector<16xf32>,
      %broadcast_in_dim3A_71 = arith.constant 7 : i32
      %broadcast_in_dim3A_72 = vector.broadcast %broadcast_in_dim3A_71 : i32 to vector<16xi32>
      %gather3A_73 = tpu.vector_load_idx %arg8[%get3A_18, %broadcast_in_dim3A_72] : memref<128x8xf32, #tpu.memory_space<vmem>>[vector<16xi32>, vector<16xi32>], vector<16xf32>,
      %broadcast_in_dim3A_74 = arith.constant 9 : i32
      %broadcast_in_dim3A_75 = vector.broadcast %broadcast_in_dim3A_74 : i32 to vector<16xi32>
      tpu.vector_store_idx %arg9[%add3A_15, %broadcast_in_dim3A_75], %gather3A_73 : memref<1568x16xf32, #tpu.memory_space<vmem>>[vector<16xi32>, vector<16xi32>], vector<16xf32>,
      %broadcast_in_dim3A_76 = arith.constant 10 : i32
      %broadcast_in_dim3A_77 = vector.broadcast %broadcast_in_dim3A_76 : i32 to vector<16xi32>
      tpu.vector_store_idx %arg9[%add3A_15, %broadcast_in_dim3A_77], %broadcast_in_dim3A_5 : memref<1568x16xf32, #tpu.memory_space<vmem>>[vector<16xi32>, vector<16xi32>], vector<16xf32>,
      %broadcast_in_dim3A_78 = arith.constant 11 : i32
      %broadcast_in_dim3A_79 = vector.broadcast %broadcast_in_dim3A_78 : i32 to vector<16xi32>
      tpu.vector_store_idx %arg9[%add3A_15, %broadcast_in_dim3A_79], %broadcast_in_dim3A_5 : memref<1568x16xf32, #tpu.memory_space<vmem>>[vector<16xi32>, vector<16xi32>], vector<16xf32>,
      %broadcast_in_dim3A_80 = arith.constant 12 : i32
      %broadcast_in_dim3A_81 = vector.broadcast %broadcast_in_dim3A_80 : i32 to vector<16xi32>
      tpu.vector_store_idx %arg9[%add3A_15, %broadcast_in_dim3A_81], %broadcast_in_dim3A_5 : memref<1568x16xf32, #tpu.memory_space<vmem>>[vector<16xi32>, vector<16xi32>], vector<16xf32>,
      %broadcast_in_dim3A_82 = arith.constant 13 : i32
      %broadcast_in_dim3A_83 = vector.broadcast %broadcast_in_dim3A_82 : i32 to vector<16xi32>
      tpu.vector_store_idx %arg9[%add3A_15, %broadcast_in_dim3A_83], %broadcast_in_dim3A_5 : memref<1568x16xf32, #tpu.memory_space<vmem>>[vector<16xi32>, vector<16xi32>], vector<16xf32>,
      %broadcast_in_dim3A_84 = arith.constant 14 : i32
      %broadcast_in_dim3A_85 = vector.broadcast %broadcast_in_dim3A_84 : i32 to vector<16xi32>
      tpu.vector_store_idx %arg9[%add3A_15, %broadcast_in_dim3A_85], %broadcast_in_dim3A_5 : memref<1568x16xf32, #tpu.memory_space<vmem>>[vector<16xi32>, vector<16xi32>], vector<16xf32>,
      %broadcast_in_dim3A_86 = arith.constant 15 : i32
      %broadcast_in_dim3A_87 = vector.broadcast %broadcast_in_dim3A_86 : i32 to vector<16xi32>
      tpu.vector_store_idx %arg9[%add3A_15, %broadcast_in_dim3A_87], %broadcast_in_dim3A_5 : memref<1568x16xf32, #tpu.memory_space<vmem>>[vector<16xi32>, vector<16xi32>], vector<16xf32>,
    }
    %scan3A_10 = arith.constant 98 : i32
    "tpu.region"() ({
      %run_scoped3A = tpu.sem_alloc : memref<!tpu.dma_semaphore, #tpu.memory_space<semaphore_mem>>
      %dma_start3A = arith.constant 0 : i32
      %dma_start3A_11 = tpu.memref_slice %arg5[%multiple_of3A, %dma_start3A] : memref<50176x16xf32, #tpu.memory_space<hbm>> -> memref<1568x16xf32, #tpu.memory_space<hbm>>
      %dma_start3A_12 = arith.constant 0 : i32
      %dma_start3A_13 = tpu.memref_slice %arg5[%multiple_of3A, %dma_start3A_12] : memref<50176x16xf32, #tpu.memory_space<hbm>> -> memref<1568x16xf32, #tpu.memory_space<hbm>>
      tpu.enqueue_dma source(%arg9 : memref<1568x16xf32, #tpu.memory_space<vmem>>) target(%dma_start3A_13 : memref<1568x16xf32, #tpu.memory_space<hbm>>) target_semaphore(%run_scoped3A : memref<!tpu.dma_semaphore, #tpu.memory_space<semaphore_mem>>)
      %dma_wait3A = arith.constant 0 : i32
      %dma_wait3A_14 = tpu.memref_slice %arg5[%multiple_of3A, %dma_wait3A] : memref<50176x16xf32, #tpu.memory_space<hbm>> -> memref<1568x16xf32, #tpu.memory_space<hbm>>
      %dma_wait3A_15 = arith.constant 0 : i32
      %dma_wait3A_16 = tpu.memref_slice %arg5[%multiple_of3A, %dma_wait3A_15] : memref<50176x16xf32, #tpu.memory_space<hbm>> -> memref<1568x16xf32, #tpu.memory_space<hbm>>
      tpu.wait_dma2 semaphore(%run_scoped3A : memref<!tpu.dma_semaphore, #tpu.memory_space<semaphore_mem>>) src(%arg9 : memref<1568x16xf32, #tpu.memory_space<vmem>>) dst(%dma_wait3A_16 : memref<1568x16xf32, #tpu.memory_space<hbm>>)
      tpu.yield
    }) : () -> ()
    return
  }
}

#map = affine_map<(d0, d1) -> (0, 0)>
#map1 = affine_map<(d0, d1) -> (0)>
#map2 = affine_map<(d0, d1) -> (0, 0, 0)>
module attributes {stable_mosaic.version = 14 : i64} {
  func.func @_edge_body(%arg0: i32, %arg1: i32, %arg2: memref<50176x16xf32, #tpu.memory_space<hbm>>, %arg3: memref<3200000xi32, #tpu.memory_space<hbm>>, %arg4: memref<2x50176x16xf32, #tpu.memory_space<hbm>>, %arg5: memref<128xi32, #tpu.memory_space<vmem>>, %arg6: memref<128xi32, #tpu.memory_space<vmem>>, %arg7: memref<128xi32, #tpu.memory_space<vmem>>, %arg8: memref<128xi32, #tpu.memory_space<vmem>>, %arg9: memref<128xi32, #tpu.memory_space<vmem>>, %arg10: memref<128xi32, #tpu.memory_space<vmem>>, %arg11: memref<128xi32, #tpu.memory_space<vmem>>, %arg12: memref<128xi32, #tpu.memory_space<vmem>>, %arg13: memref<128xi32, #tpu.memory_space<vmem>>, %arg14: memref<128xi32, #tpu.memory_space<vmem>>, %arg15: memref<128xi32, #tpu.memory_space<vmem>>, %arg16: memref<128xi32, #tpu.memory_space<vmem>>, %arg17: memref<128xi32, #tpu.memory_space<vmem>>, %arg18: memref<128xi32, #tpu.memory_space<vmem>>, %arg19: memref<128xi32, #tpu.memory_space<vmem>>, %arg20: memref<128xi32, #tpu.memory_space<vmem>>, %arg21: memref<128xi32, #tpu.memory_space<vmem>>, %arg22: memref<128xi32, #tpu.memory_space<vmem>>, %arg23: memref<128xi32, #tpu.memory_space<vmem>>, %arg24: memref<128xi32, #tpu.memory_space<vmem>>, %arg25: memref<128x16xf32, #tpu.memory_space<vmem>>, %arg26: memref<128x16xf32, #tpu.memory_space<vmem>>, %arg27: memref<128x16xf32, #tpu.memory_space<vmem>>, %arg28: memref<128x16xf32, #tpu.memory_space<vmem>>, %arg29: memref<128x16xf32, #tpu.memory_space<vmem>>, %arg30: memref<128x16xf32, #tpu.memory_space<vmem>>, %arg31: memref<128x16xf32, #tpu.memory_space<vmem>>, %arg32: memref<128x16xf32, #tpu.memory_space<vmem>>, %arg33: memref<128x16xf32, #tpu.memory_space<vmem>>, %arg34: memref<128x16xf32, #tpu.memory_space<vmem>>, %arg35: memref<80xi32, #tpu.memory_space<vmem>>, %arg36: memref<80xi32, #tpu.memory_space<vmem>>, %arg37: memref<80x16xf32, #tpu.memory_space<vmem>>, %arg38: memref<784x16xf32, #tpu.memory_space<vmem>>, %arg39: memref<50176x16xf32, #tpu.memory_space<vmem_shared>>, %arg40: memref<!tpu.dma_semaphore, #tpu.memory_space<semaphore_mem>>, %arg41: memref<!tpu.dma_semaphore, #tpu.memory_space<semaphore_mem>>, %arg42: memref<!tpu.dma_semaphore, #tpu.memory_space<semaphore_mem>>, %arg43: memref<!tpu.dma_semaphore, #tpu.memory_space<semaphore_mem>>, %arg44: memref<!tpu.dma_semaphore, #tpu.memory_space<semaphore_mem>>, %arg45: memref<!tpu.dma_semaphore, #tpu.memory_space<semaphore_mem>>, %arg46: memref<!tpu.dma_semaphore, #tpu.memory_space<semaphore_mem>>, %arg47: memref<!tpu.dma_semaphore, #tpu.memory_space<semaphore_mem>>, %arg48: memref<!tpu.dma_semaphore, #tpu.memory_space<semaphore_mem>>, %arg49: memref<!tpu.dma_semaphore, #tpu.memory_space<semaphore_mem>>, %arg50: memref<!tpu.dma_semaphore, #tpu.memory_space<semaphore_mem>>, %arg51: memref<!tpu.dma_semaphore, #tpu.memory_space<semaphore_mem>>, %arg52: memref<!tpu.dma_semaphore, #tpu.memory_space<semaphore_mem>>, %arg53: memref<!tpu.dma_semaphore, #tpu.memory_space<semaphore_mem>>, %arg54: memref<!tpu.dma_semaphore, #tpu.memory_space<semaphore_mem>>, %arg55: memref<!tpu.dma_semaphore, #tpu.memory_space<semaphore_mem>>, %arg56: memref<!tpu.dma_semaphore, #tpu.memory_space<semaphore_mem>>, %arg57: memref<!tpu.dma_semaphore, #tpu.memory_space<semaphore_mem>>, %arg58: memref<!tpu.dma_semaphore, #tpu.memory_space<semaphore_mem>>, %arg59: memref<!tpu.dma_semaphore, #tpu.memory_space<semaphore_mem>>, %arg60: memref<!tpu.dma_semaphore, #tpu.memory_space<semaphore_mem>>, %arg61: memref<!tpu.dma_semaphore, #tpu.memory_space<semaphore_mem>>, %arg62: memref<!tpu.dma_semaphore, #tpu.memory_space<semaphore_mem>>, %arg63: memref<!tpu.dma_semaphore, #tpu.memory_space<semaphore_mem>>, %arg64: memref<!tpu.dma_semaphore, #tpu.memory_space<semaphore_mem>>, %arg65: memref<!tpu.dma_semaphore, #tpu.memory_space<semaphore_mem>>, %arg66: memref<!tpu.dma_semaphore, #tpu.memory_space<semaphore_mem>>, %arg67: memref<!tpu.dma_semaphore, #tpu.memory_space<semaphore_mem>>, %arg68: memref<!tpu.dma_semaphore, #tpu.memory_space<semaphore_mem>>, %arg69: memref<!tpu.dma_semaphore, #tpu.memory_space<semaphore_mem>>) attributes {dimension_semantics = [#tpu.dimension_semantics<core_parallel>, #tpu.dimension_semantics<subcore_parallel>], iteration_bounds = array<i64: 2, 16>, scalar_prefetch = 0 : i64, scratch_operands = 65 : i64, tpu.core_type = #tpu.core_type<sc_vector_subcore>, window_params = [{transform_indices = #map}, {transform_indices = #map1}, {transform_indices = #map2}]} {
    %mul3A = arith.constant 2 : i32
    %mul3A_0 = arith.muli %arg1, %mul3A : i32
    %add3A = arith.addi %mul3A_0, %arg0 : i32
    %mul3A_1 = arith.constant 3136 : i32
    %mul3A_2 = arith.muli %arg1, %mul3A_1 : i32
    %multiple_of3A = tpu.assume_multiple %mul3A_2, 8 : i32
    %eq3A = arith.constant 0 : i32
    %eq3A_3 = arith.cmpi eq, %arg0, %eq3A : i32
    %convert_element_type3A = arith.extui %eq3A_3 : i1 to i32
    %cond3A = arith.constant 0 : i32
    %cond3A_4 = arith.cmpi ne, %convert_element_type3A, %cond3A : i32
    scf.if %cond3A_4 {
      "tpu.region"() ({
        %run_scoped3A = tpu.sem_alloc : memref<!tpu.dma_semaphore, #tpu.memory_space<semaphore_mem>>
        %dma_start3A_277 = arith.constant 0 : i32
        %dma_start3A_278 = tpu.memref_slice %arg39[%multiple_of3A, %dma_start3A_277] : memref<50176x16xf32, #tpu.memory_space<vmem_shared>> -> memref<3136x16xf32, #tpu.memory_space<vmem_shared>>
        %dma_start3A_279 = arith.constant 0 : i32
        %dma_start3A_280 = tpu.memref_slice %arg2[%multiple_of3A, %dma_start3A_279] : memref<50176x16xf32, #tpu.memory_space<hbm>> -> memref<3136x16xf32, #tpu.memory_space<hbm>>
        tpu.enqueue_dma source(%dma_start3A_280 : memref<3136x16xf32, #tpu.memory_space<hbm>>) target(%dma_start3A_278 : memref<3136x16xf32, #tpu.memory_space<vmem_shared>>) target_semaphore(%run_scoped3A : memref<!tpu.dma_semaphore, #tpu.memory_space<semaphore_mem>>)
        %dma_wait3A_281 = arith.constant 0 : i32
        %dma_wait3A_282 = tpu.memref_slice %arg39[%multiple_of3A, %dma_wait3A_281] : memref<50176x16xf32, #tpu.memory_space<vmem_shared>> -> memref<3136x16xf32, #tpu.memory_space<vmem_shared>>
        %dma_wait3A_283 = arith.constant 0 : i32
        %dma_wait3A_284 = tpu.memref_slice %arg2[%multiple_of3A, %dma_wait3A_283] : memref<50176x16xf32, #tpu.memory_space<hbm>> -> memref<3136x16xf32, #tpu.memory_space<hbm>>
        tpu.wait_dma2 semaphore(%run_scoped3A : memref<!tpu.dma_semaphore, #tpu.memory_space<semaphore_mem>>) src(%dma_wait3A_284 : memref<3136x16xf32, #tpu.memory_space<hbm>>) dst(%dma_wait3A_282 : memref<3136x16xf32, #tpu.memory_space<vmem_shared>>)
        tpu.yield
      }) : () -> ()
    } else {
    }
    %ne3A = arith.constant 0 : i32
    %ne3A_5 = arith.cmpi ne, %arg0, %ne3A : i32
    %convert_element_type3A_6 = arith.extui %ne3A_5 : i1 to i32
    %cond3A_7 = arith.constant 0 : i32
    %cond3A_8 = arith.cmpi ne, %convert_element_type3A_6, %cond3A_7 : i32
    scf.if %cond3A_8 {
      %broadcast_in_dim3A = arith.constant 0.000000e+00 : f32
      %broadcast_in_dim3A_277 = vector.broadcast %broadcast_in_dim3A : f32 to vector<16xf32>
      %scan3A_278 = arith.constant 0 : i32
      %scan3A_279 = arith.constant 0 : i32
      %scan3A_280 = arith.constant 784 : i32
      %scan3A_281 = arith.addi %scan3A_279, %scan3A_280 : i32
      %scan3A_282 = arith.constant 1 : i32
      scf.for %scan3A_292 = %scan3A_279 to %scan3A_281 step %scan3A_282  : i32 {
        %swap3A = arith.index_cast %scan3A_292 : i32 to index
        %swap3A_293 = arith.constant 0 : index
        %swap3A_294 = tpu.vector_load %arg38[%swap3A, %swap3A_293] {strides = array<i32>} : memref<784x16xf32, #tpu.memory_space<vmem>>, vector<1x16xf32>,
        %swap3A_295 = vector.shape_cast %swap3A_294 : vector<1x16xf32> to vector<16xf32>
        %swap3A_296 = vector.shape_cast %broadcast_in_dim3A_277 : vector<16xf32> to vector<1x16xf32>
        tpu.vector_store %arg38[%swap3A, %swap3A_293], %swap3A_296 {strides = array<i32>} : memref<784x16xf32, #tpu.memory_space<vmem>>, vector<1x16xf32>,
      }
      %scan3A_283 = arith.constant 784 : i32
      %add3A_284 = arith.constant 0 : i32
      %add3A_285 = arith.addi %multiple_of3A, %add3A_284 : i32
      "tpu.region"() ({
        %run_scoped3A = tpu.sem_alloc : memref<!tpu.dma_semaphore, #tpu.memory_space<semaphore_mem>>
        %dma_start3A_292 = arith.constant 0 : i32
        %dma_start3A_293 = tpu.memref_slice %arg39[%add3A_285, %dma_start3A_292] : memref<50176x16xf32, #tpu.memory_space<vmem_shared>> -> memref<784x16xf32, #tpu.memory_space<vmem_shared>>
        %dma_start3A_294 = arith.constant 0 : i32
        %dma_start3A_295 = tpu.memref_slice %arg39[%add3A_285, %dma_start3A_294] : memref<50176x16xf32, #tpu.memory_space<vmem_shared>> -> memref<784x16xf32, #tpu.memory_space<vmem_shared>>
        tpu.enqueue_dma source(%arg38 : memref<784x16xf32, #tpu.memory_space<vmem>>) target(%dma_start3A_295 : memref<784x16xf32, #tpu.memory_space<vmem_shared>>) target_semaphore(%run_scoped3A : memref<!tpu.dma_semaphore, #tpu.memory_space<semaphore_mem>>)
        %dma_wait3A_296 = arith.constant 0 : i32
        %dma_wait3A_297 = tpu.memref_slice %arg39[%add3A_285, %dma_wait3A_296] : memref<50176x16xf32, #tpu.memory_space<vmem_shared>> -> memref<784x16xf32, #tpu.memory_space<vmem_shared>>
        %dma_wait3A_298 = arith.constant 0 : i32
        %dma_wait3A_299 = tpu.memref_slice %arg39[%add3A_285, %dma_wait3A_298] : memref<50176x16xf32, #tpu.memory_space<vmem_shared>> -> memref<784x16xf32, #tpu.memory_space<vmem_shared>>
        tpu.wait_dma2 semaphore(%run_scoped3A : memref<!tpu.dma_semaphore, #tpu.memory_space<semaphore_mem>>) src(%arg38 : memref<784x16xf32, #tpu.memory_space<vmem>>) dst(%dma_wait3A_299 : memref<784x16xf32, #tpu.memory_space<vmem_shared>>)
        tpu.yield
      }) : () -> ()
      %add3A_286 = arith.constant 784 : i32
      %add3A_287 = arith.addi %multiple_of3A, %add3A_286 : i32
      "tpu.region"() ({
        %run_scoped3A = tpu.sem_alloc : memref<!tpu.dma_semaphore, #tpu.memory_space<semaphore_mem>>
        %dma_start3A_292 = arith.constant 0 : i32
        %dma_start3A_293 = tpu.memref_slice %arg39[%add3A_287, %dma_start3A_292] : memref<50176x16xf32, #tpu.memory_space<vmem_shared>> -> memref<784x16xf32, #tpu.memory_space<vmem_shared>>
        %dma_start3A_294 = arith.constant 0 : i32
        %dma_start3A_295 = tpu.memref_slice %arg39[%add3A_287, %dma_start3A_294] : memref<50176x16xf32, #tpu.memory_space<vmem_shared>> -> memref<784x16xf32, #tpu.memory_space<vmem_shared>>
        tpu.enqueue_dma source(%arg38 : memref<784x16xf32, #tpu.memory_space<vmem>>) target(%dma_start3A_295 : memref<784x16xf32, #tpu.memory_space<vmem_shared>>) target_semaphore(%run_scoped3A : memref<!tpu.dma_semaphore, #tpu.memory_space<semaphore_mem>>)
        %dma_wait3A_296 = arith.constant 0 : i32
        %dma_wait3A_297 = tpu.memref_slice %arg39[%add3A_287, %dma_wait3A_296] : memref<50176x16xf32, #tpu.memory_space<vmem_shared>> -> memref<784x16xf32, #tpu.memory_space<vmem_shared>>
        %dma_wait3A_298 = arith.constant 0 : i32
        %dma_wait3A_299 = tpu.memref_slice %arg39[%add3A_287, %dma_wait3A_298] : memref<50176x16xf32, #tpu.memory_space<vmem_shared>> -> memref<784x16xf32, #tpu.memory_space<vmem_shared>>
        tpu.wait_dma2 semaphore(%run_scoped3A : memref<!tpu.dma_semaphore, #tpu.memory_space<semaphore_mem>>) src(%arg38 : memref<784x16xf32, #tpu.memory_space<vmem>>) dst(%dma_wait3A_299 : memref<784x16xf32, #tpu.memory_space<vmem_shared>>)
        tpu.yield
      }) : () -> ()
      %add3A_288 = arith.constant 1568 : i32
      %add3A_289 = arith.addi %multiple_of3A, %add3A_288 : i32
      "tpu.region"() ({
        %run_scoped3A = tpu.sem_alloc : memref<!tpu.dma_semaphore, #tpu.memory_space<semaphore_mem>>
        %dma_start3A_292 = arith.constant 0 : i32
        %dma_start3A_293 = tpu.memref_slice %arg39[%add3A_289, %dma_start3A_292] : memref<50176x16xf32, #tpu.memory_space<vmem_shared>> -> memref<784x16xf32, #tpu.memory_space<vmem_shared>>
        %dma_start3A_294 = arith.constant 0 : i32
        %dma_start3A_295 = tpu.memref_slice %arg39[%add3A_289, %dma_start3A_294] : memref<50176x16xf32, #tpu.memory_space<vmem_shared>> -> memref<784x16xf32, #tpu.memory_space<vmem_shared>>
        tpu.enqueue_dma source(%arg38 : memref<784x16xf32, #tpu.memory_space<vmem>>) target(%dma_start3A_295 : memref<784x16xf32, #tpu.memory_space<vmem_shared>>) target_semaphore(%run_scoped3A : memref<!tpu.dma_semaphore, #tpu.memory_space<semaphore_mem>>)
        %dma_wait3A_296 = arith.constant 0 : i32
        %dma_wait3A_297 = tpu.memref_slice %arg39[%add3A_289, %dma_wait3A_296] : memref<50176x16xf32, #tpu.memory_space<vmem_shared>> -> memref<784x16xf32, #tpu.memory_space<vmem_shared>>
        %dma_wait3A_298 = arith.constant 0 : i32
        %dma_wait3A_299 = tpu.memref_slice %arg39[%add3A_289, %dma_wait3A_298] : memref<50176x16xf32, #tpu.memory_space<vmem_shared>> -> memref<784x16xf32, #tpu.memory_space<vmem_shared>>
        tpu.wait_dma2 semaphore(%run_scoped3A : memref<!tpu.dma_semaphore, #tpu.memory_space<semaphore_mem>>) src(%arg38 : memref<784x16xf32, #tpu.memory_space<vmem>>) dst(%dma_wait3A_299 : memref<784x16xf32, #tpu.memory_space<vmem_shared>>)
        tpu.yield
      }) : () -> ()
      %add3A_290 = arith.constant 2352 : i32
      %add3A_291 = arith.addi %multiple_of3A, %add3A_290 : i32
      "tpu.region"() ({
        %run_scoped3A = tpu.sem_alloc : memref<!tpu.dma_semaphore, #tpu.memory_space<semaphore_mem>>
        %dma_start3A_292 = arith.constant 0 : i32
        %dma_start3A_293 = tpu.memref_slice %arg39[%add3A_291, %dma_start3A_292] : memref<50176x16xf32, #tpu.memory_space<vmem_shared>> -> memref<784x16xf32, #tpu.memory_space<vmem_shared>>
        %dma_start3A_294 = arith.constant 0 : i32
        %dma_start3A_295 = tpu.memref_slice %arg39[%add3A_291, %dma_start3A_294] : memref<50176x16xf32, #tpu.memory_space<vmem_shared>> -> memref<784x16xf32, #tpu.memory_space<vmem_shared>>
        tpu.enqueue_dma source(%arg38 : memref<784x16xf32, #tpu.memory_space<vmem>>) target(%dma_start3A_295 : memref<784x16xf32, #tpu.memory_space<vmem_shared>>) target_semaphore(%run_scoped3A : memref<!tpu.dma_semaphore, #tpu.memory_space<semaphore_mem>>)
        %dma_wait3A_296 = arith.constant 0 : i32
        %dma_wait3A_297 = tpu.memref_slice %arg39[%add3A_291, %dma_wait3A_296] : memref<50176x16xf32, #tpu.memory_space<vmem_shared>> -> memref<784x16xf32, #tpu.memory_space<vmem_shared>>
        %dma_wait3A_298 = arith.constant 0 : i32
        %dma_wait3A_299 = tpu.memref_slice %arg39[%add3A_291, %dma_wait3A_298] : memref<50176x16xf32, #tpu.memory_space<vmem_shared>> -> memref<784x16xf32, #tpu.memory_space<vmem_shared>>
        tpu.wait_dma2 semaphore(%run_scoped3A : memref<!tpu.dma_semaphore, #tpu.memory_space<semaphore_mem>>) src(%arg38 : memref<784x16xf32, #tpu.memory_space<vmem>>) dst(%dma_wait3A_299 : memref<784x16xf32, #tpu.memory_space<vmem_shared>>)
        tpu.yield
      }) : () -> ()
    } else {
    }
    %barrier3A = arith.constant 0 : index
    tpu.barrier barrier_id(%barrier3A)
    %mul3A_9 = arith.constant 50000 : i32
    %mul3A_10 = arith.muli %add3A, %mul3A_9 : i32
    %multiple_of3A_11 = tpu.assume_multiple %mul3A_10, 8 : i32
    %add3A_12 = arith.constant 0 : i32
    %add3A_13 = arith.addi %multiple_of3A_11, %add3A_12 : i32
    %multiple_of3A_14 = tpu.assume_multiple %add3A_13, 8 : i32
    %dma_start3A = tpu.memref_slice %arg3[%multiple_of3A_14] : memref<3200000xi32, #tpu.memory_space<hbm>> -> memref<128xi32, #tpu.memory_space<hbm>>
    %dma_start3A_15 = tpu.memref_slice %arg3[%multiple_of3A_14] : memref<3200000xi32, #tpu.memory_space<hbm>> -> memref<128xi32, #tpu.memory_space<hbm>>
    tpu.enqueue_dma source(%dma_start3A_15 : memref<128xi32, #tpu.memory_space<hbm>>) target(%arg5 : memref<128xi32, #tpu.memory_space<vmem>>) target_semaphore(%arg50 : memref<!tpu.dma_semaphore, #tpu.memory_space<semaphore_mem>>)
    %add3A_16 = arith.constant 1600000 : i32
    %add3A_17 = arith.addi %add3A_16, %multiple_of3A_14 : i32
    %dma_start3A_18 = tpu.memref_slice %arg3[%add3A_17] : memref<3200000xi32, #tpu.memory_space<hbm>> -> memref<128xi32, #tpu.memory_space<hbm>>
    %dma_start3A_19 = tpu.memref_slice %arg3[%add3A_17] : memref<3200000xi32, #tpu.memory_space<hbm>> -> memref<128xi32, #tpu.memory_space<hbm>>
    tpu.enqueue_dma source(%dma_start3A_19 : memref<128xi32, #tpu.memory_space<hbm>>) target(%arg15 : memref<128xi32, #tpu.memory_space<vmem>>) target_semaphore(%arg50 : memref<!tpu.dma_semaphore, #tpu.memory_space<semaphore_mem>>)
    %dma_wait3A = tpu.memref_slice %arg3[%multiple_of3A_14] : memref<3200000xi32, #tpu.memory_space<hbm>> -> memref<128xi32, #tpu.memory_space<hbm>>
    %dma_wait3A_20 = tpu.memref_slice %arg3[%multiple_of3A_14] : memref<3200000xi32, #tpu.memory_space<hbm>> -> memref<128xi32, #tpu.memory_space<hbm>>
    tpu.wait_dma2 semaphore(%arg50 : memref<!tpu.dma_semaphore, #tpu.memory_space<semaphore_mem>>) src(%dma_wait3A_20 : memref<128xi32, #tpu.memory_space<hbm>>) dst(%arg5 : memref<128xi32, #tpu.memory_space<vmem>>)
    %dma_wait3A_21 = tpu.memref_slice %arg3[%add3A_17] : memref<3200000xi32, #tpu.memory_space<hbm>> -> memref<128xi32, #tpu.memory_space<hbm>>
    %dma_wait3A_22 = tpu.memref_slice %arg3[%add3A_17] : memref<3200000xi32, #tpu.memory_space<hbm>> -> memref<128xi32, #tpu.memory_space<hbm>>
    tpu.wait_dma2 semaphore(%arg50 : memref<!tpu.dma_semaphore, #tpu.memory_space<semaphore_mem>>) src(%dma_wait3A_22 : memref<128xi32, #tpu.memory_space<hbm>>) dst(%arg15 : memref<128xi32, #tpu.memory_space<vmem>>)
    %add3A_23 = arith.constant 128 : i32
    %add3A_24 = arith.addi %multiple_of3A_11, %add3A_23 : i32
    %multiple_of3A_25 = tpu.assume_multiple %add3A_24, 8 : i32
    %dma_start3A_26 = tpu.memref_slice %arg3[%multiple_of3A_25] : memref<3200000xi32, #tpu.memory_space<hbm>> -> memref<128xi32, #tpu.memory_space<hbm>>
    %dma_start3A_27 = tpu.memref_slice %arg3[%multiple_of3A_25] : memref<3200000xi32, #tpu.memory_space<hbm>> -> memref<128xi32, #tpu.memory_space<hbm>>
    tpu.enqueue_dma source(%dma_start3A_27 : memref<128xi32, #tpu.memory_space<hbm>>) target(%arg6 : memref<128xi32, #tpu.memory_space<vmem>>) target_semaphore(%arg51 : memref<!tpu.dma_semaphore, #tpu.memory_space<semaphore_mem>>)
    %add3A_28 = arith.constant 1600000 : i32
    %add3A_29 = arith.addi %add3A_28, %multiple_of3A_25 : i32
    %dma_start3A_30 = tpu.memref_slice %arg3[%add3A_29] : memref<3200000xi32, #tpu.memory_space<hbm>> -> memref<128xi32, #tpu.memory_space<hbm>>
    %dma_start3A_31 = tpu.memref_slice %arg3[%add3A_29] : memref<3200000xi32, #tpu.memory_space<hbm>> -> memref<128xi32, #tpu.memory_space<hbm>>
    tpu.enqueue_dma source(%dma_start3A_31 : memref<128xi32, #tpu.memory_space<hbm>>) target(%arg16 : memref<128xi32, #tpu.memory_space<vmem>>) target_semaphore(%arg51 : memref<!tpu.dma_semaphore, #tpu.memory_space<semaphore_mem>>)
    %dma_wait3A_32 = tpu.memref_slice %arg3[%multiple_of3A_25] : memref<3200000xi32, #tpu.memory_space<hbm>> -> memref<128xi32, #tpu.memory_space<hbm>>
    %dma_wait3A_33 = tpu.memref_slice %arg3[%multiple_of3A_25] : memref<3200000xi32, #tpu.memory_space<hbm>> -> memref<128xi32, #tpu.memory_space<hbm>>
    tpu.wait_dma2 semaphore(%arg51 : memref<!tpu.dma_semaphore, #tpu.memory_space<semaphore_mem>>) src(%dma_wait3A_33 : memref<128xi32, #tpu.memory_space<hbm>>) dst(%arg6 : memref<128xi32, #tpu.memory_space<vmem>>)
    %dma_wait3A_34 = tpu.memref_slice %arg3[%add3A_29] : memref<3200000xi32, #tpu.memory_space<hbm>> -> memref<128xi32, #tpu.memory_space<hbm>>
    %dma_wait3A_35 = tpu.memref_slice %arg3[%add3A_29] : memref<3200000xi32, #tpu.memory_space<hbm>> -> memref<128xi32, #tpu.memory_space<hbm>>
    tpu.wait_dma2 semaphore(%arg51 : memref<!tpu.dma_semaphore, #tpu.memory_space<semaphore_mem>>) src(%dma_wait3A_35 : memref<128xi32, #tpu.memory_space<hbm>>) dst(%arg16 : memref<128xi32, #tpu.memory_space<vmem>>)
    %add3A_36 = arith.constant 256 : i32
    %add3A_37 = arith.addi %multiple_of3A_11, %add3A_36 : i32
    %multiple_of3A_38 = tpu.assume_multiple %add3A_37, 8 : i32
    %dma_start3A_39 = tpu.memref_slice %arg3[%multiple_of3A_38] : memref<3200000xi32, #tpu.memory_space<hbm>> -> memref<128xi32, #tpu.memory_space<hbm>>
    %dma_start3A_40 = tpu.memref_slice %arg3[%multiple_of3A_38] : memref<3200000xi32, #tpu.memory_space<hbm>> -> memref<128xi32, #tpu.memory_space<hbm>>
    tpu.enqueue_dma source(%dma_start3A_40 : memref<128xi32, #tpu.memory_space<hbm>>) target(%arg7 : memref<128xi32, #tpu.memory_space<vmem>>) target_semaphore(%arg52 : memref<!tpu.dma_semaphore, #tpu.memory_space<semaphore_mem>>)
    %add3A_41 = arith.constant 1600000 : i32
    %add3A_42 = arith.addi %add3A_41, %multiple_of3A_38 : i32
    %dma_start3A_43 = tpu.memref_slice %arg3[%add3A_42] : memref<3200000xi32, #tpu.memory_space<hbm>> -> memref<128xi32, #tpu.memory_space<hbm>>
    %dma_start3A_44 = tpu.memref_slice %arg3[%add3A_42] : memref<3200000xi32, #tpu.memory_space<hbm>> -> memref<128xi32, #tpu.memory_space<hbm>>
    tpu.enqueue_dma source(%dma_start3A_44 : memref<128xi32, #tpu.memory_space<hbm>>) target(%arg17 : memref<128xi32, #tpu.memory_space<vmem>>) target_semaphore(%arg52 : memref<!tpu.dma_semaphore, #tpu.memory_space<semaphore_mem>>)
    %dma_wait3A_45 = tpu.memref_slice %arg3[%multiple_of3A_38] : memref<3200000xi32, #tpu.memory_space<hbm>> -> memref<128xi32, #tpu.memory_space<hbm>>
    %dma_wait3A_46 = tpu.memref_slice %arg3[%multiple_of3A_38] : memref<3200000xi32, #tpu.memory_space<hbm>> -> memref<128xi32, #tpu.memory_space<hbm>>
    tpu.wait_dma2 semaphore(%arg52 : memref<!tpu.dma_semaphore, #tpu.memory_space<semaphore_mem>>) src(%dma_wait3A_46 : memref<128xi32, #tpu.memory_space<hbm>>) dst(%arg7 : memref<128xi32, #tpu.memory_space<vmem>>)
    %dma_wait3A_47 = tpu.memref_slice %arg3[%add3A_42] : memref<3200000xi32, #tpu.memory_space<hbm>> -> memref<128xi32, #tpu.memory_space<hbm>>
    %dma_wait3A_48 = tpu.memref_slice %arg3[%add3A_42] : memref<3200000xi32, #tpu.memory_space<hbm>> -> memref<128xi32, #tpu.memory_space<hbm>>
    tpu.wait_dma2 semaphore(%arg52 : memref<!tpu.dma_semaphore, #tpu.memory_space<semaphore_mem>>) src(%dma_wait3A_48 : memref<128xi32, #tpu.memory_space<hbm>>) dst(%arg17 : memref<128xi32, #tpu.memory_space<vmem>>)
    %add3A_49 = arith.constant 384 : i32
    %add3A_50 = arith.addi %multiple_of3A_11, %add3A_49 : i32
    %multiple_of3A_51 = tpu.assume_multiple %add3A_50, 8 : i32
    %dma_start3A_52 = tpu.memref_slice %arg3[%multiple_of3A_51] : memref<3200000xi32, #tpu.memory_space<hbm>> -> memref<128xi32, #tpu.memory_space<hbm>>
    %dma_start3A_53 = tpu.memref_slice %arg3[%multiple_of3A_51] : memref<3200000xi32, #tpu.memory_space<hbm>> -> memref<128xi32, #tpu.memory_space<hbm>>
    tpu.enqueue_dma source(%dma_start3A_53 : memref<128xi32, #tpu.memory_space<hbm>>) target(%arg8 : memref<128xi32, #tpu.memory_space<vmem>>) target_semaphore(%arg53 : memref<!tpu.dma_semaphore, #tpu.memory_space<semaphore_mem>>)
    %add3A_54 = arith.constant 1600000 : i32
    %add3A_55 = arith.addi %add3A_54, %multiple_of3A_51 : i32
    %dma_start3A_56 = tpu.memref_slice %arg3[%add3A_55] : memref<3200000xi32, #tpu.memory_space<hbm>> -> memref<128xi32, #tpu.memory_space<hbm>>
    %dma_start3A_57 = tpu.memref_slice %arg3[%add3A_55] : memref<3200000xi32, #tpu.memory_space<hbm>> -> memref<128xi32, #tpu.memory_space<hbm>>
    tpu.enqueue_dma source(%dma_start3A_57 : memref<128xi32, #tpu.memory_space<hbm>>) target(%arg18 : memref<128xi32, #tpu.memory_space<vmem>>) target_semaphore(%arg53 : memref<!tpu.dma_semaphore, #tpu.memory_space<semaphore_mem>>)
    %dma_wait3A_58 = tpu.memref_slice %arg3[%multiple_of3A_51] : memref<3200000xi32, #tpu.memory_space<hbm>> -> memref<128xi32, #tpu.memory_space<hbm>>
    %dma_wait3A_59 = tpu.memref_slice %arg3[%multiple_of3A_51] : memref<3200000xi32, #tpu.memory_space<hbm>> -> memref<128xi32, #tpu.memory_space<hbm>>
    tpu.wait_dma2 semaphore(%arg53 : memref<!tpu.dma_semaphore, #tpu.memory_space<semaphore_mem>>) src(%dma_wait3A_59 : memref<128xi32, #tpu.memory_space<hbm>>) dst(%arg8 : memref<128xi32, #tpu.memory_space<vmem>>)
    %dma_wait3A_60 = tpu.memref_slice %arg3[%add3A_55] : memref<3200000xi32, #tpu.memory_space<hbm>> -> memref<128xi32, #tpu.memory_space<hbm>>
    %dma_wait3A_61 = tpu.memref_slice %arg3[%add3A_55] : memref<3200000xi32, #tpu.memory_space<hbm>> -> memref<128xi32, #tpu.memory_space<hbm>>
    tpu.wait_dma2 semaphore(%arg53 : memref<!tpu.dma_semaphore, #tpu.memory_space<semaphore_mem>>) src(%dma_wait3A_61 : memref<128xi32, #tpu.memory_space<hbm>>) dst(%arg18 : memref<128xi32, #tpu.memory_space<vmem>>)
    %add3A_62 = arith.constant 512 : i32
    %add3A_63 = arith.addi %multiple_of3A_11, %add3A_62 : i32
    %multiple_of3A_64 = tpu.assume_multiple %add3A_63, 8 : i32
    %dma_start3A_65 = tpu.memref_slice %arg3[%multiple_of3A_64] : memref<3200000xi32, #tpu.memory_space<hbm>> -> memref<128xi32, #tpu.memory_space<hbm>>
    %dma_start3A_66 = tpu.memref_slice %arg3[%multiple_of3A_64] : memref<3200000xi32, #tpu.memory_space<hbm>> -> memref<128xi32, #tpu.memory_space<hbm>>
    tpu.enqueue_dma source(%dma_start3A_66 : memref<128xi32, #tpu.memory_space<hbm>>) target(%arg9 : memref<128xi32, #tpu.memory_space<vmem>>) target_semaphore(%arg54 : memref<!tpu.dma_semaphore, #tpu.memory_space<semaphore_mem>>)
    %add3A_67 = arith.constant 1600000 : i32
    %add3A_68 = arith.addi %add3A_67, %multiple_of3A_64 : i32
    %dma_start3A_69 = tpu.memref_slice %arg3[%add3A_68] : memref<3200000xi32, #tpu.memory_space<hbm>> -> memref<128xi32, #tpu.memory_space<hbm>>
    %dma_start3A_70 = tpu.memref_slice %arg3[%add3A_68] : memref<3200000xi32, #tpu.memory_space<hbm>> -> memref<128xi32, #tpu.memory_space<hbm>>
    tpu.enqueue_dma source(%dma_start3A_70 : memref<128xi32, #tpu.memory_space<hbm>>) target(%arg19 : memref<128xi32, #tpu.memory_space<vmem>>) target_semaphore(%arg54 : memref<!tpu.dma_semaphore, #tpu.memory_space<semaphore_mem>>)
    %dma_wait3A_71 = tpu.memref_slice %arg3[%multiple_of3A_64] : memref<3200000xi32, #tpu.memory_space<hbm>> -> memref<128xi32, #tpu.memory_space<hbm>>
    %dma_wait3A_72 = tpu.memref_slice %arg3[%multiple_of3A_64] : memref<3200000xi32, #tpu.memory_space<hbm>> -> memref<128xi32, #tpu.memory_space<hbm>>
    tpu.wait_dma2 semaphore(%arg54 : memref<!tpu.dma_semaphore, #tpu.memory_space<semaphore_mem>>) src(%dma_wait3A_72 : memref<128xi32, #tpu.memory_space<hbm>>) dst(%arg9 : memref<128xi32, #tpu.memory_space<vmem>>)
    %dma_wait3A_73 = tpu.memref_slice %arg3[%add3A_68] : memref<3200000xi32, #tpu.memory_space<hbm>> -> memref<128xi32, #tpu.memory_space<hbm>>
    %dma_wait3A_74 = tpu.memref_slice %arg3[%add3A_68] : memref<3200000xi32, #tpu.memory_space<hbm>> -> memref<128xi32, #tpu.memory_space<hbm>>
    tpu.wait_dma2 semaphore(%arg54 : memref<!tpu.dma_semaphore, #tpu.memory_space<semaphore_mem>>) src(%dma_wait3A_74 : memref<128xi32, #tpu.memory_space<hbm>>) dst(%arg19 : memref<128xi32, #tpu.memory_space<vmem>>)
    %add3A_75 = arith.constant 640 : i32
    %add3A_76 = arith.addi %multiple_of3A_11, %add3A_75 : i32
    %multiple_of3A_77 = tpu.assume_multiple %add3A_76, 8 : i32
    %dma_start3A_78 = tpu.memref_slice %arg3[%multiple_of3A_77] : memref<3200000xi32, #tpu.memory_space<hbm>> -> memref<128xi32, #tpu.memory_space<hbm>>
    %dma_start3A_79 = tpu.memref_slice %arg3[%multiple_of3A_77] : memref<3200000xi32, #tpu.memory_space<hbm>> -> memref<128xi32, #tpu.memory_space<hbm>>
    tpu.enqueue_dma source(%dma_start3A_79 : memref<128xi32, #tpu.memory_space<hbm>>) target(%arg10 : memref<128xi32, #tpu.memory_space<vmem>>) target_semaphore(%arg55 : memref<!tpu.dma_semaphore, #tpu.memory_space<semaphore_mem>>)
    %add3A_80 = arith.constant 1600000 : i32
    %add3A_81 = arith.addi %add3A_80, %multiple_of3A_77 : i32
    %dma_start3A_82 = tpu.memref_slice %arg3[%add3A_81] : memref<3200000xi32, #tpu.memory_space<hbm>> -> memref<128xi32, #tpu.memory_space<hbm>>
    %dma_start3A_83 = tpu.memref_slice %arg3[%add3A_81] : memref<3200000xi32, #tpu.memory_space<hbm>> -> memref<128xi32, #tpu.memory_space<hbm>>
    tpu.enqueue_dma source(%dma_start3A_83 : memref<128xi32, #tpu.memory_space<hbm>>) target(%arg20 : memref<128xi32, #tpu.memory_space<vmem>>) target_semaphore(%arg55 : memref<!tpu.dma_semaphore, #tpu.memory_space<semaphore_mem>>)
    %dma_wait3A_84 = tpu.memref_slice %arg3[%multiple_of3A_77] : memref<3200000xi32, #tpu.memory_space<hbm>> -> memref<128xi32, #tpu.memory_space<hbm>>
    %dma_wait3A_85 = tpu.memref_slice %arg3[%multiple_of3A_77] : memref<3200000xi32, #tpu.memory_space<hbm>> -> memref<128xi32, #tpu.memory_space<hbm>>
    tpu.wait_dma2 semaphore(%arg55 : memref<!tpu.dma_semaphore, #tpu.memory_space<semaphore_mem>>) src(%dma_wait3A_85 : memref<128xi32, #tpu.memory_space<hbm>>) dst(%arg10 : memref<128xi32, #tpu.memory_space<vmem>>)
    %dma_wait3A_86 = tpu.memref_slice %arg3[%add3A_81] : memref<3200000xi32, #tpu.memory_space<hbm>> -> memref<128xi32, #tpu.memory_space<hbm>>
    %dma_wait3A_87 = tpu.memref_slice %arg3[%add3A_81] : memref<3200000xi32, #tpu.memory_space<hbm>> -> memref<128xi32, #tpu.memory_space<hbm>>
    tpu.wait_dma2 semaphore(%arg55 : memref<!tpu.dma_semaphore, #tpu.memory_space<semaphore_mem>>) src(%dma_wait3A_87 : memref<128xi32, #tpu.memory_space<hbm>>) dst(%arg20 : memref<128xi32, #tpu.memory_space<vmem>>)
    %add3A_88 = arith.constant 768 : i32
    %add3A_89 = arith.addi %multiple_of3A_11, %add3A_88 : i32
    %multiple_of3A_90 = tpu.assume_multiple %add3A_89, 8 : i32
    %dma_start3A_91 = tpu.memref_slice %arg3[%multiple_of3A_90] : memref<3200000xi32, #tpu.memory_space<hbm>> -> memref<128xi32, #tpu.memory_space<hbm>>
    %dma_start3A_92 = tpu.memref_slice %arg3[%multiple_of3A_90] : memref<3200000xi32, #tpu.memory_space<hbm>> -> memref<128xi32, #tpu.memory_space<hbm>>
    tpu.enqueue_dma source(%dma_start3A_92 : memref<128xi32, #tpu.memory_space<hbm>>) target(%arg11 : memref<128xi32, #tpu.memory_space<vmem>>) target_semaphore(%arg56 : memref<!tpu.dma_semaphore, #tpu.memory_space<semaphore_mem>>)
    %add3A_93 = arith.constant 1600000 : i32
    %add3A_94 = arith.addi %add3A_93, %multiple_of3A_90 : i32
    %dma_start3A_95 = tpu.memref_slice %arg3[%add3A_94] : memref<3200000xi32, #tpu.memory_space<hbm>> -> memref<128xi32, #tpu.memory_space<hbm>>
    %dma_start3A_96 = tpu.memref_slice %arg3[%add3A_94] : memref<3200000xi32, #tpu.memory_space<hbm>> -> memref<128xi32, #tpu.memory_space<hbm>>
    tpu.enqueue_dma source(%dma_start3A_96 : memref<128xi32, #tpu.memory_space<hbm>>) target(%arg21 : memref<128xi32, #tpu.memory_space<vmem>>) target_semaphore(%arg56 : memref<!tpu.dma_semaphore, #tpu.memory_space<semaphore_mem>>)
    %dma_wait3A_97 = tpu.memref_slice %arg3[%multiple_of3A_90] : memref<3200000xi32, #tpu.memory_space<hbm>> -> memref<128xi32, #tpu.memory_space<hbm>>
    %dma_wait3A_98 = tpu.memref_slice %arg3[%multiple_of3A_90] : memref<3200000xi32, #tpu.memory_space<hbm>> -> memref<128xi32, #tpu.memory_space<hbm>>
    tpu.wait_dma2 semaphore(%arg56 : memref<!tpu.dma_semaphore, #tpu.memory_space<semaphore_mem>>) src(%dma_wait3A_98 : memref<128xi32, #tpu.memory_space<hbm>>) dst(%arg11 : memref<128xi32, #tpu.memory_space<vmem>>)
    %dma_wait3A_99 = tpu.memref_slice %arg3[%add3A_94] : memref<3200000xi32, #tpu.memory_space<hbm>> -> memref<128xi32, #tpu.memory_space<hbm>>
    %dma_wait3A_100 = tpu.memref_slice %arg3[%add3A_94] : memref<3200000xi32, #tpu.memory_space<hbm>> -> memref<128xi32, #tpu.memory_space<hbm>>
    tpu.wait_dma2 semaphore(%arg56 : memref<!tpu.dma_semaphore, #tpu.memory_space<semaphore_mem>>) src(%dma_wait3A_100 : memref<128xi32, #tpu.memory_space<hbm>>) dst(%arg21 : memref<128xi32, #tpu.memory_space<vmem>>)
    %add3A_101 = arith.constant 896 : i32
    %add3A_102 = arith.addi %multiple_of3A_11, %add3A_101 : i32
    %multiple_of3A_103 = tpu.assume_multiple %add3A_102, 8 : i32
    %dma_start3A_104 = tpu.memref_slice %arg3[%multiple_of3A_103] : memref<3200000xi32, #tpu.memory_space<hbm>> -> memref<128xi32, #tpu.memory_space<hbm>>
    %dma_start3A_105 = tpu.memref_slice %arg3[%multiple_of3A_103] : memref<3200000xi32, #tpu.memory_space<hbm>> -> memref<128xi32, #tpu.memory_space<hbm>>
    tpu.enqueue_dma source(%dma_start3A_105 : memref<128xi32, #tpu.memory_space<hbm>>) target(%arg12 : memref<128xi32, #tpu.memory_space<vmem>>) target_semaphore(%arg57 : memref<!tpu.dma_semaphore, #tpu.memory_space<semaphore_mem>>)
    %add3A_106 = arith.constant 1600000 : i32
    %add3A_107 = arith.addi %add3A_106, %multiple_of3A_103 : i32
    %dma_start3A_108 = tpu.memref_slice %arg3[%add3A_107] : memref<3200000xi32, #tpu.memory_space<hbm>> -> memref<128xi32, #tpu.memory_space<hbm>>
    %dma_start3A_109 = tpu.memref_slice %arg3[%add3A_107] : memref<3200000xi32, #tpu.memory_space<hbm>> -> memref<128xi32, #tpu.memory_space<hbm>>
    tpu.enqueue_dma source(%dma_start3A_109 : memref<128xi32, #tpu.memory_space<hbm>>) target(%arg22 : memref<128xi32, #tpu.memory_space<vmem>>) target_semaphore(%arg57 : memref<!tpu.dma_semaphore, #tpu.memory_space<semaphore_mem>>)
    %dma_wait3A_110 = tpu.memref_slice %arg3[%multiple_of3A_103] : memref<3200000xi32, #tpu.memory_space<hbm>> -> memref<128xi32, #tpu.memory_space<hbm>>
    %dma_wait3A_111 = tpu.memref_slice %arg3[%multiple_of3A_103] : memref<3200000xi32, #tpu.memory_space<hbm>> -> memref<128xi32, #tpu.memory_space<hbm>>
    tpu.wait_dma2 semaphore(%arg57 : memref<!tpu.dma_semaphore, #tpu.memory_space<semaphore_mem>>) src(%dma_wait3A_111 : memref<128xi32, #tpu.memory_space<hbm>>) dst(%arg12 : memref<128xi32, #tpu.memory_space<vmem>>)
    %dma_wait3A_112 = tpu.memref_slice %arg3[%add3A_107] : memref<3200000xi32, #tpu.memory_space<hbm>> -> memref<128xi32, #tpu.memory_space<hbm>>
    %dma_wait3A_113 = tpu.memref_slice %arg3[%add3A_107] : memref<3200000xi32, #tpu.memory_space<hbm>> -> memref<128xi32, #tpu.memory_space<hbm>>
    tpu.wait_dma2 semaphore(%arg57 : memref<!tpu.dma_semaphore, #tpu.memory_space<semaphore_mem>>) src(%dma_wait3A_113 : memref<128xi32, #tpu.memory_space<hbm>>) dst(%arg22 : memref<128xi32, #tpu.memory_space<vmem>>)
    %add3A_114 = arith.constant 1024 : i32
    %add3A_115 = arith.addi %multiple_of3A_11, %add3A_114 : i32
    %multiple_of3A_116 = tpu.assume_multiple %add3A_115, 8 : i32
    %dma_start3A_117 = tpu.memref_slice %arg3[%multiple_of3A_116] : memref<3200000xi32, #tpu.memory_space<hbm>> -> memref<128xi32, #tpu.memory_space<hbm>>
    %dma_start3A_118 = tpu.memref_slice %arg3[%multiple_of3A_116] : memref<3200000xi32, #tpu.memory_space<hbm>> -> memref<128xi32, #tpu.memory_space<hbm>>
    tpu.enqueue_dma source(%dma_start3A_118 : memref<128xi32, #tpu.memory_space<hbm>>) target(%arg13 : memref<128xi32, #tpu.memory_space<vmem>>) target_semaphore(%arg58 : memref<!tpu.dma_semaphore, #tpu.memory_space<semaphore_mem>>)
    %add3A_119 = arith.constant 1600000 : i32
    %add3A_120 = arith.addi %add3A_119, %multiple_of3A_116 : i32
    %dma_start3A_121 = tpu.memref_slice %arg3[%add3A_120] : memref<3200000xi32, #tpu.memory_space<hbm>> -> memref<128xi32, #tpu.memory_space<hbm>>
    %dma_start3A_122 = tpu.memref_slice %arg3[%add3A_120] : memref<3200000xi32, #tpu.memory_space<hbm>> -> memref<128xi32, #tpu.memory_space<hbm>>
    tpu.enqueue_dma source(%dma_start3A_122 : memref<128xi32, #tpu.memory_space<hbm>>) target(%arg23 : memref<128xi32, #tpu.memory_space<vmem>>) target_semaphore(%arg58 : memref<!tpu.dma_semaphore, #tpu.memory_space<semaphore_mem>>)
    %dma_wait3A_123 = tpu.memref_slice %arg3[%multiple_of3A_116] : memref<3200000xi32, #tpu.memory_space<hbm>> -> memref<128xi32, #tpu.memory_space<hbm>>
    %dma_wait3A_124 = tpu.memref_slice %arg3[%multiple_of3A_116] : memref<3200000xi32, #tpu.memory_space<hbm>> -> memref<128xi32, #tpu.memory_space<hbm>>
    tpu.wait_dma2 semaphore(%arg58 : memref<!tpu.dma_semaphore, #tpu.memory_space<semaphore_mem>>) src(%dma_wait3A_124 : memref<128xi32, #tpu.memory_space<hbm>>) dst(%arg13 : memref<128xi32, #tpu.memory_space<vmem>>)
    %dma_wait3A_125 = tpu.memref_slice %arg3[%add3A_120] : memref<3200000xi32, #tpu.memory_space<hbm>> -> memref<128xi32, #tpu.memory_space<hbm>>
    %dma_wait3A_126 = tpu.memref_slice %arg3[%add3A_120] : memref<3200000xi32, #tpu.memory_space<hbm>> -> memref<128xi32, #tpu.memory_space<hbm>>
    tpu.wait_dma2 semaphore(%arg58 : memref<!tpu.dma_semaphore, #tpu.memory_space<semaphore_mem>>) src(%dma_wait3A_126 : memref<128xi32, #tpu.memory_space<hbm>>) dst(%arg23 : memref<128xi32, #tpu.memory_space<vmem>>)
    %add3A_127 = arith.constant 1152 : i32
    %add3A_128 = arith.addi %multiple_of3A_11, %add3A_127 : i32
    %multiple_of3A_129 = tpu.assume_multiple %add3A_128, 8 : i32
    %dma_start3A_130 = tpu.memref_slice %arg3[%multiple_of3A_129] : memref<3200000xi32, #tpu.memory_space<hbm>> -> memref<128xi32, #tpu.memory_space<hbm>>
    %dma_start3A_131 = tpu.memref_slice %arg3[%multiple_of3A_129] : memref<3200000xi32, #tpu.memory_space<hbm>> -> memref<128xi32, #tpu.memory_space<hbm>>
    tpu.enqueue_dma source(%dma_start3A_131 : memref<128xi32, #tpu.memory_space<hbm>>) target(%arg14 : memref<128xi32, #tpu.memory_space<vmem>>) target_semaphore(%arg59 : memref<!tpu.dma_semaphore, #tpu.memory_space<semaphore_mem>>)
    %add3A_132 = arith.constant 1600000 : i32
    %add3A_133 = arith.addi %add3A_132, %multiple_of3A_129 : i32
    %dma_start3A_134 = tpu.memref_slice %arg3[%add3A_133] : memref<3200000xi32, #tpu.memory_space<hbm>> -> memref<128xi32, #tpu.memory_space<hbm>>
    %dma_start3A_135 = tpu.memref_slice %arg3[%add3A_133] : memref<3200000xi32, #tpu.memory_space<hbm>> -> memref<128xi32, #tpu.memory_space<hbm>>
    tpu.enqueue_dma source(%dma_start3A_135 : memref<128xi32, #tpu.memory_space<hbm>>) target(%arg24 : memref<128xi32, #tpu.memory_space<vmem>>) target_semaphore(%arg59 : memref<!tpu.dma_semaphore, #tpu.memory_space<semaphore_mem>>)
    %dma_wait3A_136 = tpu.memref_slice %arg3[%multiple_of3A_129] : memref<3200000xi32, #tpu.memory_space<hbm>> -> memref<128xi32, #tpu.memory_space<hbm>>
    %dma_wait3A_137 = tpu.memref_slice %arg3[%multiple_of3A_129] : memref<3200000xi32, #tpu.memory_space<hbm>> -> memref<128xi32, #tpu.memory_space<hbm>>
    tpu.wait_dma2 semaphore(%arg59 : memref<!tpu.dma_semaphore, #tpu.memory_space<semaphore_mem>>) src(%dma_wait3A_137 : memref<128xi32, #tpu.memory_space<hbm>>) dst(%arg14 : memref<128xi32, #tpu.memory_space<vmem>>)
    %dma_wait3A_138 = tpu.memref_slice %arg3[%add3A_133] : memref<3200000xi32, #tpu.memory_space<hbm>> -> memref<128xi32, #tpu.memory_space<hbm>>
    %dma_wait3A_139 = tpu.memref_slice %arg3[%add3A_133] : memref<3200000xi32, #tpu.memory_space<hbm>> -> memref<128xi32, #tpu.memory_space<hbm>>
    tpu.wait_dma2 semaphore(%arg59 : memref<!tpu.dma_semaphore, #tpu.memory_space<semaphore_mem>>) src(%dma_wait3A_139 : memref<128xi32, #tpu.memory_space<hbm>>) dst(%arg24 : memref<128xi32, #tpu.memory_space<vmem>>)
    %dma_start3A_140 = arith.constant 0 : i32
    %dma_start3A_141 = arith.constant 0 : i32
    %dma_start3A_142 = tpu.memref_slice %arg2[%dma_start3A_140, %dma_start3A_141] : memref<50176x16xf32, #tpu.memory_space<hbm>> -> memref<50176x16xf32, #tpu.memory_space<hbm>>
    tpu.enqueue_indirect_dma source(%dma_start3A_142 : memref<50176x16xf32, #tpu.memory_space<hbm>>) target(%arg25 : memref<128x16xf32, #tpu.memory_space<vmem>>) offsets(%arg5 : memref<128xi32, #tpu.memory_space<vmem>>) semaphore(%arg40 : memref<!tpu.dma_semaphore, #tpu.memory_space<semaphore_mem>>)
    %dma_start3A_143 = arith.constant 0 : i32
    %dma_start3A_144 = arith.constant 0 : i32
    %dma_start3A_145 = tpu.memref_slice %arg2[%dma_start3A_143, %dma_start3A_144] : memref<50176x16xf32, #tpu.memory_space<hbm>> -> memref<50176x16xf32, #tpu.memory_space<hbm>>
    tpu.enqueue_indirect_dma source(%dma_start3A_145 : memref<50176x16xf32, #tpu.memory_space<hbm>>) target(%arg26 : memref<128x16xf32, #tpu.memory_space<vmem>>) offsets(%arg6 : memref<128xi32, #tpu.memory_space<vmem>>) semaphore(%arg41 : memref<!tpu.dma_semaphore, #tpu.memory_space<semaphore_mem>>)
    %dma_start3A_146 = arith.constant 0 : i32
    %dma_start3A_147 = arith.constant 0 : i32
    %dma_start3A_148 = tpu.memref_slice %arg2[%dma_start3A_146, %dma_start3A_147] : memref<50176x16xf32, #tpu.memory_space<hbm>> -> memref<50176x16xf32, #tpu.memory_space<hbm>>
    tpu.enqueue_indirect_dma source(%dma_start3A_148 : memref<50176x16xf32, #tpu.memory_space<hbm>>) target(%arg27 : memref<128x16xf32, #tpu.memory_space<vmem>>) offsets(%arg7 : memref<128xi32, #tpu.memory_space<vmem>>) semaphore(%arg42 : memref<!tpu.dma_semaphore, #tpu.memory_space<semaphore_mem>>)
    %dma_start3A_149 = arith.constant 0 : i32
    %dma_start3A_150 = arith.constant 0 : i32
    %dma_start3A_151 = tpu.memref_slice %arg2[%dma_start3A_149, %dma_start3A_150] : memref<50176x16xf32, #tpu.memory_space<hbm>> -> memref<50176x16xf32, #tpu.memory_space<hbm>>
    tpu.enqueue_indirect_dma source(%dma_start3A_151 : memref<50176x16xf32, #tpu.memory_space<hbm>>) target(%arg28 : memref<128x16xf32, #tpu.memory_space<vmem>>) offsets(%arg8 : memref<128xi32, #tpu.memory_space<vmem>>) semaphore(%arg43 : memref<!tpu.dma_semaphore, #tpu.memory_space<semaphore_mem>>)
    %dma_start3A_152 = arith.constant 0 : i32
    %dma_start3A_153 = arith.constant 0 : i32
    %dma_start3A_154 = tpu.memref_slice %arg2[%dma_start3A_152, %dma_start3A_153] : memref<50176x16xf32, #tpu.memory_space<hbm>> -> memref<50176x16xf32, #tpu.memory_space<hbm>>
    tpu.enqueue_indirect_dma source(%dma_start3A_154 : memref<50176x16xf32, #tpu.memory_space<hbm>>) target(%arg29 : memref<128x16xf32, #tpu.memory_space<vmem>>) offsets(%arg9 : memref<128xi32, #tpu.memory_space<vmem>>) semaphore(%arg44 : memref<!tpu.dma_semaphore, #tpu.memory_space<semaphore_mem>>)
    %dma_start3A_155 = arith.constant 0 : i32
    %dma_start3A_156 = arith.constant 0 : i32
    %dma_start3A_157 = tpu.memref_slice %arg2[%dma_start3A_155, %dma_start3A_156] : memref<50176x16xf32, #tpu.memory_space<hbm>> -> memref<50176x16xf32, #tpu.memory_space<hbm>>
    tpu.enqueue_indirect_dma source(%dma_start3A_157 : memref<50176x16xf32, #tpu.memory_space<hbm>>) target(%arg30 : memref<128x16xf32, #tpu.memory_space<vmem>>) offsets(%arg10 : memref<128xi32, #tpu.memory_space<vmem>>) semaphore(%arg45 : memref<!tpu.dma_semaphore, #tpu.memory_space<semaphore_mem>>)
    %dma_start3A_158 = arith.constant 0 : i32
    %dma_start3A_159 = arith.constant 0 : i32
    %dma_start3A_160 = tpu.memref_slice %arg2[%dma_start3A_158, %dma_start3A_159] : memref<50176x16xf32, #tpu.memory_space<hbm>> -> memref<50176x16xf32, #tpu.memory_space<hbm>>
    tpu.enqueue_indirect_dma source(%dma_start3A_160 : memref<50176x16xf32, #tpu.memory_space<hbm>>) target(%arg31 : memref<128x16xf32, #tpu.memory_space<vmem>>) offsets(%arg11 : memref<128xi32, #tpu.memory_space<vmem>>) semaphore(%arg46 : memref<!tpu.dma_semaphore, #tpu.memory_space<semaphore_mem>>)
    %dma_start3A_161 = arith.constant 0 : i32
    %dma_start3A_162 = arith.constant 0 : i32
    %dma_start3A_163 = tpu.memref_slice %arg2[%dma_start3A_161, %dma_start3A_162] : memref<50176x16xf32, #tpu.memory_space<hbm>> -> memref<50176x16xf32, #tpu.memory_space<hbm>>
    tpu.enqueue_indirect_dma source(%dma_start3A_163 : memref<50176x16xf32, #tpu.memory_space<hbm>>) target(%arg32 : memref<128x16xf32, #tpu.memory_space<vmem>>) offsets(%arg12 : memref<128xi32, #tpu.memory_space<vmem>>) semaphore(%arg47 : memref<!tpu.dma_semaphore, #tpu.memory_space<semaphore_mem>>)
    %dma_start3A_164 = arith.constant 0 : i32
    %dma_start3A_165 = arith.constant 0 : i32
    %dma_start3A_166 = tpu.memref_slice %arg2[%dma_start3A_164, %dma_start3A_165] : memref<50176x16xf32, #tpu.memory_space<hbm>> -> memref<50176x16xf32, #tpu.memory_space<hbm>>
    tpu.enqueue_indirect_dma source(%dma_start3A_166 : memref<50176x16xf32, #tpu.memory_space<hbm>>) target(%arg33 : memref<128x16xf32, #tpu.memory_space<vmem>>) offsets(%arg13 : memref<128xi32, #tpu.memory_space<vmem>>) semaphore(%arg48 : memref<!tpu.dma_semaphore, #tpu.memory_space<semaphore_mem>>)
    %dma_start3A_167 = arith.constant 0 : i32
    %dma_start3A_168 = arith.constant 0 : i32
    %dma_start3A_169 = tpu.memref_slice %arg2[%dma_start3A_167, %dma_start3A_168] : memref<50176x16xf32, #tpu.memory_space<hbm>> -> memref<50176x16xf32, #tpu.memory_space<hbm>>
    tpu.enqueue_indirect_dma source(%dma_start3A_169 : memref<50176x16xf32, #tpu.memory_space<hbm>>) target(%arg34 : memref<128x16xf32, #tpu.memory_space<vmem>>) offsets(%arg14 : memref<128xi32, #tpu.memory_space<vmem>>) semaphore(%arg49 : memref<!tpu.dma_semaphore, #tpu.memory_space<semaphore_mem>>)
    %scan3A = arith.constant 0 : i32
    %scan3A_170 = arith.constant 0 : i32
    %scan3A_171 = arith.constant 38 : i32
    %scan3A_172 = arith.addi %scan3A_170, %scan3A_171 : i32
    %scan3A_173 = arith.constant 1 : i32
    scf.for %scan3A_277 = %scan3A_170 to %scan3A_172 step %scan3A_173  : i32 {
      %mul3A_278 = arith.constant 10 : i32
      %mul3A_279 = arith.muli %scan3A_277, %mul3A_278 : i32
      %dma_wait3A_280 = arith.constant 0 : i32
      %dma_wait3A_281 = arith.constant 0 : i32
      %dma_wait3A_282 = tpu.memref_slice %arg2[%dma_wait3A_280, %dma_wait3A_281] : memref<50176x16xf32, #tpu.memory_space<hbm>> -> memref<50176x16xf32, #tpu.memory_space<hbm>>
      tpu.wait_indirect_dma semaphore(%arg40 : memref<!tpu.dma_semaphore, #tpu.memory_space<semaphore_mem>>) src(%dma_wait3A_282 : memref<50176x16xf32, #tpu.memory_space<hbm>>) dst(%arg25 : memref<128x16xf32, #tpu.memory_space<vmem>>)
      %dma_start3A_283 = arith.constant 0 : i32
      %dma_start3A_284 = arith.constant 0 : i32
      %dma_start3A_285 = tpu.memref_slice %arg39[%dma_start3A_283, %dma_start3A_284] : memref<50176x16xf32, #tpu.memory_space<vmem_shared>> -> memref<50176x16xf32, #tpu.memory_space<vmem_shared>>
      tpu.enqueue_indirect_dma source(%arg25 : memref<128x16xf32, #tpu.memory_space<vmem>>) target(%dma_start3A_285 : memref<50176x16xf32, #tpu.memory_space<vmem_shared>>) offsets(%arg15 : memref<128xi32, #tpu.memory_space<vmem>>) semaphore(%arg60 : memref<!tpu.dma_semaphore, #tpu.memory_space<semaphore_mem>>) {add = true}
      %dma_wait3A_286 = arith.constant 0 : i32
      %dma_wait3A_287 = arith.constant 0 : i32
      %dma_wait3A_288 = tpu.memref_slice %arg2[%dma_wait3A_286, %dma_wait3A_287] : memref<50176x16xf32, #tpu.memory_space<hbm>> -> memref<50176x16xf32, #tpu.memory_space<hbm>>
      tpu.wait_indirect_dma semaphore(%arg41 : memref<!tpu.dma_semaphore, #tpu.memory_space<semaphore_mem>>) src(%dma_wait3A_288 : memref<50176x16xf32, #tpu.memory_space<hbm>>) dst(%arg26 : memref<128x16xf32, #tpu.memory_space<vmem>>)
      %dma_start3A_289 = arith.constant 0 : i32
      %dma_start3A_290 = arith.constant 0 : i32
      %dma_start3A_291 = tpu.memref_slice %arg39[%dma_start3A_289, %dma_start3A_290] : memref<50176x16xf32, #tpu.memory_space<vmem_shared>> -> memref<50176x16xf32, #tpu.memory_space<vmem_shared>>
      tpu.enqueue_indirect_dma source(%arg26 : memref<128x16xf32, #tpu.memory_space<vmem>>) target(%dma_start3A_291 : memref<50176x16xf32, #tpu.memory_space<vmem_shared>>) offsets(%arg16 : memref<128xi32, #tpu.memory_space<vmem>>) semaphore(%arg61 : memref<!tpu.dma_semaphore, #tpu.memory_space<semaphore_mem>>) {add = true}
      %dma_wait3A_292 = arith.constant 0 : i32
      %dma_wait3A_293 = arith.constant 0 : i32
      %dma_wait3A_294 = tpu.memref_slice %arg2[%dma_wait3A_292, %dma_wait3A_293] : memref<50176x16xf32, #tpu.memory_space<hbm>> -> memref<50176x16xf32, #tpu.memory_space<hbm>>
      tpu.wait_indirect_dma semaphore(%arg42 : memref<!tpu.dma_semaphore, #tpu.memory_space<semaphore_mem>>) src(%dma_wait3A_294 : memref<50176x16xf32, #tpu.memory_space<hbm>>) dst(%arg27 : memref<128x16xf32, #tpu.memory_space<vmem>>)
      %dma_start3A_295 = arith.constant 0 : i32
      %dma_start3A_296 = arith.constant 0 : i32
      %dma_start3A_297 = tpu.memref_slice %arg39[%dma_start3A_295, %dma_start3A_296] : memref<50176x16xf32, #tpu.memory_space<vmem_shared>> -> memref<50176x16xf32, #tpu.memory_space<vmem_shared>>
      tpu.enqueue_indirect_dma source(%arg27 : memref<128x16xf32, #tpu.memory_space<vmem>>) target(%dma_start3A_297 : memref<50176x16xf32, #tpu.memory_space<vmem_shared>>) offsets(%arg17 : memref<128xi32, #tpu.memory_space<vmem>>) semaphore(%arg62 : memref<!tpu.dma_semaphore, #tpu.memory_space<semaphore_mem>>) {add = true}
      %dma_wait3A_298 = arith.constant 0 : i32
      %dma_wait3A_299 = arith.constant 0 : i32
      %dma_wait3A_300 = tpu.memref_slice %arg2[%dma_wait3A_298, %dma_wait3A_299] : memref<50176x16xf32, #tpu.memory_space<hbm>> -> memref<50176x16xf32, #tpu.memory_space<hbm>>
      tpu.wait_indirect_dma semaphore(%arg43 : memref<!tpu.dma_semaphore, #tpu.memory_space<semaphore_mem>>) src(%dma_wait3A_300 : memref<50176x16xf32, #tpu.memory_space<hbm>>) dst(%arg28 : memref<128x16xf32, #tpu.memory_space<vmem>>)
      %dma_start3A_301 = arith.constant 0 : i32
      %dma_start3A_302 = arith.constant 0 : i32
      %dma_start3A_303 = tpu.memref_slice %arg39[%dma_start3A_301, %dma_start3A_302] : memref<50176x16xf32, #tpu.memory_space<vmem_shared>> -> memref<50176x16xf32, #tpu.memory_space<vmem_shared>>
      tpu.enqueue_indirect_dma source(%arg28 : memref<128x16xf32, #tpu.memory_space<vmem>>) target(%dma_start3A_303 : memref<50176x16xf32, #tpu.memory_space<vmem_shared>>) offsets(%arg18 : memref<128xi32, #tpu.memory_space<vmem>>) semaphore(%arg63 : memref<!tpu.dma_semaphore, #tpu.memory_space<semaphore_mem>>) {add = true}
      %dma_wait3A_304 = arith.constant 0 : i32
      %dma_wait3A_305 = arith.constant 0 : i32
      %dma_wait3A_306 = tpu.memref_slice %arg2[%dma_wait3A_304, %dma_wait3A_305] : memref<50176x16xf32, #tpu.memory_space<hbm>> -> memref<50176x16xf32, #tpu.memory_space<hbm>>
      tpu.wait_indirect_dma semaphore(%arg44 : memref<!tpu.dma_semaphore, #tpu.memory_space<semaphore_mem>>) src(%dma_wait3A_306 : memref<50176x16xf32, #tpu.memory_space<hbm>>) dst(%arg29 : memref<128x16xf32, #tpu.memory_space<vmem>>)
      %dma_start3A_307 = arith.constant 0 : i32
      %dma_start3A_308 = arith.constant 0 : i32
      %dma_start3A_309 = tpu.memref_slice %arg39[%dma_start3A_307, %dma_start3A_308] : memref<50176x16xf32, #tpu.memory_space<vmem_shared>> -> memref<50176x16xf32, #tpu.memory_space<vmem_shared>>
      tpu.enqueue_indirect_dma source(%arg29 : memref<128x16xf32, #tpu.memory_space<vmem>>) target(%dma_start3A_309 : memref<50176x16xf32, #tpu.memory_space<vmem_shared>>) offsets(%arg19 : memref<128xi32, #tpu.memory_space<vmem>>) semaphore(%arg64 : memref<!tpu.dma_semaphore, #tpu.memory_space<semaphore_mem>>) {add = true}
      %dma_wait3A_310 = arith.constant 0 : i32
      %dma_wait3A_311 = arith.constant 0 : i32
      %dma_wait3A_312 = tpu.memref_slice %arg2[%dma_wait3A_310, %dma_wait3A_311] : memref<50176x16xf32, #tpu.memory_space<hbm>> -> memref<50176x16xf32, #tpu.memory_space<hbm>>
      tpu.wait_indirect_dma semaphore(%arg45 : memref<!tpu.dma_semaphore, #tpu.memory_space<semaphore_mem>>) src(%dma_wait3A_312 : memref<50176x16xf32, #tpu.memory_space<hbm>>) dst(%arg30 : memref<128x16xf32, #tpu.memory_space<vmem>>)
      %dma_start3A_313 = arith.constant 0 : i32
      %dma_start3A_314 = arith.constant 0 : i32
      %dma_start3A_315 = tpu.memref_slice %arg39[%dma_start3A_313, %dma_start3A_314] : memref<50176x16xf32, #tpu.memory_space<vmem_shared>> -> memref<50176x16xf32, #tpu.memory_space<vmem_shared>>
      tpu.enqueue_indirect_dma source(%arg30 : memref<128x16xf32, #tpu.memory_space<vmem>>) target(%dma_start3A_315 : memref<50176x16xf32, #tpu.memory_space<vmem_shared>>) offsets(%arg20 : memref<128xi32, #tpu.memory_space<vmem>>) semaphore(%arg65 : memref<!tpu.dma_semaphore, #tpu.memory_space<semaphore_mem>>) {add = true}
      %dma_wait3A_316 = arith.constant 0 : i32
      %dma_wait3A_317 = arith.constant 0 : i32
      %dma_wait3A_318 = tpu.memref_slice %arg2[%dma_wait3A_316, %dma_wait3A_317] : memref<50176x16xf32, #tpu.memory_space<hbm>> -> memref<50176x16xf32, #tpu.memory_space<hbm>>
      tpu.wait_indirect_dma semaphore(%arg46 : memref<!tpu.dma_semaphore, #tpu.memory_space<semaphore_mem>>) src(%dma_wait3A_318 : memref<50176x16xf32, #tpu.memory_space<hbm>>) dst(%arg31 : memref<128x16xf32, #tpu.memory_space<vmem>>)
      %dma_start3A_319 = arith.constant 0 : i32
      %dma_start3A_320 = arith.constant 0 : i32
      %dma_start3A_321 = tpu.memref_slice %arg39[%dma_start3A_319, %dma_start3A_320] : memref<50176x16xf32, #tpu.memory_space<vmem_shared>> -> memref<50176x16xf32, #tpu.memory_space<vmem_shared>>
      tpu.enqueue_indirect_dma source(%arg31 : memref<128x16xf32, #tpu.memory_space<vmem>>) target(%dma_start3A_321 : memref<50176x16xf32, #tpu.memory_space<vmem_shared>>) offsets(%arg21 : memref<128xi32, #tpu.memory_space<vmem>>) semaphore(%arg66 : memref<!tpu.dma_semaphore, #tpu.memory_space<semaphore_mem>>) {add = true}
      %dma_wait3A_322 = arith.constant 0 : i32
      %dma_wait3A_323 = arith.constant 0 : i32
      %dma_wait3A_324 = tpu.memref_slice %arg2[%dma_wait3A_322, %dma_wait3A_323] : memref<50176x16xf32, #tpu.memory_space<hbm>> -> memref<50176x16xf32, #tpu.memory_space<hbm>>
      tpu.wait_indirect_dma semaphore(%arg47 : memref<!tpu.dma_semaphore, #tpu.memory_space<semaphore_mem>>) src(%dma_wait3A_324 : memref<50176x16xf32, #tpu.memory_space<hbm>>) dst(%arg32 : memref<128x16xf32, #tpu.memory_space<vmem>>)
      %dma_start3A_325 = arith.constant 0 : i32
      %dma_start3A_326 = arith.constant 0 : i32
      %dma_start3A_327 = tpu.memref_slice %arg39[%dma_start3A_325, %dma_start3A_326] : memref<50176x16xf32, #tpu.memory_space<vmem_shared>> -> memref<50176x16xf32, #tpu.memory_space<vmem_shared>>
      tpu.enqueue_indirect_dma source(%arg32 : memref<128x16xf32, #tpu.memory_space<vmem>>) target(%dma_start3A_327 : memref<50176x16xf32, #tpu.memory_space<vmem_shared>>) offsets(%arg22 : memref<128xi32, #tpu.memory_space<vmem>>) semaphore(%arg67 : memref<!tpu.dma_semaphore, #tpu.memory_space<semaphore_mem>>) {add = true}
      %dma_wait3A_328 = arith.constant 0 : i32
      %dma_wait3A_329 = arith.constant 0 : i32
      %dma_wait3A_330 = tpu.memref_slice %arg2[%dma_wait3A_328, %dma_wait3A_329] : memref<50176x16xf32, #tpu.memory_space<hbm>> -> memref<50176x16xf32, #tpu.memory_space<hbm>>
      tpu.wait_indirect_dma semaphore(%arg48 : memref<!tpu.dma_semaphore, #tpu.memory_space<semaphore_mem>>) src(%dma_wait3A_330 : memref<50176x16xf32, #tpu.memory_space<hbm>>) dst(%arg33 : memref<128x16xf32, #tpu.memory_space<vmem>>)
      %dma_start3A_331 = arith.constant 0 : i32
      %dma_start3A_332 = arith.constant 0 : i32
      %dma_start3A_333 = tpu.memref_slice %arg39[%dma_start3A_331, %dma_start3A_332] : memref<50176x16xf32, #tpu.memory_space<vmem_shared>> -> memref<50176x16xf32, #tpu.memory_space<vmem_shared>>
      tpu.enqueue_indirect_dma source(%arg33 : memref<128x16xf32, #tpu.memory_space<vmem>>) target(%dma_start3A_333 : memref<50176x16xf32, #tpu.memory_space<vmem_shared>>) offsets(%arg23 : memref<128xi32, #tpu.memory_space<vmem>>) semaphore(%arg68 : memref<!tpu.dma_semaphore, #tpu.memory_space<semaphore_mem>>) {add = true}
      %dma_wait3A_334 = arith.constant 0 : i32
      %dma_wait3A_335 = arith.constant 0 : i32
      %dma_wait3A_336 = tpu.memref_slice %arg2[%dma_wait3A_334, %dma_wait3A_335] : memref<50176x16xf32, #tpu.memory_space<hbm>> -> memref<50176x16xf32, #tpu.memory_space<hbm>>
      tpu.wait_indirect_dma semaphore(%arg49 : memref<!tpu.dma_semaphore, #tpu.memory_space<semaphore_mem>>) src(%dma_wait3A_336 : memref<50176x16xf32, #tpu.memory_space<hbm>>) dst(%arg34 : memref<128x16xf32, #tpu.memory_space<vmem>>)
      %dma_start3A_337 = arith.constant 0 : i32
      %dma_start3A_338 = arith.constant 0 : i32
      %dma_start3A_339 = tpu.memref_slice %arg39[%dma_start3A_337, %dma_start3A_338] : memref<50176x16xf32, #tpu.memory_space<vmem_shared>> -> memref<50176x16xf32, #tpu.memory_space<vmem_shared>>
      tpu.enqueue_indirect_dma source(%arg34 : memref<128x16xf32, #tpu.memory_space<vmem>>) target(%dma_start3A_339 : memref<50176x16xf32, #tpu.memory_space<vmem_shared>>) offsets(%arg24 : memref<128xi32, #tpu.memory_space<vmem>>) semaphore(%arg69 : memref<!tpu.dma_semaphore, #tpu.memory_space<semaphore_mem>>) {add = true}
      %dma_wait3A_340 = arith.constant 0 : i32
      %dma_wait3A_341 = arith.constant 0 : i32
      %dma_wait3A_342 = tpu.memref_slice %arg39[%dma_wait3A_340, %dma_wait3A_341] : memref<50176x16xf32, #tpu.memory_space<vmem_shared>> -> memref<50176x16xf32, #tpu.memory_space<vmem_shared>>
      tpu.wait_indirect_dma semaphore(%arg60 : memref<!tpu.dma_semaphore, #tpu.memory_space<semaphore_mem>>) src(%arg25 : memref<128x16xf32, #tpu.memory_space<vmem>>) dst(%dma_wait3A_342 : memref<50176x16xf32, #tpu.memory_space<vmem_shared>>)
      %add3A_343 = arith.constant 10 : i32
      %add3A_344 = arith.addi %mul3A_279, %add3A_343 : i32
      %add3A_345 = arith.constant 0 : i32
      %add3A_346 = arith.addi %add3A_344, %add3A_345 : i32
      %mul3A_347 = arith.constant 128 : i32
      %mul3A_348 = arith.muli %add3A_346, %mul3A_347 : i32
      %add3A_349 = arith.addi %multiple_of3A_11, %mul3A_348 : i32
      %multiple_of3A_350 = tpu.assume_multiple %add3A_349, 8 : i32
      %dma_start3A_351 = tpu.memref_slice %arg3[%multiple_of3A_350] : memref<3200000xi32, #tpu.memory_space<hbm>> -> memref<128xi32, #tpu.memory_space<hbm>>
      %dma_start3A_352 = tpu.memref_slice %arg3[%multiple_of3A_350] : memref<3200000xi32, #tpu.memory_space<hbm>> -> memref<128xi32, #tpu.memory_space<hbm>>
      tpu.enqueue_dma source(%dma_start3A_352 : memref<128xi32, #tpu.memory_space<hbm>>) target(%arg5 : memref<128xi32, #tpu.memory_space<vmem>>) target_semaphore(%arg50 : memref<!tpu.dma_semaphore, #tpu.memory_space<semaphore_mem>>)
      %add3A_353 = arith.constant 1600000 : i32
      %add3A_354 = arith.addi %add3A_353, %multiple_of3A_350 : i32
      %dma_start3A_355 = tpu.memref_slice %arg3[%add3A_354] : memref<3200000xi32, #tpu.memory_space<hbm>> -> memref<128xi32, #tpu.memory_space<hbm>>
      %dma_start3A_356 = tpu.memref_slice %arg3[%add3A_354] : memref<3200000xi32, #tpu.memory_space<hbm>> -> memref<128xi32, #tpu.memory_space<hbm>>
      tpu.enqueue_dma source(%dma_start3A_356 : memref<128xi32, #tpu.memory_space<hbm>>) target(%arg15 : memref<128xi32, #tpu.memory_space<vmem>>) target_semaphore(%arg50 : memref<!tpu.dma_semaphore, #tpu.memory_space<semaphore_mem>>)
      %dma_wait3A_357 = arith.constant 0 : i32
      %dma_wait3A_358 = arith.constant 0 : i32
      %dma_wait3A_359 = tpu.memref_slice %arg39[%dma_wait3A_357, %dma_wait3A_358] : memref<50176x16xf32, #tpu.memory_space<vmem_shared>> -> memref<50176x16xf32, #tpu.memory_space<vmem_shared>>
      tpu.wait_indirect_dma semaphore(%arg61 : memref<!tpu.dma_semaphore, #tpu.memory_space<semaphore_mem>>) src(%arg26 : memref<128x16xf32, #tpu.memory_space<vmem>>) dst(%dma_wait3A_359 : memref<50176x16xf32, #tpu.memory_space<vmem_shared>>)
      %add3A_360 = arith.constant 10 : i32
      %add3A_361 = arith.addi %mul3A_279, %add3A_360 : i32
      %add3A_362 = arith.constant 1 : i32
      %add3A_363 = arith.addi %add3A_361, %add3A_362 : i32
      %mul3A_364 = arith.constant 128 : i32
      %mul3A_365 = arith.muli %add3A_363, %mul3A_364 : i32
      %add3A_366 = arith.addi %multiple_of3A_11, %mul3A_365 : i32
      %multiple_of3A_367 = tpu.assume_multiple %add3A_366, 8 : i32
      %dma_start3A_368 = tpu.memref_slice %arg3[%multiple_of3A_367] : memref<3200000xi32, #tpu.memory_space<hbm>> -> memref<128xi32, #tpu.memory_space<hbm>>
      %dma_start3A_369 = tpu.memref_slice %arg3[%multiple_of3A_367] : memref<3200000xi32, #tpu.memory_space<hbm>> -> memref<128xi32, #tpu.memory_space<hbm>>
      tpu.enqueue_dma source(%dma_start3A_369 : memref<128xi32, #tpu.memory_space<hbm>>) target(%arg6 : memref<128xi32, #tpu.memory_space<vmem>>) target_semaphore(%arg51 : memref<!tpu.dma_semaphore, #tpu.memory_space<semaphore_mem>>)
      %add3A_370 = arith.constant 1600000 : i32
      %add3A_371 = arith.addi %add3A_370, %multiple_of3A_367 : i32
      %dma_start3A_372 = tpu.memref_slice %arg3[%add3A_371] : memref<3200000xi32, #tpu.memory_space<hbm>> -> memref<128xi32, #tpu.memory_space<hbm>>
      %dma_start3A_373 = tpu.memref_slice %arg3[%add3A_371] : memref<3200000xi32, #tpu.memory_space<hbm>> -> memref<128xi32, #tpu.memory_space<hbm>>
      tpu.enqueue_dma source(%dma_start3A_373 : memref<128xi32, #tpu.memory_space<hbm>>) target(%arg16 : memref<128xi32, #tpu.memory_space<vmem>>) target_semaphore(%arg51 : memref<!tpu.dma_semaphore, #tpu.memory_space<semaphore_mem>>)
      %dma_wait3A_374 = arith.constant 0 : i32
      %dma_wait3A_375 = arith.constant 0 : i32
      %dma_wait3A_376 = tpu.memref_slice %arg39[%dma_wait3A_374, %dma_wait3A_375] : memref<50176x16xf32, #tpu.memory_space<vmem_shared>> -> memref<50176x16xf32, #tpu.memory_space<vmem_shared>>
      tpu.wait_indirect_dma semaphore(%arg62 : memref<!tpu.dma_semaphore, #tpu.memory_space<semaphore_mem>>) src(%arg27 : memref<128x16xf32, #tpu.memory_space<vmem>>) dst(%dma_wait3A_376 : memref<50176x16xf32, #tpu.memory_space<vmem_shared>>)
      %add3A_377 = arith.constant 10 : i32
      %add3A_378 = arith.addi %mul3A_279, %add3A_377 : i32
      %add3A_379 = arith.constant 2 : i32
      %add3A_380 = arith.addi %add3A_378, %add3A_379 : i32
      %mul3A_381 = arith.constant 128 : i32
      %mul3A_382 = arith.muli %add3A_380, %mul3A_381 : i32
      %add3A_383 = arith.addi %multiple_of3A_11, %mul3A_382 : i32
      %multiple_of3A_384 = tpu.assume_multiple %add3A_383, 8 : i32
      %dma_start3A_385 = tpu.memref_slice %arg3[%multiple_of3A_384] : memref<3200000xi32, #tpu.memory_space<hbm>> -> memref<128xi32, #tpu.memory_space<hbm>>
      %dma_start3A_386 = tpu.memref_slice %arg3[%multiple_of3A_384] : memref<3200000xi32, #tpu.memory_space<hbm>> -> memref<128xi32, #tpu.memory_space<hbm>>
      tpu.enqueue_dma source(%dma_start3A_386 : memref<128xi32, #tpu.memory_space<hbm>>) target(%arg7 : memref<128xi32, #tpu.memory_space<vmem>>) target_semaphore(%arg52 : memref<!tpu.dma_semaphore, #tpu.memory_space<semaphore_mem>>)
      %add3A_387 = arith.constant 1600000 : i32
      %add3A_388 = arith.addi %add3A_387, %multiple_of3A_384 : i32
      %dma_start3A_389 = tpu.memref_slice %arg3[%add3A_388] : memref<3200000xi32, #tpu.memory_space<hbm>> -> memref<128xi32, #tpu.memory_space<hbm>>
      %dma_start3A_390 = tpu.memref_slice %arg3[%add3A_388] : memref<3200000xi32, #tpu.memory_space<hbm>> -> memref<128xi32, #tpu.memory_space<hbm>>
      tpu.enqueue_dma source(%dma_start3A_390 : memref<128xi32, #tpu.memory_space<hbm>>) target(%arg17 : memref<128xi32, #tpu.memory_space<vmem>>) target_semaphore(%arg52 : memref<!tpu.dma_semaphore, #tpu.memory_space<semaphore_mem>>)
      %dma_wait3A_391 = arith.constant 0 : i32
      %dma_wait3A_392 = arith.constant 0 : i32
      %dma_wait3A_393 = tpu.memref_slice %arg39[%dma_wait3A_391, %dma_wait3A_392] : memref<50176x16xf32, #tpu.memory_space<vmem_shared>> -> memref<50176x16xf32, #tpu.memory_space<vmem_shared>>
      tpu.wait_indirect_dma semaphore(%arg63 : memref<!tpu.dma_semaphore, #tpu.memory_space<semaphore_mem>>) src(%arg28 : memref<128x16xf32, #tpu.memory_space<vmem>>) dst(%dma_wait3A_393 : memref<50176x16xf32, #tpu.memory_space<vmem_shared>>)
      %add3A_394 = arith.constant 10 : i32
      %add3A_395 = arith.addi %mul3A_279, %add3A_394 : i32
      %add3A_396 = arith.constant 3 : i32
      %add3A_397 = arith.addi %add3A_395, %add3A_396 : i32
      %mul3A_398 = arith.constant 128 : i32
      %mul3A_399 = arith.muli %add3A_397, %mul3A_398 : i32
      %add3A_400 = arith.addi %multiple_of3A_11, %mul3A_399 : i32
      %multiple_of3A_401 = tpu.assume_multiple %add3A_400, 8 : i32
      %dma_start3A_402 = tpu.memref_slice %arg3[%multiple_of3A_401] : memref<3200000xi32, #tpu.memory_space<hbm>> -> memref<128xi32, #tpu.memory_space<hbm>>
      %dma_start3A_403 = tpu.memref_slice %arg3[%multiple_of3A_401] : memref<3200000xi32, #tpu.memory_space<hbm>> -> memref<128xi32, #tpu.memory_space<hbm>>
      tpu.enqueue_dma source(%dma_start3A_403 : memref<128xi32, #tpu.memory_space<hbm>>) target(%arg8 : memref<128xi32, #tpu.memory_space<vmem>>) target_semaphore(%arg53 : memref<!tpu.dma_semaphore, #tpu.memory_space<semaphore_mem>>)
      %add3A_404 = arith.constant 1600000 : i32
      %add3A_405 = arith.addi %add3A_404, %multiple_of3A_401 : i32
      %dma_start3A_406 = tpu.memref_slice %arg3[%add3A_405] : memref<3200000xi32, #tpu.memory_space<hbm>> -> memref<128xi32, #tpu.memory_space<hbm>>
      %dma_start3A_407 = tpu.memref_slice %arg3[%add3A_405] : memref<3200000xi32, #tpu.memory_space<hbm>> -> memref<128xi32, #tpu.memory_space<hbm>>
      tpu.enqueue_dma source(%dma_start3A_407 : memref<128xi32, #tpu.memory_space<hbm>>) target(%arg18 : memref<128xi32, #tpu.memory_space<vmem>>) target_semaphore(%arg53 : memref<!tpu.dma_semaphore, #tpu.memory_space<semaphore_mem>>)
      %dma_wait3A_408 = arith.constant 0 : i32
      %dma_wait3A_409 = arith.constant 0 : i32
      %dma_wait3A_410 = tpu.memref_slice %arg39[%dma_wait3A_408, %dma_wait3A_409] : memref<50176x16xf32, #tpu.memory_space<vmem_shared>> -> memref<50176x16xf32, #tpu.memory_space<vmem_shared>>
      tpu.wait_indirect_dma semaphore(%arg64 : memref<!tpu.dma_semaphore, #tpu.memory_space<semaphore_mem>>) src(%arg29 : memref<128x16xf32, #tpu.memory_space<vmem>>) dst(%dma_wait3A_410 : memref<50176x16xf32, #tpu.memory_space<vmem_shared>>)
      %add3A_411 = arith.constant 10 : i32
      %add3A_412 = arith.addi %mul3A_279, %add3A_411 : i32
      %add3A_413 = arith.constant 4 : i32
      %add3A_414 = arith.addi %add3A_412, %add3A_413 : i32
      %mul3A_415 = arith.constant 128 : i32
      %mul3A_416 = arith.muli %add3A_414, %mul3A_415 : i32
      %add3A_417 = arith.addi %multiple_of3A_11, %mul3A_416 : i32
      %multiple_of3A_418 = tpu.assume_multiple %add3A_417, 8 : i32
      %dma_start3A_419 = tpu.memref_slice %arg3[%multiple_of3A_418] : memref<3200000xi32, #tpu.memory_space<hbm>> -> memref<128xi32, #tpu.memory_space<hbm>>
      %dma_start3A_420 = tpu.memref_slice %arg3[%multiple_of3A_418] : memref<3200000xi32, #tpu.memory_space<hbm>> -> memref<128xi32, #tpu.memory_space<hbm>>
      tpu.enqueue_dma source(%dma_start3A_420 : memref<128xi32, #tpu.memory_space<hbm>>) target(%arg9 : memref<128xi32, #tpu.memory_space<vmem>>) target_semaphore(%arg54 : memref<!tpu.dma_semaphore, #tpu.memory_space<semaphore_mem>>)
      %add3A_421 = arith.constant 1600000 : i32
      %add3A_422 = arith.addi %add3A_421, %multiple_of3A_418 : i32
      %dma_start3A_423 = tpu.memref_slice %arg3[%add3A_422] : memref<3200000xi32, #tpu.memory_space<hbm>> -> memref<128xi32, #tpu.memory_space<hbm>>
      %dma_start3A_424 = tpu.memref_slice %arg3[%add3A_422] : memref<3200000xi32, #tpu.memory_space<hbm>> -> memref<128xi32, #tpu.memory_space<hbm>>
      tpu.enqueue_dma source(%dma_start3A_424 : memref<128xi32, #tpu.memory_space<hbm>>) target(%arg19 : memref<128xi32, #tpu.memory_space<vmem>>) target_semaphore(%arg54 : memref<!tpu.dma_semaphore, #tpu.memory_space<semaphore_mem>>)
      %dma_wait3A_425 = arith.constant 0 : i32
      %dma_wait3A_426 = arith.constant 0 : i32
      %dma_wait3A_427 = tpu.memref_slice %arg39[%dma_wait3A_425, %dma_wait3A_426] : memref<50176x16xf32, #tpu.memory_space<vmem_shared>> -> memref<50176x16xf32, #tpu.memory_space<vmem_shared>>
      tpu.wait_indirect_dma semaphore(%arg65 : memref<!tpu.dma_semaphore, #tpu.memory_space<semaphore_mem>>) src(%arg30 : memref<128x16xf32, #tpu.memory_space<vmem>>) dst(%dma_wait3A_427 : memref<50176x16xf32, #tpu.memory_space<vmem_shared>>)
      %add3A_428 = arith.constant 10 : i32
      %add3A_429 = arith.addi %mul3A_279, %add3A_428 : i32
      %add3A_430 = arith.constant 5 : i32
      %add3A_431 = arith.addi %add3A_429, %add3A_430 : i32
      %mul3A_432 = arith.constant 128 : i32
      %mul3A_433 = arith.muli %add3A_431, %mul3A_432 : i32
      %add3A_434 = arith.addi %multiple_of3A_11, %mul3A_433 : i32
      %multiple_of3A_435 = tpu.assume_multiple %add3A_434, 8 : i32
      %dma_start3A_436 = tpu.memref_slice %arg3[%multiple_of3A_435] : memref<3200000xi32, #tpu.memory_space<hbm>> -> memref<128xi32, #tpu.memory_space<hbm>>
      %dma_start3A_437 = tpu.memref_slice %arg3[%multiple_of3A_435] : memref<3200000xi32, #tpu.memory_space<hbm>> -> memref<128xi32, #tpu.memory_space<hbm>>
      tpu.enqueue_dma source(%dma_start3A_437 : memref<128xi32, #tpu.memory_space<hbm>>) target(%arg10 : memref<128xi32, #tpu.memory_space<vmem>>) target_semaphore(%arg55 : memref<!tpu.dma_semaphore, #tpu.memory_space<semaphore_mem>>)
      %add3A_438 = arith.constant 1600000 : i32
      %add3A_439 = arith.addi %add3A_438, %multiple_of3A_435 : i32
      %dma_start3A_440 = tpu.memref_slice %arg3[%add3A_439] : memref<3200000xi32, #tpu.memory_space<hbm>> -> memref<128xi32, #tpu.memory_space<hbm>>
      %dma_start3A_441 = tpu.memref_slice %arg3[%add3A_439] : memref<3200000xi32, #tpu.memory_space<hbm>> -> memref<128xi32, #tpu.memory_space<hbm>>
      tpu.enqueue_dma source(%dma_start3A_441 : memref<128xi32, #tpu.memory_space<hbm>>) target(%arg20 : memref<128xi32, #tpu.memory_space<vmem>>) target_semaphore(%arg55 : memref<!tpu.dma_semaphore, #tpu.memory_space<semaphore_mem>>)
      %dma_wait3A_442 = arith.constant 0 : i32
      %dma_wait3A_443 = arith.constant 0 : i32
      %dma_wait3A_444 = tpu.memref_slice %arg39[%dma_wait3A_442, %dma_wait3A_443] : memref<50176x16xf32, #tpu.memory_space<vmem_shared>> -> memref<50176x16xf32, #tpu.memory_space<vmem_shared>>
      tpu.wait_indirect_dma semaphore(%arg66 : memref<!tpu.dma_semaphore, #tpu.memory_space<semaphore_mem>>) src(%arg31 : memref<128x16xf32, #tpu.memory_space<vmem>>) dst(%dma_wait3A_444 : memref<50176x16xf32, #tpu.memory_space<vmem_shared>>)
      %add3A_445 = arith.constant 10 : i32
      %add3A_446 = arith.addi %mul3A_279, %add3A_445 : i32
      %add3A_447 = arith.constant 6 : i32
      %add3A_448 = arith.addi %add3A_446, %add3A_447 : i32
      %mul3A_449 = arith.constant 128 : i32
      %mul3A_450 = arith.muli %add3A_448, %mul3A_449 : i32
      %add3A_451 = arith.addi %multiple_of3A_11, %mul3A_450 : i32
      %multiple_of3A_452 = tpu.assume_multiple %add3A_451, 8 : i32
      %dma_start3A_453 = tpu.memref_slice %arg3[%multiple_of3A_452] : memref<3200000xi32, #tpu.memory_space<hbm>> -> memref<128xi32, #tpu.memory_space<hbm>>
      %dma_start3A_454 = tpu.memref_slice %arg3[%multiple_of3A_452] : memref<3200000xi32, #tpu.memory_space<hbm>> -> memref<128xi32, #tpu.memory_space<hbm>>
      tpu.enqueue_dma source(%dma_start3A_454 : memref<128xi32, #tpu.memory_space<hbm>>) target(%arg11 : memref<128xi32, #tpu.memory_space<vmem>>) target_semaphore(%arg56 : memref<!tpu.dma_semaphore, #tpu.memory_space<semaphore_mem>>)
      %add3A_455 = arith.constant 1600000 : i32
      %add3A_456 = arith.addi %add3A_455, %multiple_of3A_452 : i32
      %dma_start3A_457 = tpu.memref_slice %arg3[%add3A_456] : memref<3200000xi32, #tpu.memory_space<hbm>> -> memref<128xi32, #tpu.memory_space<hbm>>
      %dma_start3A_458 = tpu.memref_slice %arg3[%add3A_456] : memref<3200000xi32, #tpu.memory_space<hbm>> -> memref<128xi32, #tpu.memory_space<hbm>>
      tpu.enqueue_dma source(%dma_start3A_458 : memref<128xi32, #tpu.memory_space<hbm>>) target(%arg21 : memref<128xi32, #tpu.memory_space<vmem>>) target_semaphore(%arg56 : memref<!tpu.dma_semaphore, #tpu.memory_space<semaphore_mem>>)
      %dma_wait3A_459 = arith.constant 0 : i32
      %dma_wait3A_460 = arith.constant 0 : i32
      %dma_wait3A_461 = tpu.memref_slice %arg39[%dma_wait3A_459, %dma_wait3A_460] : memref<50176x16xf32, #tpu.memory_space<vmem_shared>> -> memref<50176x16xf32, #tpu.memory_space<vmem_shared>>
      tpu.wait_indirect_dma semaphore(%arg67 : memref<!tpu.dma_semaphore, #tpu.memory_space<semaphore_mem>>) src(%arg32 : memref<128x16xf32, #tpu.memory_space<vmem>>) dst(%dma_wait3A_461 : memref<50176x16xf32, #tpu.memory_space<vmem_shared>>)
      %add3A_462 = arith.constant 10 : i32
      %add3A_463 = arith.addi %mul3A_279, %add3A_462 : i32
      %add3A_464 = arith.constant 7 : i32
      %add3A_465 = arith.addi %add3A_463, %add3A_464 : i32
      %mul3A_466 = arith.constant 128 : i32
      %mul3A_467 = arith.muli %add3A_465, %mul3A_466 : i32
      %add3A_468 = arith.addi %multiple_of3A_11, %mul3A_467 : i32
      %multiple_of3A_469 = tpu.assume_multiple %add3A_468, 8 : i32
      %dma_start3A_470 = tpu.memref_slice %arg3[%multiple_of3A_469] : memref<3200000xi32, #tpu.memory_space<hbm>> -> memref<128xi32, #tpu.memory_space<hbm>>
      %dma_start3A_471 = tpu.memref_slice %arg3[%multiple_of3A_469] : memref<3200000xi32, #tpu.memory_space<hbm>> -> memref<128xi32, #tpu.memory_space<hbm>>
      tpu.enqueue_dma source(%dma_start3A_471 : memref<128xi32, #tpu.memory_space<hbm>>) target(%arg12 : memref<128xi32, #tpu.memory_space<vmem>>) target_semaphore(%arg57 : memref<!tpu.dma_semaphore, #tpu.memory_space<semaphore_mem>>)
      %add3A_472 = arith.constant 1600000 : i32
      %add3A_473 = arith.addi %add3A_472, %multiple_of3A_469 : i32
      %dma_start3A_474 = tpu.memref_slice %arg3[%add3A_473] : memref<3200000xi32, #tpu.memory_space<hbm>> -> memref<128xi32, #tpu.memory_space<hbm>>
      %dma_start3A_475 = tpu.memref_slice %arg3[%add3A_473] : memref<3200000xi32, #tpu.memory_space<hbm>> -> memref<128xi32, #tpu.memory_space<hbm>>
      tpu.enqueue_dma source(%dma_start3A_475 : memref<128xi32, #tpu.memory_space<hbm>>) target(%arg22 : memref<128xi32, #tpu.memory_space<vmem>>) target_semaphore(%arg57 : memref<!tpu.dma_semaphore, #tpu.memory_space<semaphore_mem>>)
      %dma_wait3A_476 = arith.constant 0 : i32
      %dma_wait3A_477 = arith.constant 0 : i32
      %dma_wait3A_478 = tpu.memref_slice %arg39[%dma_wait3A_476, %dma_wait3A_477] : memref<50176x16xf32, #tpu.memory_space<vmem_shared>> -> memref<50176x16xf32, #tpu.memory_space<vmem_shared>>
      tpu.wait_indirect_dma semaphore(%arg68 : memref<!tpu.dma_semaphore, #tpu.memory_space<semaphore_mem>>) src(%arg33 : memref<128x16xf32, #tpu.memory_space<vmem>>) dst(%dma_wait3A_478 : memref<50176x16xf32, #tpu.memory_space<vmem_shared>>)
      %add3A_479 = arith.constant 10 : i32
      %add3A_480 = arith.addi %mul3A_279, %add3A_479 : i32
      %add3A_481 = arith.constant 8 : i32
      %add3A_482 = arith.addi %add3A_480, %add3A_481 : i32
      %mul3A_483 = arith.constant 128 : i32
      %mul3A_484 = arith.muli %add3A_482, %mul3A_483 : i32
      %add3A_485 = arith.addi %multiple_of3A_11, %mul3A_484 : i32
      %multiple_of3A_486 = tpu.assume_multiple %add3A_485, 8 : i32
      %dma_start3A_487 = tpu.memref_slice %arg3[%multiple_of3A_486] : memref<3200000xi32, #tpu.memory_space<hbm>> -> memref<128xi32, #tpu.memory_space<hbm>>
      %dma_start3A_488 = tpu.memref_slice %arg3[%multiple_of3A_486] : memref<3200000xi32, #tpu.memory_space<hbm>> -> memref<128xi32, #tpu.memory_space<hbm>>
      tpu.enqueue_dma source(%dma_start3A_488 : memref<128xi32, #tpu.memory_space<hbm>>) target(%arg13 : memref<128xi32, #tpu.memory_space<vmem>>) target_semaphore(%arg58 : memref<!tpu.dma_semaphore, #tpu.memory_space<semaphore_mem>>)
      %add3A_489 = arith.constant 1600000 : i32
      %add3A_490 = arith.addi %add3A_489, %multiple_of3A_486 : i32
      %dma_start3A_491 = tpu.memref_slice %arg3[%add3A_490] : memref<3200000xi32, #tpu.memory_space<hbm>> -> memref<128xi32, #tpu.memory_space<hbm>>
      %dma_start3A_492 = tpu.memref_slice %arg3[%add3A_490] : memref<3200000xi32, #tpu.memory_space<hbm>> -> memref<128xi32, #tpu.memory_space<hbm>>
      tpu.enqueue_dma source(%dma_start3A_492 : memref<128xi32, #tpu.memory_space<hbm>>) target(%arg23 : memref<128xi32, #tpu.memory_space<vmem>>) target_semaphore(%arg58 : memref<!tpu.dma_semaphore, #tpu.memory_space<semaphore_mem>>)
      %dma_wait3A_493 = arith.constant 0 : i32
      %dma_wait3A_494 = arith.constant 0 : i32
      %dma_wait3A_495 = tpu.memref_slice %arg39[%dma_wait3A_493, %dma_wait3A_494] : memref<50176x16xf32, #tpu.memory_space<vmem_shared>> -> memref<50176x16xf32, #tpu.memory_space<vmem_shared>>
      tpu.wait_indirect_dma semaphore(%arg69 : memref<!tpu.dma_semaphore, #tpu.memory_space<semaphore_mem>>) src(%arg34 : memref<128x16xf32, #tpu.memory_space<vmem>>) dst(%dma_wait3A_495 : memref<50176x16xf32, #tpu.memory_space<vmem_shared>>)
      %add3A_496 = arith.constant 10 : i32
      %add3A_497 = arith.addi %mul3A_279, %add3A_496 : i32
      %add3A_498 = arith.constant 9 : i32
      %add3A_499 = arith.addi %add3A_497, %add3A_498 : i32
      %mul3A_500 = arith.constant 128 : i32
      %mul3A_501 = arith.muli %add3A_499, %mul3A_500 : i32
      %add3A_502 = arith.addi %multiple_of3A_11, %mul3A_501 : i32
      %multiple_of3A_503 = tpu.assume_multiple %add3A_502, 8 : i32
      %dma_start3A_504 = tpu.memref_slice %arg3[%multiple_of3A_503] : memref<3200000xi32, #tpu.memory_space<hbm>> -> memref<128xi32, #tpu.memory_space<hbm>>
      %dma_start3A_505 = tpu.memref_slice %arg3[%multiple_of3A_503] : memref<3200000xi32, #tpu.memory_space<hbm>> -> memref<128xi32, #tpu.memory_space<hbm>>
      tpu.enqueue_dma source(%dma_start3A_505 : memref<128xi32, #tpu.memory_space<hbm>>) target(%arg14 : memref<128xi32, #tpu.memory_space<vmem>>) target_semaphore(%arg59 : memref<!tpu.dma_semaphore, #tpu.memory_space<semaphore_mem>>)
      %add3A_506 = arith.constant 1600000 : i32
      %add3A_507 = arith.addi %add3A_506, %multiple_of3A_503 : i32
      %dma_start3A_508 = tpu.memref_slice %arg3[%add3A_507] : memref<3200000xi32, #tpu.memory_space<hbm>> -> memref<128xi32, #tpu.memory_space<hbm>>
      %dma_start3A_509 = tpu.memref_slice %arg3[%add3A_507] : memref<3200000xi32, #tpu.memory_space<hbm>> -> memref<128xi32, #tpu.memory_space<hbm>>
      tpu.enqueue_dma source(%dma_start3A_509 : memref<128xi32, #tpu.memory_space<hbm>>) target(%arg24 : memref<128xi32, #tpu.memory_space<vmem>>) target_semaphore(%arg59 : memref<!tpu.dma_semaphore, #tpu.memory_space<semaphore_mem>>)
      %dma_wait3A_510 = tpu.memref_slice %arg3[%multiple_of3A_350] : memref<3200000xi32, #tpu.memory_space<hbm>> -> memref<128xi32, #tpu.memory_space<hbm>>
      %dma_wait3A_511 = tpu.memref_slice %arg3[%multiple_of3A_350] : memref<3200000xi32, #tpu.memory_space<hbm>> -> memref<128xi32, #tpu.memory_space<hbm>>
      tpu.wait_dma2 semaphore(%arg50 : memref<!tpu.dma_semaphore, #tpu.memory_space<semaphore_mem>>) src(%dma_wait3A_511 : memref<128xi32, #tpu.memory_space<hbm>>) dst(%arg5 : memref<128xi32, #tpu.memory_space<vmem>>)
      %dma_wait3A_512 = tpu.memref_slice %arg3[%add3A_354] : memref<3200000xi32, #tpu.memory_space<hbm>> -> memref<128xi32, #tpu.memory_space<hbm>>
      %dma_wait3A_513 = tpu.memref_slice %arg3[%add3A_354] : memref<3200000xi32, #tpu.memory_space<hbm>> -> memref<128xi32, #tpu.memory_space<hbm>>
      tpu.wait_dma2 semaphore(%arg50 : memref<!tpu.dma_semaphore, #tpu.memory_space<semaphore_mem>>) src(%dma_wait3A_513 : memref<128xi32, #tpu.memory_space<hbm>>) dst(%arg15 : memref<128xi32, #tpu.memory_space<vmem>>)
      %dma_start3A_514 = arith.constant 0 : i32
      %dma_start3A_515 = arith.constant 0 : i32
      %dma_start3A_516 = tpu.memref_slice %arg2[%dma_start3A_514, %dma_start3A_515] : memref<50176x16xf32, #tpu.memory_space<hbm>> -> memref<50176x16xf32, #tpu.memory_space<hbm>>
      tpu.enqueue_indirect_dma source(%dma_start3A_516 : memref<50176x16xf32, #tpu.memory_space<hbm>>) target(%arg25 : memref<128x16xf32, #tpu.memory_space<vmem>>) offsets(%arg5 : memref<128xi32, #tpu.memory_space<vmem>>) semaphore(%arg40 : memref<!tpu.dma_semaphore, #tpu.memory_space<semaphore_mem>>)
      %dma_wait3A_517 = tpu.memref_slice %arg3[%multiple_of3A_367] : memref<3200000xi32, #tpu.memory_space<hbm>> -> memref<128xi32, #tpu.memory_space<hbm>>
      %dma_wait3A_518 = tpu.memref_slice %arg3[%multiple_of3A_367] : memref<3200000xi32, #tpu.memory_space<hbm>> -> memref<128xi32, #tpu.memory_space<hbm>>
      tpu.wait_dma2 semaphore(%arg51 : memref<!tpu.dma_semaphore, #tpu.memory_space<semaphore_mem>>) src(%dma_wait3A_518 : memref<128xi32, #tpu.memory_space<hbm>>) dst(%arg6 : memref<128xi32, #tpu.memory_space<vmem>>)
      %dma_wait3A_519 = tpu.memref_slice %arg3[%add3A_371] : memref<3200000xi32, #tpu.memory_space<hbm>> -> memref<128xi32, #tpu.memory_space<hbm>>
      %dma_wait3A_520 = tpu.memref_slice %arg3[%add3A_371] : memref<3200000xi32, #tpu.memory_space<hbm>> -> memref<128xi32, #tpu.memory_space<hbm>>
      tpu.wait_dma2 semaphore(%arg51 : memref<!tpu.dma_semaphore, #tpu.memory_space<semaphore_mem>>) src(%dma_wait3A_520 : memref<128xi32, #tpu.memory_space<hbm>>) dst(%arg16 : memref<128xi32, #tpu.memory_space<vmem>>)
      %dma_start3A_521 = arith.constant 0 : i32
      %dma_start3A_522 = arith.constant 0 : i32
      %dma_start3A_523 = tpu.memref_slice %arg2[%dma_start3A_521, %dma_start3A_522] : memref<50176x16xf32, #tpu.memory_space<hbm>> -> memref<50176x16xf32, #tpu.memory_space<hbm>>
      tpu.enqueue_indirect_dma source(%dma_start3A_523 : memref<50176x16xf32, #tpu.memory_space<hbm>>) target(%arg26 : memref<128x16xf32, #tpu.memory_space<vmem>>) offsets(%arg6 : memref<128xi32, #tpu.memory_space<vmem>>) semaphore(%arg41 : memref<!tpu.dma_semaphore, #tpu.memory_space<semaphore_mem>>)
      %dma_wait3A_524 = tpu.memref_slice %arg3[%multiple_of3A_384] : memref<3200000xi32, #tpu.memory_space<hbm>> -> memref<128xi32, #tpu.memory_space<hbm>>
      %dma_wait3A_525 = tpu.memref_slice %arg3[%multiple_of3A_384] : memref<3200000xi32, #tpu.memory_space<hbm>> -> memref<128xi32, #tpu.memory_space<hbm>>
      tpu.wait_dma2 semaphore(%arg52 : memref<!tpu.dma_semaphore, #tpu.memory_space<semaphore_mem>>) src(%dma_wait3A_525 : memref<128xi32, #tpu.memory_space<hbm>>) dst(%arg7 : memref<128xi32, #tpu.memory_space<vmem>>)
      %dma_wait3A_526 = tpu.memref_slice %arg3[%add3A_388] : memref<3200000xi32, #tpu.memory_space<hbm>> -> memref<128xi32, #tpu.memory_space<hbm>>
      %dma_wait3A_527 = tpu.memref_slice %arg3[%add3A_388] : memref<3200000xi32, #tpu.memory_space<hbm>> -> memref<128xi32, #tpu.memory_space<hbm>>
      tpu.wait_dma2 semaphore(%arg52 : memref<!tpu.dma_semaphore, #tpu.memory_space<semaphore_mem>>) src(%dma_wait3A_527 : memref<128xi32, #tpu.memory_space<hbm>>) dst(%arg17 : memref<128xi32, #tpu.memory_space<vmem>>)
      %dma_start3A_528 = arith.constant 0 : i32
      %dma_start3A_529 = arith.constant 0 : i32
      %dma_start3A_530 = tpu.memref_slice %arg2[%dma_start3A_528, %dma_start3A_529] : memref<50176x16xf32, #tpu.memory_space<hbm>> -> memref<50176x16xf32, #tpu.memory_space<hbm>>
      tpu.enqueue_indirect_dma source(%dma_start3A_530 : memref<50176x16xf32, #tpu.memory_space<hbm>>) target(%arg27 : memref<128x16xf32, #tpu.memory_space<vmem>>) offsets(%arg7 : memref<128xi32, #tpu.memory_space<vmem>>) semaphore(%arg42 : memref<!tpu.dma_semaphore, #tpu.memory_space<semaphore_mem>>)
      %dma_wait3A_531 = tpu.memref_slice %arg3[%multiple_of3A_401] : memref<3200000xi32, #tpu.memory_space<hbm>> -> memref<128xi32, #tpu.memory_space<hbm>>
      %dma_wait3A_532 = tpu.memref_slice %arg3[%multiple_of3A_401] : memref<3200000xi32, #tpu.memory_space<hbm>> -> memref<128xi32, #tpu.memory_space<hbm>>
      tpu.wait_dma2 semaphore(%arg53 : memref<!tpu.dma_semaphore, #tpu.memory_space<semaphore_mem>>) src(%dma_wait3A_532 : memref<128xi32, #tpu.memory_space<hbm>>) dst(%arg8 : memref<128xi32, #tpu.memory_space<vmem>>)
      %dma_wait3A_533 = tpu.memref_slice %arg3[%add3A_405] : memref<3200000xi32, #tpu.memory_space<hbm>> -> memref<128xi32, #tpu.memory_space<hbm>>
      %dma_wait3A_534 = tpu.memref_slice %arg3[%add3A_405] : memref<3200000xi32, #tpu.memory_space<hbm>> -> memref<128xi32, #tpu.memory_space<hbm>>
      tpu.wait_dma2 semaphore(%arg53 : memref<!tpu.dma_semaphore, #tpu.memory_space<semaphore_mem>>) src(%dma_wait3A_534 : memref<128xi32, #tpu.memory_space<hbm>>) dst(%arg18 : memref<128xi32, #tpu.memory_space<vmem>>)
      %dma_start3A_535 = arith.constant 0 : i32
      %dma_start3A_536 = arith.constant 0 : i32
      %dma_start3A_537 = tpu.memref_slice %arg2[%dma_start3A_535, %dma_start3A_536] : memref<50176x16xf32, #tpu.memory_space<hbm>> -> memref<50176x16xf32, #tpu.memory_space<hbm>>
      tpu.enqueue_indirect_dma source(%dma_start3A_537 : memref<50176x16xf32, #tpu.memory_space<hbm>>) target(%arg28 : memref<128x16xf32, #tpu.memory_space<vmem>>) offsets(%arg8 : memref<128xi32, #tpu.memory_space<vmem>>) semaphore(%arg43 : memref<!tpu.dma_semaphore, #tpu.memory_space<semaphore_mem>>)
      %dma_wait3A_538 = tpu.memref_slice %arg3[%multiple_of3A_418] : memref<3200000xi32, #tpu.memory_space<hbm>> -> memref<128xi32, #tpu.memory_space<hbm>>
      %dma_wait3A_539 = tpu.memref_slice %arg3[%multiple_of3A_418] : memref<3200000xi32, #tpu.memory_space<hbm>> -> memref<128xi32, #tpu.memory_space<hbm>>
      tpu.wait_dma2 semaphore(%arg54 : memref<!tpu.dma_semaphore, #tpu.memory_space<semaphore_mem>>) src(%dma_wait3A_539 : memref<128xi32, #tpu.memory_space<hbm>>) dst(%arg9 : memref<128xi32, #tpu.memory_space<vmem>>)
      %dma_wait3A_540 = tpu.memref_slice %arg3[%add3A_422] : memref<3200000xi32, #tpu.memory_space<hbm>> -> memref<128xi32, #tpu.memory_space<hbm>>
      %dma_wait3A_541 = tpu.memref_slice %arg3[%add3A_422] : memref<3200000xi32, #tpu.memory_space<hbm>> -> memref<128xi32, #tpu.memory_space<hbm>>
      tpu.wait_dma2 semaphore(%arg54 : memref<!tpu.dma_semaphore, #tpu.memory_space<semaphore_mem>>) src(%dma_wait3A_541 : memref<128xi32, #tpu.memory_space<hbm>>) dst(%arg19 : memref<128xi32, #tpu.memory_space<vmem>>)
      %dma_start3A_542 = arith.constant 0 : i32
      %dma_start3A_543 = arith.constant 0 : i32
      %dma_start3A_544 = tpu.memref_slice %arg2[%dma_start3A_542, %dma_start3A_543] : memref<50176x16xf32, #tpu.memory_space<hbm>> -> memref<50176x16xf32, #tpu.memory_space<hbm>>
      tpu.enqueue_indirect_dma source(%dma_start3A_544 : memref<50176x16xf32, #tpu.memory_space<hbm>>) target(%arg29 : memref<128x16xf32, #tpu.memory_space<vmem>>) offsets(%arg9 : memref<128xi32, #tpu.memory_space<vmem>>) semaphore(%arg44 : memref<!tpu.dma_semaphore, #tpu.memory_space<semaphore_mem>>)
      %dma_wait3A_545 = tpu.memref_slice %arg3[%multiple_of3A_435] : memref<3200000xi32, #tpu.memory_space<hbm>> -> memref<128xi32, #tpu.memory_space<hbm>>
      %dma_wait3A_546 = tpu.memref_slice %arg3[%multiple_of3A_435] : memref<3200000xi32, #tpu.memory_space<hbm>> -> memref<128xi32, #tpu.memory_space<hbm>>
      tpu.wait_dma2 semaphore(%arg55 : memref<!tpu.dma_semaphore, #tpu.memory_space<semaphore_mem>>) src(%dma_wait3A_546 : memref<128xi32, #tpu.memory_space<hbm>>) dst(%arg10 : memref<128xi32, #tpu.memory_space<vmem>>)
      %dma_wait3A_547 = tpu.memref_slice %arg3[%add3A_439] : memref<3200000xi32, #tpu.memory_space<hbm>> -> memref<128xi32, #tpu.memory_space<hbm>>
      %dma_wait3A_548 = tpu.memref_slice %arg3[%add3A_439] : memref<3200000xi32, #tpu.memory_space<hbm>> -> memref<128xi32, #tpu.memory_space<hbm>>
      tpu.wait_dma2 semaphore(%arg55 : memref<!tpu.dma_semaphore, #tpu.memory_space<semaphore_mem>>) src(%dma_wait3A_548 : memref<128xi32, #tpu.memory_space<hbm>>) dst(%arg20 : memref<128xi32, #tpu.memory_space<vmem>>)
      %dma_start3A_549 = arith.constant 0 : i32
      %dma_start3A_550 = arith.constant 0 : i32
      %dma_start3A_551 = tpu.memref_slice %arg2[%dma_start3A_549, %dma_start3A_550] : memref<50176x16xf32, #tpu.memory_space<hbm>> -> memref<50176x16xf32, #tpu.memory_space<hbm>>
      tpu.enqueue_indirect_dma source(%dma_start3A_551 : memref<50176x16xf32, #tpu.memory_space<hbm>>) target(%arg30 : memref<128x16xf32, #tpu.memory_space<vmem>>) offsets(%arg10 : memref<128xi32, #tpu.memory_space<vmem>>) semaphore(%arg45 : memref<!tpu.dma_semaphore, #tpu.memory_space<semaphore_mem>>)
      %dma_wait3A_552 = tpu.memref_slice %arg3[%multiple_of3A_452] : memref<3200000xi32, #tpu.memory_space<hbm>> -> memref<128xi32, #tpu.memory_space<hbm>>
      %dma_wait3A_553 = tpu.memref_slice %arg3[%multiple_of3A_452] : memref<3200000xi32, #tpu.memory_space<hbm>> -> memref<128xi32, #tpu.memory_space<hbm>>
      tpu.wait_dma2 semaphore(%arg56 : memref<!tpu.dma_semaphore, #tpu.memory_space<semaphore_mem>>) src(%dma_wait3A_553 : memref<128xi32, #tpu.memory_space<hbm>>) dst(%arg11 : memref<128xi32, #tpu.memory_space<vmem>>)
      %dma_wait3A_554 = tpu.memref_slice %arg3[%add3A_456] : memref<3200000xi32, #tpu.memory_space<hbm>> -> memref<128xi32, #tpu.memory_space<hbm>>
      %dma_wait3A_555 = tpu.memref_slice %arg3[%add3A_456] : memref<3200000xi32, #tpu.memory_space<hbm>> -> memref<128xi32, #tpu.memory_space<hbm>>
      tpu.wait_dma2 semaphore(%arg56 : memref<!tpu.dma_semaphore, #tpu.memory_space<semaphore_mem>>) src(%dma_wait3A_555 : memref<128xi32, #tpu.memory_space<hbm>>) dst(%arg21 : memref<128xi32, #tpu.memory_space<vmem>>)
      %dma_start3A_556 = arith.constant 0 : i32
      %dma_start3A_557 = arith.constant 0 : i32
      %dma_start3A_558 = tpu.memref_slice %arg2[%dma_start3A_556, %dma_start3A_557] : memref<50176x16xf32, #tpu.memory_space<hbm>> -> memref<50176x16xf32, #tpu.memory_space<hbm>>
      tpu.enqueue_indirect_dma source(%dma_start3A_558 : memref<50176x16xf32, #tpu.memory_space<hbm>>) target(%arg31 : memref<128x16xf32, #tpu.memory_space<vmem>>) offsets(%arg11 : memref<128xi32, #tpu.memory_space<vmem>>) semaphore(%arg46 : memref<!tpu.dma_semaphore, #tpu.memory_space<semaphore_mem>>)
      %dma_wait3A_559 = tpu.memref_slice %arg3[%multiple_of3A_469] : memref<3200000xi32, #tpu.memory_space<hbm>> -> memref<128xi32, #tpu.memory_space<hbm>>
      %dma_wait3A_560 = tpu.memref_slice %arg3[%multiple_of3A_469] : memref<3200000xi32, #tpu.memory_space<hbm>> -> memref<128xi32, #tpu.memory_space<hbm>>
      tpu.wait_dma2 semaphore(%arg57 : memref<!tpu.dma_semaphore, #tpu.memory_space<semaphore_mem>>) src(%dma_wait3A_560 : memref<128xi32, #tpu.memory_space<hbm>>) dst(%arg12 : memref<128xi32, #tpu.memory_space<vmem>>)
      %dma_wait3A_561 = tpu.memref_slice %arg3[%add3A_473] : memref<3200000xi32, #tpu.memory_space<hbm>> -> memref<128xi32, #tpu.memory_space<hbm>>
      %dma_wait3A_562 = tpu.memref_slice %arg3[%add3A_473] : memref<3200000xi32, #tpu.memory_space<hbm>> -> memref<128xi32, #tpu.memory_space<hbm>>
      tpu.wait_dma2 semaphore(%arg57 : memref<!tpu.dma_semaphore, #tpu.memory_space<semaphore_mem>>) src(%dma_wait3A_562 : memref<128xi32, #tpu.memory_space<hbm>>) dst(%arg22 : memref<128xi32, #tpu.memory_space<vmem>>)
      %dma_start3A_563 = arith.constant 0 : i32
      %dma_start3A_564 = arith.constant 0 : i32
      %dma_start3A_565 = tpu.memref_slice %arg2[%dma_start3A_563, %dma_start3A_564] : memref<50176x16xf32, #tpu.memory_space<hbm>> -> memref<50176x16xf32, #tpu.memory_space<hbm>>
      tpu.enqueue_indirect_dma source(%dma_start3A_565 : memref<50176x16xf32, #tpu.memory_space<hbm>>) target(%arg32 : memref<128x16xf32, #tpu.memory_space<vmem>>) offsets(%arg12 : memref<128xi32, #tpu.memory_space<vmem>>) semaphore(%arg47 : memref<!tpu.dma_semaphore, #tpu.memory_space<semaphore_mem>>)
      %dma_wait3A_566 = tpu.memref_slice %arg3[%multiple_of3A_486] : memref<3200000xi32, #tpu.memory_space<hbm>> -> memref<128xi32, #tpu.memory_space<hbm>>
      %dma_wait3A_567 = tpu.memref_slice %arg3[%multiple_of3A_486] : memref<3200000xi32, #tpu.memory_space<hbm>> -> memref<128xi32, #tpu.memory_space<hbm>>
      tpu.wait_dma2 semaphore(%arg58 : memref<!tpu.dma_semaphore, #tpu.memory_space<semaphore_mem>>) src(%dma_wait3A_567 : memref<128xi32, #tpu.memory_space<hbm>>) dst(%arg13 : memref<128xi32, #tpu.memory_space<vmem>>)
      %dma_wait3A_568 = tpu.memref_slice %arg3[%add3A_490] : memref<3200000xi32, #tpu.memory_space<hbm>> -> memref<128xi32, #tpu.memory_space<hbm>>
      %dma_wait3A_569 = tpu.memref_slice %arg3[%add3A_490] : memref<3200000xi32, #tpu.memory_space<hbm>> -> memref<128xi32, #tpu.memory_space<hbm>>
      tpu.wait_dma2 semaphore(%arg58 : memref<!tpu.dma_semaphore, #tpu.memory_space<semaphore_mem>>) src(%dma_wait3A_569 : memref<128xi32, #tpu.memory_space<hbm>>) dst(%arg23 : memref<128xi32, #tpu.memory_space<vmem>>)
      %dma_start3A_570 = arith.constant 0 : i32
      %dma_start3A_571 = arith.constant 0 : i32
      %dma_start3A_572 = tpu.memref_slice %arg2[%dma_start3A_570, %dma_start3A_571] : memref<50176x16xf32, #tpu.memory_space<hbm>> -> memref<50176x16xf32, #tpu.memory_space<hbm>>
      tpu.enqueue_indirect_dma source(%dma_start3A_572 : memref<50176x16xf32, #tpu.memory_space<hbm>>) target(%arg33 : memref<128x16xf32, #tpu.memory_space<vmem>>) offsets(%arg13 : memref<128xi32, #tpu.memory_space<vmem>>) semaphore(%arg48 : memref<!tpu.dma_semaphore, #tpu.memory_space<semaphore_mem>>)
      %dma_wait3A_573 = tpu.memref_slice %arg3[%multiple_of3A_503] : memref<3200000xi32, #tpu.memory_space<hbm>> -> memref<128xi32, #tpu.memory_space<hbm>>
      %dma_wait3A_574 = tpu.memref_slice %arg3[%multiple_of3A_503] : memref<3200000xi32, #tpu.memory_space<hbm>> -> memref<128xi32, #tpu.memory_space<hbm>>
      tpu.wait_dma2 semaphore(%arg59 : memref<!tpu.dma_semaphore, #tpu.memory_space<semaphore_mem>>) src(%dma_wait3A_574 : memref<128xi32, #tpu.memory_space<hbm>>) dst(%arg14 : memref<128xi32, #tpu.memory_space<vmem>>)
      %dma_wait3A_575 = tpu.memref_slice %arg3[%add3A_507] : memref<3200000xi32, #tpu.memory_space<hbm>> -> memref<128xi32, #tpu.memory_space<hbm>>
      %dma_wait3A_576 = tpu.memref_slice %arg3[%add3A_507] : memref<3200000xi32, #tpu.memory_space<hbm>> -> memref<128xi32, #tpu.memory_space<hbm>>
      tpu.wait_dma2 semaphore(%arg59 : memref<!tpu.dma_semaphore, #tpu.memory_space<semaphore_mem>>) src(%dma_wait3A_576 : memref<128xi32, #tpu.memory_space<hbm>>) dst(%arg24 : memref<128xi32, #tpu.memory_space<vmem>>)
      %dma_start3A_577 = arith.constant 0 : i32
      %dma_start3A_578 = arith.constant 0 : i32
      %dma_start3A_579 = tpu.memref_slice %arg2[%dma_start3A_577, %dma_start3A_578] : memref<50176x16xf32, #tpu.memory_space<hbm>> -> memref<50176x16xf32, #tpu.memory_space<hbm>>
      tpu.enqueue_indirect_dma source(%dma_start3A_579 : memref<50176x16xf32, #tpu.memory_space<hbm>>) target(%arg34 : memref<128x16xf32, #tpu.memory_space<vmem>>) offsets(%arg14 : memref<128xi32, #tpu.memory_space<vmem>>) semaphore(%arg49 : memref<!tpu.dma_semaphore, #tpu.memory_space<semaphore_mem>>)
    }
    %scan3A_174 = arith.constant 38 : i32
    %dma_wait3A_175 = arith.constant 0 : i32
    %dma_wait3A_176 = arith.constant 0 : i32
    %dma_wait3A_177 = tpu.memref_slice %arg2[%dma_wait3A_175, %dma_wait3A_176] : memref<50176x16xf32, #tpu.memory_space<hbm>> -> memref<50176x16xf32, #tpu.memory_space<hbm>>
    tpu.wait_indirect_dma semaphore(%arg40 : memref<!tpu.dma_semaphore, #tpu.memory_space<semaphore_mem>>) src(%dma_wait3A_177 : memref<50176x16xf32, #tpu.memory_space<hbm>>) dst(%arg25 : memref<128x16xf32, #tpu.memory_space<vmem>>)
    %dma_start3A_178 = arith.constant 0 : i32
    %dma_start3A_179 = arith.constant 0 : i32
    %dma_start3A_180 = tpu.memref_slice %arg39[%dma_start3A_178, %dma_start3A_179] : memref<50176x16xf32, #tpu.memory_space<vmem_shared>> -> memref<50176x16xf32, #tpu.memory_space<vmem_shared>>
    tpu.enqueue_indirect_dma source(%arg25 : memref<128x16xf32, #tpu.memory_space<vmem>>) target(%dma_start3A_180 : memref<50176x16xf32, #tpu.memory_space<vmem_shared>>) offsets(%arg15 : memref<128xi32, #tpu.memory_space<vmem>>) semaphore(%arg60 : memref<!tpu.dma_semaphore, #tpu.memory_space<semaphore_mem>>) {add = true}
    %dma_wait3A_181 = arith.constant 0 : i32
    %dma_wait3A_182 = arith.constant 0 : i32
    %dma_wait3A_183 = tpu.memref_slice %arg2[%dma_wait3A_181, %dma_wait3A_182] : memref<50176x16xf32, #tpu.memory_space<hbm>> -> memref<50176x16xf32, #tpu.memory_space<hbm>>
    tpu.wait_indirect_dma semaphore(%arg41 : memref<!tpu.dma_semaphore, #tpu.memory_space<semaphore_mem>>) src(%dma_wait3A_183 : memref<50176x16xf32, #tpu.memory_space<hbm>>) dst(%arg26 : memref<128x16xf32, #tpu.memory_space<vmem>>)
    %dma_start3A_184 = arith.constant 0 : i32
    %dma_start3A_185 = arith.constant 0 : i32
    %dma_start3A_186 = tpu.memref_slice %arg39[%dma_start3A_184, %dma_start3A_185] : memref<50176x16xf32, #tpu.memory_space<vmem_shared>> -> memref<50176x16xf32, #tpu.memory_space<vmem_shared>>
    tpu.enqueue_indirect_dma source(%arg26 : memref<128x16xf32, #tpu.memory_space<vmem>>) target(%dma_start3A_186 : memref<50176x16xf32, #tpu.memory_space<vmem_shared>>) offsets(%arg16 : memref<128xi32, #tpu.memory_space<vmem>>) semaphore(%arg61 : memref<!tpu.dma_semaphore, #tpu.memory_space<semaphore_mem>>) {add = true}
    %dma_wait3A_187 = arith.constant 0 : i32
    %dma_wait3A_188 = arith.constant 0 : i32
    %dma_wait3A_189 = tpu.memref_slice %arg2[%dma_wait3A_187, %dma_wait3A_188] : memref<50176x16xf32, #tpu.memory_space<hbm>> -> memref<50176x16xf32, #tpu.memory_space<hbm>>
    tpu.wait_indirect_dma semaphore(%arg42 : memref<!tpu.dma_semaphore, #tpu.memory_space<semaphore_mem>>) src(%dma_wait3A_189 : memref<50176x16xf32, #tpu.memory_space<hbm>>) dst(%arg27 : memref<128x16xf32, #tpu.memory_space<vmem>>)
    %dma_start3A_190 = arith.constant 0 : i32
    %dma_start3A_191 = arith.constant 0 : i32
    %dma_start3A_192 = tpu.memref_slice %arg39[%dma_start3A_190, %dma_start3A_191] : memref<50176x16xf32, #tpu.memory_space<vmem_shared>> -> memref<50176x16xf32, #tpu.memory_space<vmem_shared>>
    tpu.enqueue_indirect_dma source(%arg27 : memref<128x16xf32, #tpu.memory_space<vmem>>) target(%dma_start3A_192 : memref<50176x16xf32, #tpu.memory_space<vmem_shared>>) offsets(%arg17 : memref<128xi32, #tpu.memory_space<vmem>>) semaphore(%arg62 : memref<!tpu.dma_semaphore, #tpu.memory_space<semaphore_mem>>) {add = true}
    %dma_wait3A_193 = arith.constant 0 : i32
    %dma_wait3A_194 = arith.constant 0 : i32
    %dma_wait3A_195 = tpu.memref_slice %arg2[%dma_wait3A_193, %dma_wait3A_194] : memref<50176x16xf32, #tpu.memory_space<hbm>> -> memref<50176x16xf32, #tpu.memory_space<hbm>>
    tpu.wait_indirect_dma semaphore(%arg43 : memref<!tpu.dma_semaphore, #tpu.memory_space<semaphore_mem>>) src(%dma_wait3A_195 : memref<50176x16xf32, #tpu.memory_space<hbm>>) dst(%arg28 : memref<128x16xf32, #tpu.memory_space<vmem>>)
    %dma_start3A_196 = arith.constant 0 : i32
    %dma_start3A_197 = arith.constant 0 : i32
    %dma_start3A_198 = tpu.memref_slice %arg39[%dma_start3A_196, %dma_start3A_197] : memref<50176x16xf32, #tpu.memory_space<vmem_shared>> -> memref<50176x16xf32, #tpu.memory_space<vmem_shared>>
    tpu.enqueue_indirect_dma source(%arg28 : memref<128x16xf32, #tpu.memory_space<vmem>>) target(%dma_start3A_198 : memref<50176x16xf32, #tpu.memory_space<vmem_shared>>) offsets(%arg18 : memref<128xi32, #tpu.memory_space<vmem>>) semaphore(%arg63 : memref<!tpu.dma_semaphore, #tpu.memory_space<semaphore_mem>>) {add = true}
    %dma_wait3A_199 = arith.constant 0 : i32
    %dma_wait3A_200 = arith.constant 0 : i32
    %dma_wait3A_201 = tpu.memref_slice %arg2[%dma_wait3A_199, %dma_wait3A_200] : memref<50176x16xf32, #tpu.memory_space<hbm>> -> memref<50176x16xf32, #tpu.memory_space<hbm>>
    tpu.wait_indirect_dma semaphore(%arg44 : memref<!tpu.dma_semaphore, #tpu.memory_space<semaphore_mem>>) src(%dma_wait3A_201 : memref<50176x16xf32, #tpu.memory_space<hbm>>) dst(%arg29 : memref<128x16xf32, #tpu.memory_space<vmem>>)
    %dma_start3A_202 = arith.constant 0 : i32
    %dma_start3A_203 = arith.constant 0 : i32
    %dma_start3A_204 = tpu.memref_slice %arg39[%dma_start3A_202, %dma_start3A_203] : memref<50176x16xf32, #tpu.memory_space<vmem_shared>> -> memref<50176x16xf32, #tpu.memory_space<vmem_shared>>
    tpu.enqueue_indirect_dma source(%arg29 : memref<128x16xf32, #tpu.memory_space<vmem>>) target(%dma_start3A_204 : memref<50176x16xf32, #tpu.memory_space<vmem_shared>>) offsets(%arg19 : memref<128xi32, #tpu.memory_space<vmem>>) semaphore(%arg64 : memref<!tpu.dma_semaphore, #tpu.memory_space<semaphore_mem>>) {add = true}
    %dma_wait3A_205 = arith.constant 0 : i32
    %dma_wait3A_206 = arith.constant 0 : i32
    %dma_wait3A_207 = tpu.memref_slice %arg2[%dma_wait3A_205, %dma_wait3A_206] : memref<50176x16xf32, #tpu.memory_space<hbm>> -> memref<50176x16xf32, #tpu.memory_space<hbm>>
    tpu.wait_indirect_dma semaphore(%arg45 : memref<!tpu.dma_semaphore, #tpu.memory_space<semaphore_mem>>) src(%dma_wait3A_207 : memref<50176x16xf32, #tpu.memory_space<hbm>>) dst(%arg30 : memref<128x16xf32, #tpu.memory_space<vmem>>)
    %dma_start3A_208 = arith.constant 0 : i32
    %dma_start3A_209 = arith.constant 0 : i32
    %dma_start3A_210 = tpu.memref_slice %arg39[%dma_start3A_208, %dma_start3A_209] : memref<50176x16xf32, #tpu.memory_space<vmem_shared>> -> memref<50176x16xf32, #tpu.memory_space<vmem_shared>>
    tpu.enqueue_indirect_dma source(%arg30 : memref<128x16xf32, #tpu.memory_space<vmem>>) target(%dma_start3A_210 : memref<50176x16xf32, #tpu.memory_space<vmem_shared>>) offsets(%arg20 : memref<128xi32, #tpu.memory_space<vmem>>) semaphore(%arg65 : memref<!tpu.dma_semaphore, #tpu.memory_space<semaphore_mem>>) {add = true}
    %dma_wait3A_211 = arith.constant 0 : i32
    %dma_wait3A_212 = arith.constant 0 : i32
    %dma_wait3A_213 = tpu.memref_slice %arg2[%dma_wait3A_211, %dma_wait3A_212] : memref<50176x16xf32, #tpu.memory_space<hbm>> -> memref<50176x16xf32, #tpu.memory_space<hbm>>
    tpu.wait_indirect_dma semaphore(%arg46 : memref<!tpu.dma_semaphore, #tpu.memory_space<semaphore_mem>>) src(%dma_wait3A_213 : memref<50176x16xf32, #tpu.memory_space<hbm>>) dst(%arg31 : memref<128x16xf32, #tpu.memory_space<vmem>>)
    %dma_start3A_214 = arith.constant 0 : i32
    %dma_start3A_215 = arith.constant 0 : i32
    %dma_start3A_216 = tpu.memref_slice %arg39[%dma_start3A_214, %dma_start3A_215] : memref<50176x16xf32, #tpu.memory_space<vmem_shared>> -> memref<50176x16xf32, #tpu.memory_space<vmem_shared>>
    tpu.enqueue_indirect_dma source(%arg31 : memref<128x16xf32, #tpu.memory_space<vmem>>) target(%dma_start3A_216 : memref<50176x16xf32, #tpu.memory_space<vmem_shared>>) offsets(%arg21 : memref<128xi32, #tpu.memory_space<vmem>>) semaphore(%arg66 : memref<!tpu.dma_semaphore, #tpu.memory_space<semaphore_mem>>) {add = true}
    %dma_wait3A_217 = arith.constant 0 : i32
    %dma_wait3A_218 = arith.constant 0 : i32
    %dma_wait3A_219 = tpu.memref_slice %arg2[%dma_wait3A_217, %dma_wait3A_218] : memref<50176x16xf32, #tpu.memory_space<hbm>> -> memref<50176x16xf32, #tpu.memory_space<hbm>>
    tpu.wait_indirect_dma semaphore(%arg47 : memref<!tpu.dma_semaphore, #tpu.memory_space<semaphore_mem>>) src(%dma_wait3A_219 : memref<50176x16xf32, #tpu.memory_space<hbm>>) dst(%arg32 : memref<128x16xf32, #tpu.memory_space<vmem>>)
    %dma_start3A_220 = arith.constant 0 : i32
    %dma_start3A_221 = arith.constant 0 : i32
    %dma_start3A_222 = tpu.memref_slice %arg39[%dma_start3A_220, %dma_start3A_221] : memref<50176x16xf32, #tpu.memory_space<vmem_shared>> -> memref<50176x16xf32, #tpu.memory_space<vmem_shared>>
    tpu.enqueue_indirect_dma source(%arg32 : memref<128x16xf32, #tpu.memory_space<vmem>>) target(%dma_start3A_222 : memref<50176x16xf32, #tpu.memory_space<vmem_shared>>) offsets(%arg22 : memref<128xi32, #tpu.memory_space<vmem>>) semaphore(%arg67 : memref<!tpu.dma_semaphore, #tpu.memory_space<semaphore_mem>>) {add = true}
    %dma_wait3A_223 = arith.constant 0 : i32
    %dma_wait3A_224 = arith.constant 0 : i32
    %dma_wait3A_225 = tpu.memref_slice %arg2[%dma_wait3A_223, %dma_wait3A_224] : memref<50176x16xf32, #tpu.memory_space<hbm>> -> memref<50176x16xf32, #tpu.memory_space<hbm>>
    tpu.wait_indirect_dma semaphore(%arg48 : memref<!tpu.dma_semaphore, #tpu.memory_space<semaphore_mem>>) src(%dma_wait3A_225 : memref<50176x16xf32, #tpu.memory_space<hbm>>) dst(%arg33 : memref<128x16xf32, #tpu.memory_space<vmem>>)
    %dma_start3A_226 = arith.constant 0 : i32
    %dma_start3A_227 = arith.constant 0 : i32
    %dma_start3A_228 = tpu.memref_slice %arg39[%dma_start3A_226, %dma_start3A_227] : memref<50176x16xf32, #tpu.memory_space<vmem_shared>> -> memref<50176x16xf32, #tpu.memory_space<vmem_shared>>
    tpu.enqueue_indirect_dma source(%arg33 : memref<128x16xf32, #tpu.memory_space<vmem>>) target(%dma_start3A_228 : memref<50176x16xf32, #tpu.memory_space<vmem_shared>>) offsets(%arg23 : memref<128xi32, #tpu.memory_space<vmem>>) semaphore(%arg68 : memref<!tpu.dma_semaphore, #tpu.memory_space<semaphore_mem>>) {add = true}
    %dma_wait3A_229 = arith.constant 0 : i32
    %dma_wait3A_230 = arith.constant 0 : i32
    %dma_wait3A_231 = tpu.memref_slice %arg2[%dma_wait3A_229, %dma_wait3A_230] : memref<50176x16xf32, #tpu.memory_space<hbm>> -> memref<50176x16xf32, #tpu.memory_space<hbm>>
    tpu.wait_indirect_dma semaphore(%arg49 : memref<!tpu.dma_semaphore, #tpu.memory_space<semaphore_mem>>) src(%dma_wait3A_231 : memref<50176x16xf32, #tpu.memory_space<hbm>>) dst(%arg34 : memref<128x16xf32, #tpu.memory_space<vmem>>)
    %dma_start3A_232 = arith.constant 0 : i32
    %dma_start3A_233 = arith.constant 0 : i32
    %dma_start3A_234 = tpu.memref_slice %arg39[%dma_start3A_232, %dma_start3A_233] : memref<50176x16xf32, #tpu.memory_space<vmem_shared>> -> memref<50176x16xf32, #tpu.memory_space<vmem_shared>>
    tpu.enqueue_indirect_dma source(%arg34 : memref<128x16xf32, #tpu.memory_space<vmem>>) target(%dma_start3A_234 : memref<50176x16xf32, #tpu.memory_space<vmem_shared>>) offsets(%arg24 : memref<128xi32, #tpu.memory_space<vmem>>) semaphore(%arg69 : memref<!tpu.dma_semaphore, #tpu.memory_space<semaphore_mem>>) {add = true}
    %dma_wait3A_235 = arith.constant 0 : i32
    %dma_wait3A_236 = arith.constant 0 : i32
    %dma_wait3A_237 = tpu.memref_slice %arg39[%dma_wait3A_235, %dma_wait3A_236] : memref<50176x16xf32, #tpu.memory_space<vmem_shared>> -> memref<50176x16xf32, #tpu.memory_space<vmem_shared>>
    tpu.wait_indirect_dma semaphore(%arg60 : memref<!tpu.dma_semaphore, #tpu.memory_space<semaphore_mem>>) src(%arg25 : memref<128x16xf32, #tpu.memory_space<vmem>>) dst(%dma_wait3A_237 : memref<50176x16xf32, #tpu.memory_space<vmem_shared>>)
    %dma_wait3A_238 = arith.constant 0 : i32
    %dma_wait3A_239 = arith.constant 0 : i32
    %dma_wait3A_240 = tpu.memref_slice %arg39[%dma_wait3A_238, %dma_wait3A_239] : memref<50176x16xf32, #tpu.memory_space<vmem_shared>> -> memref<50176x16xf32, #tpu.memory_space<vmem_shared>>
    tpu.wait_indirect_dma semaphore(%arg61 : memref<!tpu.dma_semaphore, #tpu.memory_space<semaphore_mem>>) src(%arg26 : memref<128x16xf32, #tpu.memory_space<vmem>>) dst(%dma_wait3A_240 : memref<50176x16xf32, #tpu.memory_space<vmem_shared>>)
    %dma_wait3A_241 = arith.constant 0 : i32
    %dma_wait3A_242 = arith.constant 0 : i32
    %dma_wait3A_243 = tpu.memref_slice %arg39[%dma_wait3A_241, %dma_wait3A_242] : memref<50176x16xf32, #tpu.memory_space<vmem_shared>> -> memref<50176x16xf32, #tpu.memory_space<vmem_shared>>
    tpu.wait_indirect_dma semaphore(%arg62 : memref<!tpu.dma_semaphore, #tpu.memory_space<semaphore_mem>>) src(%arg27 : memref<128x16xf32, #tpu.memory_space<vmem>>) dst(%dma_wait3A_243 : memref<50176x16xf32, #tpu.memory_space<vmem_shared>>)
    %dma_wait3A_244 = arith.constant 0 : i32
    %dma_wait3A_245 = arith.constant 0 : i32
    %dma_wait3A_246 = tpu.memref_slice %arg39[%dma_wait3A_244, %dma_wait3A_245] : memref<50176x16xf32, #tpu.memory_space<vmem_shared>> -> memref<50176x16xf32, #tpu.memory_space<vmem_shared>>
    tpu.wait_indirect_dma semaphore(%arg63 : memref<!tpu.dma_semaphore, #tpu.memory_space<semaphore_mem>>) src(%arg28 : memref<128x16xf32, #tpu.memory_space<vmem>>) dst(%dma_wait3A_246 : memref<50176x16xf32, #tpu.memory_space<vmem_shared>>)
    %dma_wait3A_247 = arith.constant 0 : i32
    %dma_wait3A_248 = arith.constant 0 : i32
    %dma_wait3A_249 = tpu.memref_slice %arg39[%dma_wait3A_247, %dma_wait3A_248] : memref<50176x16xf32, #tpu.memory_space<vmem_shared>> -> memref<50176x16xf32, #tpu.memory_space<vmem_shared>>
    tpu.wait_indirect_dma semaphore(%arg64 : memref<!tpu.dma_semaphore, #tpu.memory_space<semaphore_mem>>) src(%arg29 : memref<128x16xf32, #tpu.memory_space<vmem>>) dst(%dma_wait3A_249 : memref<50176x16xf32, #tpu.memory_space<vmem_shared>>)
    %dma_wait3A_250 = arith.constant 0 : i32
    %dma_wait3A_251 = arith.constant 0 : i32
    %dma_wait3A_252 = tpu.memref_slice %arg39[%dma_wait3A_250, %dma_wait3A_251] : memref<50176x16xf32, #tpu.memory_space<vmem_shared>> -> memref<50176x16xf32, #tpu.memory_space<vmem_shared>>
    tpu.wait_indirect_dma semaphore(%arg65 : memref<!tpu.dma_semaphore, #tpu.memory_space<semaphore_mem>>) src(%arg30 : memref<128x16xf32, #tpu.memory_space<vmem>>) dst(%dma_wait3A_252 : memref<50176x16xf32, #tpu.memory_space<vmem_shared>>)
    %dma_wait3A_253 = arith.constant 0 : i32
    %dma_wait3A_254 = arith.constant 0 : i32
    %dma_wait3A_255 = tpu.memref_slice %arg39[%dma_wait3A_253, %dma_wait3A_254] : memref<50176x16xf32, #tpu.memory_space<vmem_shared>> -> memref<50176x16xf32, #tpu.memory_space<vmem_shared>>
    tpu.wait_indirect_dma semaphore(%arg66 : memref<!tpu.dma_semaphore, #tpu.memory_space<semaphore_mem>>) src(%arg31 : memref<128x16xf32, #tpu.memory_space<vmem>>) dst(%dma_wait3A_255 : memref<50176x16xf32, #tpu.memory_space<vmem_shared>>)
    %dma_wait3A_256 = arith.constant 0 : i32
    %dma_wait3A_257 = arith.constant 0 : i32
    %dma_wait3A_258 = tpu.memref_slice %arg39[%dma_wait3A_256, %dma_wait3A_257] : memref<50176x16xf32, #tpu.memory_space<vmem_shared>> -> memref<50176x16xf32, #tpu.memory_space<vmem_shared>>
    tpu.wait_indirect_dma semaphore(%arg67 : memref<!tpu.dma_semaphore, #tpu.memory_space<semaphore_mem>>) src(%arg32 : memref<128x16xf32, #tpu.memory_space<vmem>>) dst(%dma_wait3A_258 : memref<50176x16xf32, #tpu.memory_space<vmem_shared>>)
    %dma_wait3A_259 = arith.constant 0 : i32
    %dma_wait3A_260 = arith.constant 0 : i32
    %dma_wait3A_261 = tpu.memref_slice %arg39[%dma_wait3A_259, %dma_wait3A_260] : memref<50176x16xf32, #tpu.memory_space<vmem_shared>> -> memref<50176x16xf32, #tpu.memory_space<vmem_shared>>
    tpu.wait_indirect_dma semaphore(%arg68 : memref<!tpu.dma_semaphore, #tpu.memory_space<semaphore_mem>>) src(%arg33 : memref<128x16xf32, #tpu.memory_space<vmem>>) dst(%dma_wait3A_261 : memref<50176x16xf32, #tpu.memory_space<vmem_shared>>)
    %dma_wait3A_262 = arith.constant 0 : i32
    %dma_wait3A_263 = arith.constant 0 : i32
    %dma_wait3A_264 = tpu.memref_slice %arg39[%dma_wait3A_262, %dma_wait3A_263] : memref<50176x16xf32, #tpu.memory_space<vmem_shared>> -> memref<50176x16xf32, #tpu.memory_space<vmem_shared>>
    tpu.wait_indirect_dma semaphore(%arg69 : memref<!tpu.dma_semaphore, #tpu.memory_space<semaphore_mem>>) src(%arg34 : memref<128x16xf32, #tpu.memory_space<vmem>>) dst(%dma_wait3A_264 : memref<50176x16xf32, #tpu.memory_space<vmem_shared>>)
    %add3A_265 = arith.constant 49920 : i32
    %add3A_266 = arith.addi %multiple_of3A_11, %add3A_265 : i32
    %multiple_of3A_267 = tpu.assume_multiple %add3A_266, 8 : i32
    "tpu.region"() ({
      %run_scoped3A = tpu.sem_alloc : memref<!tpu.dma_semaphore, #tpu.memory_space<semaphore_mem>>
      %dma_start3A_277 = tpu.memref_slice %arg3[%multiple_of3A_267] : memref<3200000xi32, #tpu.memory_space<hbm>> -> memref<80xi32, #tpu.memory_space<hbm>>
      %dma_start3A_278 = tpu.memref_slice %arg3[%multiple_of3A_267] : memref<3200000xi32, #tpu.memory_space<hbm>> -> memref<80xi32, #tpu.memory_space<hbm>>
      tpu.enqueue_dma source(%dma_start3A_278 : memref<80xi32, #tpu.memory_space<hbm>>) target(%arg35 : memref<80xi32, #tpu.memory_space<vmem>>) target_semaphore(%run_scoped3A : memref<!tpu.dma_semaphore, #tpu.memory_space<semaphore_mem>>)
      %dma_wait3A_279 = tpu.memref_slice %arg3[%multiple_of3A_267] : memref<3200000xi32, #tpu.memory_space<hbm>> -> memref<80xi32, #tpu.memory_space<hbm>>
      %dma_wait3A_280 = tpu.memref_slice %arg3[%multiple_of3A_267] : memref<3200000xi32, #tpu.memory_space<hbm>> -> memref<80xi32, #tpu.memory_space<hbm>>
      tpu.wait_dma2 semaphore(%run_scoped3A : memref<!tpu.dma_semaphore, #tpu.memory_space<semaphore_mem>>) src(%dma_wait3A_280 : memref<80xi32, #tpu.memory_space<hbm>>) dst(%arg35 : memref<80xi32, #tpu.memory_space<vmem>>)
      tpu.yield
    }) : () -> ()
    %add3A_268 = arith.constant 1600000 : i32
    %add3A_269 = arith.addi %add3A_268, %multiple_of3A_267 : i32
    "tpu.region"() ({
      %run_scoped3A = tpu.sem_alloc : memref<!tpu.dma_semaphore, #tpu.memory_space<semaphore_mem>>
      %dma_start3A_277 = tpu.memref_slice %arg3[%add3A_269] : memref<3200000xi32, #tpu.memory_space<hbm>> -> memref<80xi32, #tpu.memory_space<hbm>>
      %dma_start3A_278 = tpu.memref_slice %arg3[%add3A_269] : memref<3200000xi32, #tpu.memory_space<hbm>> -> memref<80xi32, #tpu.memory_space<hbm>>
      tpu.enqueue_dma source(%dma_start3A_278 : memref<80xi32, #tpu.memory_space<hbm>>) target(%arg36 : memref<80xi32, #tpu.memory_space<vmem>>) target_semaphore(%run_scoped3A : memref<!tpu.dma_semaphore, #tpu.memory_space<semaphore_mem>>)
      %dma_wait3A_279 = tpu.memref_slice %arg3[%add3A_269] : memref<3200000xi32, #tpu.memory_space<hbm>> -> memref<80xi32, #tpu.memory_space<hbm>>
      %dma_wait3A_280 = tpu.memref_slice %arg3[%add3A_269] : memref<3200000xi32, #tpu.memory_space<hbm>> -> memref<80xi32, #tpu.memory_space<hbm>>
      tpu.wait_dma2 semaphore(%run_scoped3A : memref<!tpu.dma_semaphore, #tpu.memory_space<semaphore_mem>>) src(%dma_wait3A_280 : memref<80xi32, #tpu.memory_space<hbm>>) dst(%arg36 : memref<80xi32, #tpu.memory_space<vmem>>)
      tpu.yield
    }) : () -> ()
    %dma_start3A_270 = arith.constant 0 : i32
    %dma_start3A_271 = arith.constant 0 : i32
    %dma_start3A_272 = tpu.memref_slice %arg2[%dma_start3A_270, %dma_start3A_271] : memref<50176x16xf32, #tpu.memory_space<hbm>> -> memref<50176x16xf32, #tpu.memory_space<hbm>>
    tpu.enqueue_indirect_dma source(%dma_start3A_272 : memref<50176x16xf32, #tpu.memory_space<hbm>>) target(%arg37 : memref<80x16xf32, #tpu.memory_space<vmem>>) offsets(%arg35 : memref<80xi32, #tpu.memory_space<vmem>>) semaphore(%arg40 : memref<!tpu.dma_semaphore, #tpu.memory_space<semaphore_mem>>)
    %dma_wait3A_273 = arith.constant 0 : i32
    %dma_wait3A_274 = arith.constant 0 : i32
    %dma_wait3A_275 = tpu.memref_slice %arg2[%dma_wait3A_273, %dma_wait3A_274] : memref<50176x16xf32, #tpu.memory_space<hbm>> -> memref<50176x16xf32, #tpu.memory_space<hbm>>
    tpu.wait_indirect_dma semaphore(%arg40 : memref<!tpu.dma_semaphore, #tpu.memory_space<semaphore_mem>>) src(%dma_wait3A_275 : memref<50176x16xf32, #tpu.memory_space<hbm>>) dst(%arg37 : memref<80x16xf32, #tpu.memory_space<vmem>>)
    "tpu.region"() ({
      %run_scoped3A = tpu.sem_alloc : memref<!tpu.dma_semaphore, #tpu.memory_space<semaphore_mem>>
      %dma_start3A_277 = arith.constant 0 : i32
      %dma_start3A_278 = arith.constant 0 : i32
      %dma_start3A_279 = tpu.memref_slice %arg39[%dma_start3A_277, %dma_start3A_278] : memref<50176x16xf32, #tpu.memory_space<vmem_shared>> -> memref<50176x16xf32, #tpu.memory_space<vmem_shared>>
      tpu.enqueue_indirect_dma source(%arg37 : memref<80x16xf32, #tpu.memory_space<vmem>>) target(%dma_start3A_279 : memref<50176x16xf32, #tpu.memory_space<vmem_shared>>) offsets(%arg36 : memref<80xi32, #tpu.memory_space<vmem>>) semaphore(%run_scoped3A : memref<!tpu.dma_semaphore, #tpu.memory_space<semaphore_mem>>) {add = true}
      %dma_wait3A_280 = arith.constant 0 : i32
      %dma_wait3A_281 = arith.constant 0 : i32
      %dma_wait3A_282 = tpu.memref_slice %arg39[%dma_wait3A_280, %dma_wait3A_281] : memref<50176x16xf32, #tpu.memory_space<vmem_shared>> -> memref<50176x16xf32, #tpu.memory_space<vmem_shared>>
      tpu.wait_indirect_dma semaphore(%run_scoped3A : memref<!tpu.dma_semaphore, #tpu.memory_space<semaphore_mem>>) src(%arg37 : memref<80x16xf32, #tpu.memory_space<vmem>>) dst(%dma_wait3A_282 : memref<50176x16xf32, #tpu.memory_space<vmem_shared>>)
      tpu.yield
    }) : () -> ()
    %barrier3A_276 = arith.constant 0 : index
    tpu.barrier barrier_id(%barrier3A_276)
    "tpu.region"() ({
      %run_scoped3A = tpu.sem_alloc : memref<!tpu.dma_semaphore, #tpu.memory_space<semaphore_mem>>
      %dma_start3A_277 = arith.constant 0 : i32
      %dma_start3A_278 = tpu.memref_slice %arg4[%arg0, %multiple_of3A, %dma_start3A_277] : memref<2x50176x16xf32, #tpu.memory_space<hbm>> -> memref<1x3136x16xf32, #tpu.memory_space<hbm>>
      %dma_start3A_279 = tpu.memref_squeeze %dma_start3A_278 : memref<1x3136x16xf32, #tpu.memory_space<hbm>> -> memref<3136x16xf32, #tpu.memory_space<hbm>>
      %dma_start3A_280 = arith.constant 0 : i32
      %dma_start3A_281 = tpu.memref_slice %arg39[%multiple_of3A, %dma_start3A_280] : memref<50176x16xf32, #tpu.memory_space<vmem_shared>> -> memref<3136x16xf32, #tpu.memory_space<vmem_shared>>
      tpu.enqueue_dma source(%dma_start3A_281 : memref<3136x16xf32, #tpu.memory_space<vmem_shared>>) target(%dma_start3A_279 : memref<3136x16xf32, #tpu.memory_space<hbm>>) target_semaphore(%run_scoped3A : memref<!tpu.dma_semaphore, #tpu.memory_space<semaphore_mem>>)
      %dma_wait3A_282 = arith.constant 0 : i32
      %dma_wait3A_283 = tpu.memref_slice %arg4[%arg0, %multiple_of3A, %dma_wait3A_282] : memref<2x50176x16xf32, #tpu.memory_space<hbm>> -> memref<1x3136x16xf32, #tpu.memory_space<hbm>>
      %dma_wait3A_284 = tpu.memref_squeeze %dma_wait3A_283 : memref<1x3136x16xf32, #tpu.memory_space<hbm>> -> memref<3136x16xf32, #tpu.memory_space<hbm>>
      %dma_wait3A_285 = arith.constant 0 : i32
      %dma_wait3A_286 = tpu.memref_slice %arg39[%multiple_of3A, %dma_wait3A_285] : memref<50176x16xf32, #tpu.memory_space<vmem_shared>> -> memref<3136x16xf32, #tpu.memory_space<vmem_shared>>
      tpu.wait_dma2 semaphore(%run_scoped3A : memref<!tpu.dma_semaphore, #tpu.memory_space<semaphore_mem>>) src(%dma_wait3A_286 : memref<3136x16xf32, #tpu.memory_space<vmem_shared>>) dst(%dma_wait3A_284 : memref<3136x16xf32, #tpu.memory_space<hbm>>)
      tpu.yield
    }) : () -> ()
    return
  }
}

module attributes {stable_mosaic.version = 14 : i64} {
  func.func @_mlp_body(%arg0: i32, %arg1: memref<2x512x16xf32, #tpu.memory_space<vmem>>, %arg2: memref<16x512xf32, #tpu.memory_space<vmem>>, %arg3: memref<1x512xf32, #tpu.memory_space<vmem>>, %arg4: memref<512x512xbf16, #tpu.memory_space<vmem>>, %arg5: memref<1x512xf32, #tpu.memory_space<vmem>>, %arg6: memref<1x512xf32, #tpu.memory_space<vmem>>, %arg7: memref<1x512xf32, #tpu.memory_space<vmem>>, %arg8: memref<1x512xf32, #tpu.memory_space<vmem>>) attributes {dimension_semantics = [#tpu.dimension_semantics<arbitrary>], iteration_bounds = array<i64: 98>, scalar_prefetch = 0 : i64, scratch_operands = 0 : i64, tpu.core_type = #tpu.core_type<tc>, window_params = [{transform_indices = @transform_0, window_bounds = array<i64: 2, 512, 16>}, {pipeline_mode = #tpu.pipeline_mode<synchronous>, transform_indices = @transform_1, window_bounds = array<i64: 16, 512>}, {pipeline_mode = #tpu.pipeline_mode<synchronous>, transform_indices = @transform_2, window_bounds = array<i64: 1, 512>}, {pipeline_mode = #tpu.pipeline_mode<synchronous>, transform_indices = @transform_3, window_bounds = array<i64: 512, 512>}, {pipeline_mode = #tpu.pipeline_mode<synchronous>, transform_indices = @transform_4, window_bounds = array<i64: 1, 512>}, {pipeline_mode = #tpu.pipeline_mode<synchronous>, transform_indices = @transform_5, window_bounds = array<i64: 1, 512>}, {pipeline_mode = #tpu.pipeline_mode<synchronous>, transform_indices = @transform_6, window_bounds = array<i64: 1, 512>}, {pipeline_mode = #tpu.pipeline_mode<synchronous>, transform_indices = @transform_7, window_bounds = array<i64: 1, 512>}]} {
    %get3A = arith.constant 0 : index
    %get3A_0 = arith.constant 0 : index
    %get3A_1 = arith.constant 0 : index
    %get3A_2 = vector.load %arg1[%get3A, %get3A_0, %get3A_1] : memref<2x512x16xf32, #tpu.memory_space<vmem>>, vector<1x512x16xf32>
    %get3A_3 = vector.shape_cast %get3A_2 : vector<1x512x16xf32> to vector<512x16xf32>
    %get3A_4 = arith.constant 1 : index
    %get3A_5 = arith.constant 0 : index
    %get3A_6 = arith.constant 0 : index
    %get3A_7 = vector.load %arg1[%get3A_4, %get3A_5, %get3A_6] : memref<2x512x16xf32, #tpu.memory_space<vmem>>, vector<1x512x16xf32>
    %get3A_8 = vector.shape_cast %get3A_7 : vector<1x512x16xf32> to vector<512x16xf32>
    %add3A = arith.addf %get3A_3, %get3A_8 : vector<512x16xf32>
    %get3A_9 = arith.constant 0 : index
    %get3A_10 = arith.constant 0 : index
    %get3A_11 = vector.load %arg2[%get3A_9, %get3A_10] : memref<16x512xf32, #tpu.memory_space<vmem>>, vector<16x512xf32>
    %dot_general3A = arith.constant dense<0.000000e+00> : vector<512x512xf32>
    %dot_general3A_12 = tpu.matmul %add3A, %get3A_11, %dot_general3A {dimension_numbers = #tpu.dot_dimension_numbers<[1], [0], [0], [1], [0, 0, 1, 1], [], []>, transpose_lhs_hint = false} : vector<512x16xf32>, vector<16x512xf32>, vector<512x512xf32> -> vector<512x512xf32>
    %get3A_13 = arith.constant 0 : index
    %get3A_14 = arith.constant 0 : index
    %get3A_15 = vector.load %arg3[%get3A_13, %get3A_14] : memref<1x512xf32, #tpu.memory_space<vmem>>, vector<1x512xf32>
    %add3A_16 = vector.broadcast %get3A_15 : vector<1x512xf32> to vector<512x512xf32>
    %add3A_17 = arith.addf %dot_general3A_12, %add3A_16 : vector<512x512xf32>
    %max3A = arith.constant 0.000000e+00 : f32
    %max3A_18 = vector.broadcast %max3A : f32 to vector<512x512xf32>
    %max3A_19 = arith.maximumf %add3A_17, %max3A_18 : vector<512x512xf32>
    %convert_element_type3A = arith.truncf %max3A_19 : vector<512x512xf32> to vector<512x512xbf16>
    %get3A_20 = arith.constant 0 : index
    %get3A_21 = arith.constant 0 : index
    %get3A_22 = vector.load %arg4[%get3A_20, %get3A_21] : memref<512x512xbf16, #tpu.memory_space<vmem>>, vector<512x512xbf16>
    %dot_general3A_23 = arith.constant dense<0.000000e+00> : vector<512x512xf32>
    %dot_general3A_24 = tpu.matmul %convert_element_type3A, %get3A_22, %dot_general3A_23 {dimension_numbers = #tpu.dot_dimension_numbers<[1], [0], [0], [1], [0, 0, 1, 1], [], []>, transpose_lhs_hint = false} : vector<512x512xbf16>, vector<512x512xbf16>, vector<512x512xf32> -> vector<512x512xf32>
    %get3A_25 = arith.constant 0 : index
    %get3A_26 = arith.constant 0 : index
    %get3A_27 = vector.load %arg5[%get3A_25, %get3A_26] : memref<1x512xf32, #tpu.memory_space<vmem>>, vector<1x512xf32>
    %add3A_28 = vector.broadcast %get3A_27 : vector<1x512xf32> to vector<512x512xf32>
    %add3A_29 = arith.addf %dot_general3A_24, %add3A_28 : vector<512x512xf32>
    %reduce_sum3A = arith.constant dense<0.000000e+00> : vector<512xf32>
    %reduce_sum3A_30 = vector.multi_reduction <add>, %add3A_29, %reduce_sum3A [1] : vector<512x512xf32> to vector<512xf32>
    %broadcast_in_dim3A = vector.shape_cast %reduce_sum3A_30 : vector<512xf32> to vector<512x1xf32>
    %div3A = arith.constant 5.120000e+02 : f32
    %div3A_31 = vector.broadcast %div3A : f32 to vector<512x1xf32>
    %div3A_32 = arith.divf %broadcast_in_dim3A, %div3A_31 : vector<512x1xf32>
    %sub3A = vector.broadcast %div3A_32 : vector<512x1xf32> to vector<512x512xf32>
    %sub3A_33 = arith.subf %add3A_29, %sub3A : vector<512x512xf32>
    %mul3A = arith.mulf %sub3A_33, %sub3A_33 : vector<512x512xf32>
    %reduce_sum3A_34 = arith.constant dense<0.000000e+00> : vector<512xf32>
    %reduce_sum3A_35 = vector.multi_reduction <add>, %mul3A, %reduce_sum3A_34 [1] : vector<512x512xf32> to vector<512xf32>
    %broadcast_in_dim3A_36 = vector.shape_cast %reduce_sum3A_35 : vector<512xf32> to vector<512x1xf32>
    %div3A_37 = arith.constant 5.120000e+02 : f32
    %div3A_38 = vector.broadcast %div3A_37 : f32 to vector<512x1xf32>
    %div3A_39 = arith.divf %broadcast_in_dim3A_36, %div3A_38 : vector<512x1xf32>
    %add3A_40 = arith.constant 9.99999974E-6 : f32
    %add3A_41 = vector.broadcast %add3A_40 : f32 to vector<512x1xf32>
    %add3A_42 = arith.addf %div3A_39, %add3A_41 : vector<512x1xf32>
    %rsqrt3A = math.rsqrt %add3A_42 : vector<512x1xf32>
    %mul3A_43 = vector.broadcast %rsqrt3A : vector<512x1xf32> to vector<512x512xf32>
    %mul3A_44 = arith.mulf %sub3A_33, %mul3A_43 : vector<512x512xf32>
    %eq3A = arith.constant 0 : i32
    %eq3A_45 = arith.cmpi eq, %arg0, %eq3A : i32
    %convert_element_type3A_46 = arith.extui %eq3A_45 : i1 to i32
    %cond3A = arith.constant 0 : i32
    %cond3A_47 = arith.cmpi ne, %convert_element_type3A_46, %cond3A : i32
    scf.if %cond3A_47 {
      %broadcast_in_dim3A_57 = arith.constant 0.000000e+00 : f32
      %broadcast_in_dim3A_58 = vector.broadcast %broadcast_in_dim3A_57 : f32 to vector<1x512xf32>
      %swap3A = arith.constant 0 : index
      %swap3A_59 = arith.constant 0 : index
      %swap3A_60 = vector.load %arg8[%swap3A, %swap3A_59] : memref<1x512xf32, #tpu.memory_space<vmem>>, vector<1x512xf32>
      tpu.vector_store %arg8[%swap3A, %swap3A_59], %broadcast_in_dim3A_58 {strides = array<i32>} : memref<1x512xf32, #tpu.memory_space<vmem>>, vector<1x512xf32>,
    } else {
    }
    %lt3A = arith.constant 97 : i32
    %lt3A_48 = arith.cmpi slt, %arg0, %lt3A : i32
    %convert_element_type3A_49 = arith.extui %lt3A_48 : i1 to i32
    %cond3A_50 = arith.constant 0 : i32
    %cond3A_51 = arith.cmpi ne, %convert_element_type3A_49, %cond3A_50 : i32
    scf.if %cond3A_51 {
      %get3A_57 = arith.constant 0 : index
      %get3A_58 = arith.constant 0 : index
      %get3A_59 = vector.load %arg8[%get3A_57, %get3A_58] : memref<1x512xf32, #tpu.memory_space<vmem>>, vector<1x512xf32>
      %reduce_sum3A_60 = arith.constant dense<0.000000e+00> : vector<512xf32>
      %reduce_sum3A_61 = vector.multi_reduction <add>, %mul3A_44, %reduce_sum3A_60 [0] : vector<512x512xf32> to vector<512xf32>
      %broadcast_in_dim3A_62 = vector.shape_cast %reduce_sum3A_61 : vector<512xf32> to vector<1x512xf32>
      %add3A_63 = arith.addf %get3A_59, %broadcast_in_dim3A_62 : vector<1x512xf32>
      %swap3A = arith.constant 0 : index
      %swap3A_64 = arith.constant 0 : index
      %swap3A_65 = vector.load %arg8[%swap3A, %swap3A_64] : memref<1x512xf32, #tpu.memory_space<vmem>>, vector<1x512xf32>
      tpu.vector_store %arg8[%swap3A, %swap3A_64], %add3A_63 {strides = array<i32>} : memref<1x512xf32, #tpu.memory_space<vmem>>, vector<1x512xf32>,
    } else {
    }
    %eq3A_52 = arith.constant 97 : i32
    %eq3A_53 = arith.cmpi eq, %arg0, %eq3A_52 : i32
    %convert_element_type3A_54 = arith.extui %eq3A_53 : i1 to i32
    %cond3A_55 = arith.constant 0 : i32
    %cond3A_56 = arith.cmpi ne, %convert_element_type3A_54, %cond3A_55 : i32
    scf.if %cond3A_56 {
      %mul3A_57 = arith.constant 512 : i32
      %mul3A_58 = arith.muli %arg0, %mul3A_57 : i32
      %iota3A = tpu.iota {dimensions = array<i32: 0>} : vector<512x1xi32>
      %add3A_59 = vector.broadcast %mul3A_58 : i32 to vector<512x1xi32>
      %add3A_60 = arith.addi %add3A_59, %iota3A : vector<512x1xi32>
      %lt3A_61 = arith.constant 50000 : i32
      %lt3A_62 = vector.broadcast %lt3A_61 : i32 to vector<512x1xi32>
      %lt3A_63 = arith.cmpi slt, %add3A_60, %lt3A_62 : vector<512x1xi32>
      %jit3A = arith.constant 0.000000e+00 : f32
      %broadcast_in_dim3A_64 = vector.shape_cast %lt3A_63 : vector<512x1xi1> to vector<512x1xi1>
      %broadcast_in_dim3A_65 = vector.broadcast %broadcast_in_dim3A_64 : vector<512x1xi1> to vector<512x512xi1>
      %broadcast_in_dim3A_66 = vector.broadcast %jit3A : f32 to vector<512x512xf32>
      %select_n3A = arith.select %broadcast_in_dim3A_65, %mul3A_44, %broadcast_in_dim3A_66 : vector<512x512xi1>, vector<512x512xf32>
      %get3A_67 = arith.constant 0 : index
      %get3A_68 = arith.constant 0 : index
      %get3A_69 = vector.load %arg8[%get3A_67, %get3A_68] : memref<1x512xf32, #tpu.memory_space<vmem>>, vector<1x512xf32>
      %reduce_sum3A_70 = arith.constant dense<0.000000e+00> : vector<512xf32>
      %reduce_sum3A_71 = vector.multi_reduction <add>, %select_n3A, %reduce_sum3A_70 [0] : vector<512x512xf32> to vector<512xf32>
      %broadcast_in_dim3A_72 = vector.shape_cast %reduce_sum3A_71 : vector<512xf32> to vector<1x512xf32>
      %add3A_73 = arith.addf %get3A_69, %broadcast_in_dim3A_72 : vector<1x512xf32>
      %get3A_74 = arith.constant 0 : index
      %get3A_75 = arith.constant 0 : index
      %get3A_76 = vector.load %arg6[%get3A_74, %get3A_75] : memref<1x512xf32, #tpu.memory_space<vmem>>, vector<1x512xf32>
      %mul3A_77 = arith.constant 2.000000e-05 : f32
      %mul3A_78 = vector.broadcast %mul3A_77 : f32 to vector<1x512xf32>
      %mul3A_79 = arith.mulf %get3A_76, %mul3A_78 : vector<1x512xf32>
      %mul3A_80 = arith.mulf %add3A_73, %mul3A_79 : vector<1x512xf32>
      %get3A_81 = arith.constant 0 : index
      %get3A_82 = arith.constant 0 : index
      %get3A_83 = vector.load %arg7[%get3A_81, %get3A_82] : memref<1x512xf32, #tpu.memory_space<vmem>>, vector<1x512xf32>
      %add3A_84 = arith.addf %mul3A_80, %get3A_83 : vector<1x512xf32>
      %swap3A = arith.constant 0 : index
      %swap3A_85 = arith.constant 0 : index
      %swap3A_86 = vector.load %arg8[%swap3A, %swap3A_85] : memref<1x512xf32, #tpu.memory_space<vmem>>, vector<1x512xf32>
      tpu.vector_store %arg8[%swap3A, %swap3A_85], %add3A_84 {strides = array<i32>} : memref<1x512xf32, #tpu.memory_space<vmem>>, vector<1x512xf32>,
    } else {
    }
    return
  }
  func.func @transform_0(%arg0: i32) -> (i32, i32, i32) {
    %c0_i32 = arith.constant 0 : i32
    %c0_i32_0 = arith.constant 0 : i32
    %c0_i32_1 = arith.constant 0 : i32
    return %c0_i32, %arg0, %c0_i32_0 : i32, i32, i32
  }
  func.func @transform_1(%arg0: i32) -> (i32, i32) {
    %c0_i32 = arith.constant 0 : i32
    %c0_i32_0 = arith.constant 0 : i32
    %c0_i32_1 = arith.constant 0 : i32
    return %c0_i32, %c0_i32_0 : i32, i32
  }
  func.func @transform_2(%arg0: i32) -> (i32, i32) {
    %c0_i32 = arith.constant 0 : i32
    %c0_i32_0 = arith.constant 0 : i32
    %c0_i32_1 = arith.constant 0 : i32
    return %c0_i32, %c0_i32_0 : i32, i32
  }
  func.func @transform_3(%arg0: i32) -> (i32, i32) {
    %c0_i32 = arith.constant 0 : i32
    %c0_i32_0 = arith.constant 0 : i32
    %c0_i32_1 = arith.constant 0 : i32
    return %c0_i32, %c0_i32_0 : i32, i32
  }
  func.func @transform_4(%arg0: i32) -> (i32, i32) {
    %c0_i32 = arith.constant 0 : i32
    %c0_i32_0 = arith.constant 0 : i32
    %c0_i32_1 = arith.constant 0 : i32
    return %c0_i32, %c0_i32_0 : i32, i32
  }
  func.func @transform_5(%arg0: i32) -> (i32, i32) {
    %c0_i32 = arith.constant 0 : i32
    %c0_i32_0 = arith.constant 0 : i32
    %c0_i32_1 = arith.constant 0 : i32
    return %c0_i32, %c0_i32_0 : i32, i32
  }
  func.func @transform_6(%arg0: i32) -> (i32, i32) {
    %c0_i32 = arith.constant 0 : i32
    %c0_i32_0 = arith.constant 0 : i32
    %c0_i32_1 = arith.constant 0 : i32
    return %c0_i32, %c0_i32_0 : i32, i32
  }
  func.func @transform_7(%arg0: i32) -> (i32, i32) {
    %c0_i32 = arith.constant 0 : i32
    %c0_i32_0 = arith.constant 0 : i32
    %c0_i32_1 = arith.constant 0 : i32
    return %c0_i32, %c0_i32_0 : i32, i32
  }
}

</mosaic_0001>

<sc_bundles>
// kernel: kernel.5.cloned.1.call-start
scs
__scs_entry_jumppad:
0x0: {  	(pc) =	sbr.rel $0x88, $3  }
0x1: {  	(tag) =	ssettag $0x0;
	lr =	simm.s32 $0x1  }
0x2: {  	[smem:$0x3F97] =	sst lr;
	_ =	strace $0xD0000000  }
0x3: {  	_ = 	snop  }
0x4: {  	_ = 	snop  }
0x5: {  	_ = 	snop  }
0x6: {  	_ = 	snop  }
0x7: {  	_ = 	snop  }
__scs_overlays_trampoline_lowered:
0x8: {  	[smem:$0x3FA6] =	sst s0  }
0x9: {  	[smem:$0x3FA7] =	sst s1  }
0xa: {  	[smem:$0x3FA8] =	sst s2  }
0xb: {  	[smem:$0x3FA9] =	sst s3  }
0xc: {  	[smem:$0x3FAA] =	sst s4  }
0xd: {  	[smem:$0x3FAB] =	sst s5  }
0xe: {  	[smem:$0x3FAC] =	sst s6  }
0xf: {  	[smem:$0x3FAD] =	sst s7  }
0x10: {  	[smem:$0x3FAE] =	sst s8  }
0x11: {  	[smem:$0x3FAF] =	sst s9;
	s0 =	simm.s32 @!p0 $0x0  }
0x12: {  	s1 =	sld [smem:$0x3F95];
	s0 =	simm.s32 @p0 $0x1  }
0x13: {  	[smem:$0x3FB0] =	sst s0;
	s0 =	simm.s32 @!p1 $0x0  }
0x14: {  	s2 =	sld [smem:$0x3F94];
	s0 =	simm.s32 @p1 $0x1  }
0x15: {  	[smem:$0x3FB1] =	sst s0;
	s0 =	simm.s32 @!p2 $0x0  }
0x16: {  	s3 =	sld [smem:$0x3FDB];
	s0 =	simm.s32 @p2 $0x1  }
0x17: {  	s4 =	simm.s32 $0x1BF5;
	[smem:$0x3FB3] =	sst s0  }
0x18: {  	s0 =	sld [smem:$0x3F96];
	_ =	swait.ge [sflag:s4], $0x0  }
0x19: {  	s7 =	sld [smem:$0x3F97]  }
0x1a: {  	s8 =	sadd.s32 $0xFFFFE003, lr  }
0x1b: {  	s9 =	sadd.s32 $0xFFFFFEF7, lr;
	s5 =	simm.s32 $0xFFFFFFFF;
	p2 =	slt.u32 s8, $0xFFFFF086  }
0x1c: {  	p1 =	slt.u32 s9, $0xF7A;
	s5 =	simm.s32 @!p2 $0x0  }
0x1d: {  	s5 =	simm.s32 @p1 $0x1;
	p0 =	seq.s32 s7, s2  }
0x1e: {  	s7 =	smul.u32 @!p0 $0xF7A, s2;
	p2 =	seq.s32 @!p0 s5, $0x0  }
0x1f: {  	s9 =	smul.u32 $0xF7A, s1;
	s8 =	simm.s32 @!p0 $0x1BF5;
	p2 =	por !p2, p0  }
0x20: {  	[sflag:s8] =	ssyncset.s32 @!p0 $0xFFFFF086;
	s6 =	sadd.s32 @!p0 s3, s7;
	s7 =	simm.s32 @!p0 $0x108  }
0x21: {  	s3 =	sadd.s32 s3, s9;
	s6 =	sadd.s32 @!p0 $0x88, s6;
	s7 =	simm.s32 @p2 $0x1082  }
0x22: {  	[simem:s7], [sflag:s8] =	dma.local @!p0 [hbm:s6], $0xF7A  }
0x23: {  	s9 =	sor.u32 $0xD0000000, s2;
	s6 =	simm.s32 $0x108;
	_ =	swait.ge @!p0 [sflag:s8], $0x0  }
0x24: {  	s3 =	sadd.s32 $0x88, s3;
	s6 =	simm.s32 @!p1 $0x1082;
	[sflag:s4] =	ssyncset.s32 $0xFFFFF086  }
0x25: {  	[simem:s6], [sflag:s4] =	dma.local [hbm:s3], $0xF7A  }
0x26: {  	[smem:$0x3F97] =	sst s1;
	(tag) =	ssettag s2;
	_ =	strace s9  }
0x27: {  	s1 =	sld [smem:$0x3FA7]  }
0x28: {  	s2 =	sld [smem:$0x3FA8]  }
0x29: {  	s4 =	sld [smem:$0x3FAA]  }
0x2a: {  	p0 =	seq.s32 s5, $0x0;
	s5 =	sld [smem:$0x3FAB]  }
0x2b: {  	s6 =	sld [smem:$0x3FAC]  }
0x2c: {  	s7 =	sld [smem:$0x3FAD]  }
0x2d: {  	s3 =	simm.s32 $0x108;
	s8 =	sld [smem:$0x3FAE]  }
0x2e: {  	s3 =	simm.s32 @!p0 $0x1082;
	s9 =	sld [smem:$0x3FAF]  }
0x2f: {  	lr =	sadd.s32 s0, s3;
	s0 =	sld [smem:$0x3FA6]  }
0x30: {  	s3 =	sld [smem:$0x3FA9]  }
0x31: {  	[smem:$0x3FB2] =	sst s10  }
0x32: {  	s10 =	sld [smem:$0x3FB0];
	_ =	sdelay $0x3  }
0x33: {  	p0 =	seq.s32 s10, $0x1;
	s10 =	sld [smem:$0x3FB2];
	_ =	sdelay $0x3  }
0x34: {  	[smem:$0x3FB2] =	sst s10  }
0x35: {  	s10 =	sld [smem:$0x3FB1];
	_ =	sdelay $0x3  }
0x36: {  	p1 =	seq.s32 s10, $0x1;
	s10 =	sld [smem:$0x3FB2];
	_ =	sdelay $0x3  }
0x37: {  	[smem:$0x3FB2] =	sst s10  }
0x38: {  	s10 =	sld [smem:$0x3FB3]  }
0x39: {  	_ = 	snop;
	(pc) =	sbr.ind lr, $3  }
0x3a: {  	_ = 	snop  }
0x3b: {  	_ = 	snop  }
0x3c: {  	p2 =	seq.s32 s10, $0x1;
	s10 =	sld [smem:$0x3FB2]  }
0x3d: {  	_ =	shalt  }
0x3e: {  	_ =	shalt  }
0x3f: {  	_ =	shalt  }
0x40: {  	_ =	shalt  }
0x41: {  	_ =	shalt  }
0x42: {  	_ =	shalt  }
0x43: {  	_ =	shalt  }
0x44: {  	_ =	shalt  }
0x45: {  	_ =	shalt  }
0x46: {  	_ =	shalt  }
0x47: {  	_ =	shalt  }
0x48: {  	_ =	shalt  }
0x49: {  	_ =	shalt  }
0x4a: {  	_ =	shalt  }
0x4b: {  	_ =	shalt  }
0x4c: {  	_ =	shalt  }
0x4d: {  	_ =	shalt  }
0x4e: {  	_ =	shalt  }
0x4f: {  	_ =	shalt  }
0x50: {  	_ =	shalt  }
0x51: {  	_ =	shalt  }
0x52: {  	_ =	shalt  }
0x53: {  	_ =	shalt  }
0x54: {  	_ =	shalt  }
0x55: {  	_ =	shalt  }
0x56: {  	_ =	shalt  }
0x57: {  	_ =	shalt  }
0x58: {  	_ =	shalt  }
0x59: {  	_ =	shalt  }
0x5a: {  	_ =	shalt  }
0x5b: {  	_ =	shalt  }
0x5c: {  	_ =	shalt  }
0x5d: {  	_ =	shalt  }
0x5e: {  	_ =	shalt  }
0x5f: {  	_ =	shalt  }
0x60: {  	_ =	shalt  }
0x61: {  	_ =	shalt  }
0x62: {  	_ =	shalt  }
0x63: {  	_ =	shalt  }
0x64: {  	_ =	shalt  }
0x65: {  	_ =	shalt  }
0x66: {  	_ =	shalt  }
0x67: {  	_ =	shalt  }
0x68: {  	_ =	shalt  }
0x69: {  	_ =	shalt  }
0x6a: {  	_ =	shalt  }
0x6b: {  	_ =	shalt  }
0x6c: {  	_ =	shalt  }
0x6d: {  	_ =	shalt  }
0x6e: {  	_ =	shalt  }
0x6f: {  	_ =	shalt  }
0x70: {  	_ =	shalt  }
0x71: {  	_ =	shalt  }
0x72: {  	_ =	shalt  }
0x73: {  	_ =	shalt  }
0x74: {  	_ =	shalt  }
0x75: {  	_ =	shalt  }
0x76: {  	_ =	shalt  }
0x77: {  	_ =	shalt  }
0x78: {  	_ =	shalt  }
0x79: {  	_ =	shalt  }
0x7a: {  	_ =	shalt  }
0x7b: {  	_ =	shalt  }
0x7c: {  	_ =	shalt  }
0x7d: {  	_ =	shalt  }
0x7e: {  	_ =	shalt  }
0x7f: {  	_ =	shalt  }
0x80: {  	_ =	shalt  }
0x81: {  	_ =	shalt  }
0x82: {  	_ =	shalt  }
0x83: {  	_ =	shalt  }
0x84: {  	_ =	shalt  }
0x85: {  	_ =	shalt  }
0x86: {  	_ =	shalt  }
0x87: {  	_ =	shalt  }
.Lfunc_end0:
.L_simem_size_0:
called_computation_lowered:
.L_overlay_start_0:
0x88: {  	s2 =	sld [smem:$0x3FD9]  }
0x89: {  	s3 =	sld [smem:$0x3FFE];
	_ =	sdelay $0x1  }
0x8a: {  	s1 =	srdreg.scid  }
0x8b: {  	s0 =	sand.u32 $0x1, s1  }
0x8c: {  	s16 =	sshll.u32 s0, $0xA;
	s2 =	sadd.s32 s3, s2  }
0x8d: {  	s2 =	sadd.s32 s2, s16  }
0x8e: {  	[smem:$0x3FBE] =	sst s2  }
0x8f: {  	_ = 	snop  }
0x90: {  	(tm) =	ssettm $0x1  }
0x91: {  	s17 =	sld [smem:$0x3FFB];
	_ =	sdelay $0x3  }
0x92: {  	_ =	strace s17  }
0x93: {  	s2 =	sld [smem:$0x3FFC];
	_ =	sdelay $0x3  }
0x94: {  	_ =	strace s2  }
0x95: {  	s2 =	sld [smem:$0x3FFD];
	_ =	sdelay $0x3  }
0x96: {  	_ =	strace s2  }
0x97: {  	_ =	strace $0x8FFFFFFF  }
0x98: {  	s18 =	sld [smem:$0x3FDB];
	_ =	sdelay $0x1  }
0x99: {  	s19 =	simm.s32 $_scs_section_size  }
0x9a: {  	s4 =	simm.s32 $_size__tile_overlayer_lowered;
	s5 =	simm.s32 $_tile_overlayer_lowered  }
0x9b: {  	s22 =	simm.s32 $0x1BFF;
	s21 =	sshll.u32 s5, $0x1;
	s2 =	sadd.s32 s19, s18  }
0x9c: {  	s6 =	simm.s32 $0x0;
	s20 =	sshll.u32 s4, $0x1;
	s4 =	sadd.s32 s21, s2  }
0x9d: {  	[timem:s6], [sflag:s22] =	dma.local [hbm:s4], s20  }
0x9e: {  	_ =	swait.ge [sflag:s22], s20  }
0x9f: {  	s3 =	ssub.s32 $0x0, s20;
	[sflag:s22] =	ssyncset.done $0x0  }
0xa0: {  	[sflag:s22] =	ssyncadd.s32 s3;
	_ =	sdelay $0x1  }
0xa1: {  	s23 =	simm.s32 $0x1B8B  }
0xa2: {  	_ =	swait.ge [sflag:s23], $0x1  }
0xa3: {  	[sflag:s23] =	ssyncset.done $0x0  }
0xa4: {  	s25 =	simm.s32 $0x1B8E;
	s24 =	sld [smem:$0x3FFE];
	[sflag:s23] =	ssyncadd.s32 $0xFFFFFFFF  }
0xa5: {  	s26 =	simm.s32 $execute0_lowered;
	[smem:$0x3FD2] =	sst s25  }
0xa6: {  	s4 =	sshll.u32 s26, $0x1;
	_ =	strace $0x80000046;
	[dreg:$0x1] =	wrdreg $0xFFFFFFFF  }
0xa7: {  	s28 =	simm.s32 $_size_execute0_lowered;
	s2 =	sadd.s32 s2, s4;
	[dreg:$0x0] =	wrdreg $0x0  }
0xa8: {  	s4 =	sshll.u32 s28, $0x1;
	[dreg:$0x2] =	wrdreg s2  }
0xa9: {  	[dreg:$0x3] =	wrdreg s4  }
0xaa: {  	[dreg:$0x4] =	wrdreg $0xC0  }
0xab: {  	_ =	task [dreg:s6], $0x5FFFF  }
0xac: {  	[dreg:$0x1] =	wrdreg $0xFFFFFFFF  }
0xad: {  	[dreg:$0x0] =	wrdreg $0x60  }
0xae: {  	[dreg:$0x2] =	wrdreg s24  }
0xaf: {  	[dreg:$0x3] =	wrdreg $0x9  }
0xb0: {  	_ =	task.clear_ibuf [dreg:s6], $0x4FFFF;
	_ =	strace $0x90000046  }
0xb1: {  	s29 =	simm.s32 $0x9;
	_ =	strace $0x80000048  }
0xb2: {  	_ =	swait.ge [sflag:s29], $0x1  }
0xb3: {  	[sflag:s29] =	ssyncadd.s32 $0xFFFFFFFF  }
0xb4: {  	_ =	strace $0x90000048  }
0xb5: {  	_ =	sfence  }
0xb6: {  	s30 =	sld [smem:$0x0];
	_ =	sdelay $0x2  }
0xb7: {  	s31 =	sshll.u32 s1, $0xD;
	s1 =	sshrl.u32 s1, $0x2  }
0xb8: {  	s3 =	sand.u32 $0x4000, s31;
	s1 =	sadd.s32 s1, s30  }
0xb9: {  	s0 =	sor.u32 s3, s0;
	s1 =	sshll.u32 s1, $0x11  }
0xba: {  	s0 =	sor.u32 s1, s0  }
0xbb: {  	s0 =	sadd.s32 $0x8F2B, s0  }
0xbc: {  	[sflag:s0] =	ssyncadd.remote.s32 $0x1  }
0xbd: {  	_ =	sfence.sel $0xFFFF  }
0xbe: {  	[dreg:$0x0] =	wrdreg $0xFFFFFFFF;
	(pc) =	sbr.abs _section_cstart, $3  }
0xbf: {  	[dreg:$0x1] =	wrdreg $0xFFFFFFFF  }
0xc0: {  	_ =	task.clear_ibuf [dreg:s6], $0x2FFFF;
	_ =	strace $0x9FFFFFFF  }
0xc1: {  	(tm) =	ssettm $0x7FFFFFFF  }
tec
execute0_lowered:
.L_overlay_start_1:
0x0: {  	(tag) =	ssettag $0x1  }
0x1: {  	s1 =	srdreg.scid;
	s0 =	stileid.u32  }
0x2: {  	s3 =	sand.u32 $0x1, s1;
	s30 =	sshll.u32 s0, $0x1  }
0x3: {  	s4 =	rddreg [dreg:$0x0];
	s2 =	simm.s32 $0x0;
	s5 =	sor.u32 s3, s30  }
0x4: {  	s10 =	simm.s32 $0x1660;
	s11 =	simm.s32 $0x0;
	s6 =	smul.u32 $0x188, s5  }
0x5: {  	s1 =	rddreg [dreg:$0x1];
	s8 =	ssub.s32 $0x2, s3;
	s7 =	smul.u32 $0xC4, s5  }
0x6: {  	[smem:$0x7FF] =	sst s2;
	s5 =	smul.u32 $0xC40, s5;
	s31 =	sshrl.u32 s8, $0x1  }
0x7: {  	_ =	strace $0x80000047;
	s3 =	sadd.s32 $0x1800, s4;
	s8 =	ssub.s32 s8, s31  }
0x8: {  	s6 =	sadd.s32 s6, s4;
	s7 =	sadd.s32 s7, s4;
	s9 =	sadd.s32 s5, s4  }
0x9: {  	s4 =	sadd.s32 $0x1A00, s6;
	s5 =	sadd.s32 $0x4C00, s7;
	s6 =	sadd.s32 $0x6600, s9  }
0xa: {  	v0 =	vlaneseq.u32;
	v1 =	vimm.f32 $0.0e+00;
	s7 =	smax.u32 s8, $0x1;
	s8 =	simm.s32 $0x1;
	s9 =	simm.s32 $0x1260  }
.LBB2_1:
0xb: {  	[tilespmem:s2], [sflag:$0x1] =	stream.linear.gather [hbm4b:s4+s2], $0xC40, $0x38;
	[tilespmem:$0x7860] =	vst v63  }
0xc: {  	_ =	swait.ge [sflag:s8], $0xC40  }
0xd: {  	[sflag:s8] =	ssyncset.done $0x0  }
0xe: {  	s12 =	simm.s32 $0xC40;
	[sflag:s8] =	ssyncadd.s32 $0xFFFFF3C0  }
0xf: {  	[tilespmem:s12], [sflag:$0x1] =	stream.linear.gather [hbm4b:s5+s2], $0x620, $0x38;
	[tilespmem:$0x7860] =	vst v63  }
0x10: {  	_ =	swait.ge [sflag:s8], $0x620  }
0x11: {  	v2 =	vor.u32 s2, v0;
	[sflag:s8] =	ssyncset.done $0x0  }
0x12: {  	v3 =	vshll.u32 v2, $0x1;
	[sflag:s8] =	ssyncadd.s32 $0xFFFFF9E0  }
0x13: {  	[tilespmem:s9], [sflag:$0x1] =	stream.linear.gather [hbm4b:s3+s2], $0x400, $0x38;
	[tilespmem:$0x7860] =	vst v63  }
0x14: {  	_ =	swait.ge [sflag:s8], $0x400  }
0x15: {  	[sflag:s8] =	ssyncset.done $0x0  }
0x16: {  	[sflag:s8] =	ssyncadd.s32 $0xFFFFFC00  }
0x17: {  	v5 =	vshll.u32 v2, $0x4;
	v4 =	vld.idx.msk [tilespmem:v3+s2+$0x0], $0xffff  }
0x18: {  	v2 =	vor.u32 $0x1, v3  }
0x19: {  	v3 =	vld [tilespmem:s12+$0x0];
	_ =	sdelay $0x2  }
0x1a: {  	[tilespmem:v5+s10+$0x0] =	vst.idx.msk $0xffff, v4  }
0x1b: {  	v4 =	vor.u32 $0x1, v5;
	v2 =	vld.idx.msk [tilespmem:v2+s2+$0x0], $0xffff  }
0x1c: {  	v3 =	vshll.u32 v3, $0x3;
	_ =	sdelay $0x3  }
0x1d: {  	[tilespmem:v4+s10+$0x0] =	vst.idx.msk $0xffff, v2  }
0x1e: {  	v4 =	vor.u32 $0x2, v5;
	v2 =	vld.idx.msk [tilespmem:v3+s9+$0x0], $0xffff  }
0x1f: {  	v6 =	vor.u32 $0x1, v3;
	_ =	sdelay $0x3  }
0x20: {  	[tilespmem:v4+s10+$0x0] =	vst.idx.msk $0xffff, v2  }
0x21: {  	v4 =	vor.u32 $0x3, v5;
	v2 =	vld.idx.msk [tilespmem:v6+s9+$0x0], $0xffff  }
0x22: {  	v6 =	vor.u32 $0x2, v3;
	_ =	sdelay $0x3  }
0x23: {  	[tilespmem:v4+s10+$0x0] =	vst.idx.msk $0xffff, v2  }
0x24: {  	v4 =	vor.u32 $0x4, v5;
	v2 =	vld.idx.msk [tilespmem:v6+s9+$0x0], $0xffff  }
0x25: {  	v6 =	vor.u32 $0x3, v3;
	_ =	sdelay $0x3  }
0x26: {  	[tilespmem:v4+s10+$0x0] =	vst.idx.msk $0xffff, v2  }
0x27: {  	v4 =	vor.u32 $0x5, v5;
	v2 =	vld.idx.msk [tilespmem:v6+s9+$0x0], $0xffff  }
0x28: {  	v6 =	vor.u32 $0x4, v3;
	_ =	sdelay $0x3  }
0x29: {  	[tilespmem:v4+s10+$0x0] =	vst.idx.msk $0xffff, v2  }
0x2a: {  	v4 =	vor.u32 $0x6, v5;
	v2 =	vld.idx.msk [tilespmem:v6+s9+$0x0], $0xffff  }
0x2b: {  	v6 =	vor.u32 $0x5, v3;
	_ =	sdelay $0x3  }
0x2c: {  	[tilespmem:v4+s10+$0x0] =	vst.idx.msk $0xffff, v2  }
0x2d: {  	v4 =	vor.u32 $0x7, v5;
	v2 =	vld.idx.msk [tilespmem:v6+s9+$0x0], $0xffff  }
0x2e: {  	v6 =	vor.u32 $0x6, v3;
	_ =	sdelay $0x3  }
0x2f: {  	[tilespmem:v4+s10+$0x0] =	vst.idx.msk $0xffff, v2  }
0x30: {  	v4 =	vor.u32 $0x8, v5;
	v2 =	vld.idx.msk [tilespmem:v6+s9+$0x0], $0xffff  }
0x31: {  	v3 =	vor.u32 $0x7, v3;
	_ =	sdelay $0x3  }
0x32: {  	[tilespmem:v4+s10+$0x0] =	vst.idx.msk $0xffff, v2  }
0x33: {  	v2 =	vld.idx.msk [tilespmem:v3+s9+$0x0], $0xffff;
	v3 =	vor.u32 $0x9, v5  }
0x34: {  	v4 =	vor.u32 $0xA, v5  }
0x35: {  	v6 =	vor.u32 $0xB, v5  }
0x36: {  	v7 =	vor.u32 $0xC, v5  }
0x37: {  	v8 =	vor.u32 $0xD, v5  }
0x38: {  	v9 =	vor.u32 $0xE, v5;
	[tilespmem:v3+s10+$0x0] =	vst.idx.msk $0xffff, v2  }
0x39: {  	s13 =	simm.s32 $0x10;
	[tilespmem:v4+s10+$0x0] =	vst.idx.msk $0xffff, v1  }
0x3a: {  	v2 =	vor.u32 s13, v0;
	v4 =	vor.u32 $0xF, v5;
	[tilespmem:v6+s10+$0x0] =	vst.idx.msk $0xffff, v1  }
0x3b: {  	v3 =	vshll.u32 v2, $0x1;
	[tilespmem:v7+s10+$0x0] =	vst.idx.msk $0xffff, v1  }
0x3c: {  	[tilespmem:v8+s10+$0x0] =	vst.idx.msk $0xffff, v1  }
0x3d: {  	s13 =	simm.s32 $0x20;
	[tilespmem:v9+s10+$0x0] =	vst.idx.msk $0xffff, v1  }
.LBB2_2:
0x3e: {  	p0 =	sne.s32 s13, $0x610  }
0x3f: {  	[tilespmem:v4+s10+$0x0] =	vst.idx.msk $0xffff, v1;
	s12 =	sadd.s32 $0x10, s12;
	s14 =	smov.u32 s13;
	s13 =	sadd.s32 $0x10, s13  }
0x40: {  	v4 =	vld.idx.msk [tilespmem:v3+s2+$0x0], $0xffff  }
0x41: {  	v5 =	vshll.u32 v2, $0x4  }
0x42: {  	v2 =	vor.u32 $0x1, v3;
	_ =	sdelay $0x1  }
0x43: {  	v3 =	vld [tilespmem:s12+$0x0];
	_ =	sdelay $0x1  }
0x44: {  	[tilespmem:v5+s10+$0x0] =	vst.idx.msk $0xffff, v4  }
0x45: {  	v2 =	vld.idx.msk [tilespmem:v2+s2+$0x0], $0xffff  }
0x46: {  	v4 =	vor.u32 $0x1, v5  }
0x47: {  	v3 =	vshll.u32 v3, $0x3;
	_ =	sdelay $0x3  }
0x48: {  	[tilespmem:v4+s10+$0x0] =	vst.idx.msk $0xffff, v2  }
0x49: {  	v2 =	vld.idx.msk [tilespmem:v3+s9+$0x0], $0xffff  }
0x4a: {  	v4 =	vor.u32 $0x2, v5  }
0x4b: {  	v6 =	vor.u32 $0x1, v3;
	_ =	sdelay $0x3  }
0x4c: {  	[tilespmem:v4+s10+$0x0] =	vst.idx.msk $0xffff, v2  }
0x4d: {  	v2 =	vld.idx.msk [tilespmem:v6+s9+$0x0], $0xffff  }
0x4e: {  	v4 =	vor.u32 $0x3, v5  }
0x4f: {  	v6 =	vor.u32 $0x2, v3;
	_ =	sdelay $0x3  }
0x50: {  	[tilespmem:v4+s10+$0x0] =	vst.idx.msk $0xffff, v2  }
0x51: {  	v2 =	vld.idx.msk [tilespmem:v6+s9+$0x0], $0xffff  }
0x52: {  	v4 =	vor.u32 $0x4, v5  }
0x53: {  	v6 =	vor.u32 $0x3, v3;
	_ =	sdelay $0x3  }
0x54: {  	[tilespmem:v4+s10+$0x0] =	vst.idx.msk $0xffff, v2  }
0x55: {  	v2 =	vld.idx.msk [tilespmem:v6+s9+$0x0], $0xffff  }
0x56: {  	v4 =	vor.u32 $0x5, v5  }
0x57: {  	v6 =	vor.u32 $0x4, v3;
	_ =	sdelay $0x3  }
0x58: {  	[tilespmem:v4+s10+$0x0] =	vst.idx.msk $0xffff, v2  }
0x59: {  	v2 =	vld.idx.msk [tilespmem:v6+s9+$0x0], $0xffff  }
0x5a: {  	v4 =	vor.u32 $0x6, v5  }
0x5b: {  	v6 =	vor.u32 $0x5, v3;
	_ =	sdelay $0x3  }
0x5c: {  	[tilespmem:v4+s10+$0x0] =	vst.idx.msk $0xffff, v2  }
0x5d: {  	v2 =	vld.idx.msk [tilespmem:v6+s9+$0x0], $0xffff  }
0x5e: {  	v4 =	vor.u32 $0x7, v5  }
0x5f: {  	v6 =	vor.u32 $0x6, v3;
	_ =	sdelay $0x3  }
0x60: {  	[tilespmem:v4+s10+$0x0] =	vst.idx.msk $0xffff, v2  }
0x61: {  	v2 =	vld.idx.msk [tilespmem:v6+s9+$0x0], $0xffff  }
0x62: {  	v4 =	vor.u32 $0x8, v5  }
0x63: {  	v3 =	vor.u32 $0x7, v3;
	_ =	sdelay $0x3  }
0x64: {  	[tilespmem:v4+s10+$0x0] =	vst.idx.msk $0xffff, v2  }
0x65: {  	v2 =	vld.idx.msk [tilespmem:v3+s9+$0x0], $0xffff  }
0x66: {  	v3 =	vor.u32 $0x9, v5  }
0x67: {  	v4 =	vor.u32 $0xA, v5  }
0x68: {  	v6 =	vor.u32 $0xB, v5  }
0x69: {  	v7 =	vor.u32 $0xC, v5  }
0x6a: {  	v8 =	vor.u32 $0xD, v5  }
0x6b: {  	v9 =	vor.u32 $0xE, v5;
	[tilespmem:v3+s10+$0x0] =	vst.idx.msk $0xffff, v2  }
.Ltmp0:
0x6c: {  	v2 =	vor.u32 s14, v0;
	[tilespmem:v4+s10+$0x0] =	vst.idx.msk $0xffff, v1;
	v4 =	vor.u32 $0xF, v5;
	(pc) =	sbr.rel @p0 .LBB2_2-.Ltmp0, $4  }
0x6d: {  	v3 =	vshll.u32 v2, $0x1;
	[tilespmem:v6+s10+$0x0] =	vst.idx.msk $0xffff, v1  }
0x6e: {  	[tilespmem:v7+s10+$0x0] =	vst.idx.msk $0xffff, v1  }
0x6f: {  	[tilespmem:v8+s10+$0x0] =	vst.idx.msk $0xffff, v1  }
0x70: {  	[tilespmem:v9+s10+$0x0] =	vst.idx.msk $0xffff, v1  }
0x71: {  	_ =	sdelay $0x3  }
0x72: {  	[tilespmem:v4+s10+$0x0] =	vst.idx.msk $0xffff, v1  }
0x73: {  	v2 =	vshll.u32 v2, $0x4;
	v4 =	vld.idx.msk [tilespmem:v3+s2+$0x0], $0xffff  }
0x74: {  	s12 =	sadd.s32 $0x10, s12;
	v3 =	vor.u32 $0x1, v3  }
0x75: {  	v5 =	vld [tilespmem:s12+$0x0];
	_ =	sdelay $0x2  }
0x76: {  	[tilespmem:v2+s10+$0x0] =	vst.idx.msk $0xffff, v4  }
0x77: {  	v48 =	vor.u32 $0x1, v2;
	v3 =	vld.idx.msk [tilespmem:v3+s2+$0x0], $0xffff  }
0x78: {  	v5 =	vshll.u32 v5, $0x3;
	_ =	sdelay $0x3  }
0x79: {  	[tilespmem:v48+s10+$0x0] =	vst.idx.msk $0xffff, v3  }
0x7a: {  	v49 =	vor.u32 $0x2, v2;
	v3 =	vld.idx.msk [tilespmem:v5+s9+$0x0], $0xffff  }
0x7b: {  	v6 =	vor.u32 $0x1, v5;
	_ =	sdelay $0x3  }
0x7c: {  	[tilespmem:v49+s10+$0x0] =	vst.idx.msk $0xffff, v3  }
0x7d: {  	v50 =	vor.u32 $0x3, v2;
	v3 =	vld.idx.msk [tilespmem:v6+s9+$0x0], $0xffff  }
0x7e: {  	v51 =	vor.u32 $0x2, v5;
	_ =	sdelay $0x3  }
0x7f: {  	[tilespmem:v50+s10+$0x0] =	vst.idx.msk $0xffff, v3  }
0x80: {  	v52 =	vor.u32 $0x4, v2;
	v3 =	vld.idx.msk [tilespmem:v51+s9+$0x0], $0xffff  }
0x81: {  	v53 =	vor.u32 $0x3, v5;
	_ =	sdelay $0x3  }
0x82: {  	[tilespmem:v52+s10+$0x0] =	vst.idx.msk $0xffff, v3  }
0x83: {  	v54 =	vor.u32 $0x5, v2;
	v3 =	vld.idx.msk [tilespmem:v53+s9+$0x0], $0xffff  }
0x84: {  	v55 =	vor.u32 $0x4, v5;
	_ =	sdelay $0x3  }
0x85: {  	[tilespmem:v54+s10+$0x0] =	vst.idx.msk $0xffff, v3  }
0x86: {  	v56 =	vor.u32 $0x6, v2;
	v3 =	vld.idx.msk [tilespmem:v55+s9+$0x0], $0xffff  }
0x87: {  	v57 =	vor.u32 $0x5, v5;
	_ =	sdelay $0x3  }
0x88: {  	[tilespmem:v56+s10+$0x0] =	vst.idx.msk $0xffff, v3  }
0x89: {  	v58 =	vor.u32 $0x7, v2;
	v3 =	vld.idx.msk [tilespmem:v57+s9+$0x0], $0xffff  }
0x8a: {  	v59 =	vor.u32 $0x6, v5;
	_ =	sdelay $0x3  }
0x8b: {  	[tilespmem:v58+s10+$0x0] =	vst.idx.msk $0xffff, v3  }
0x8c: {  	v60 =	vor.u32 $0x8, v2;
	v3 =	vld.idx.msk [tilespmem:v59+s9+$0x0], $0xffff  }
0x8d: {  	v5 =	vor.u32 $0x7, v5;
	_ =	sdelay $0x3  }
0x8e: {  	[tilespmem:v60+s10+$0x0] =	vst.idx.msk $0xffff, v3  }
0x8f: {  	v61 =	vor.u32 $0x9, v2;
	v3 =	vld.idx.msk [tilespmem:v5+s9+$0x0], $0xffff  }
0x90: {  	v62 =	vor.u32 $0xA, v2  }
0x91: {  	v63 =	vor.u32 $0xB, v2  }
0x92: {  	v7 =	vor.u32 $0xC, v2  }
0x93: {  	v8 =	vor.u32 $0xD, v2  }
0x94: {  	[tilespmem:v61+s10+$0x0] =	vst.idx.msk $0xffff, v3;
	v3 =	vor.u32 $0xE, v2  }
0x95: {  	v2 =	vor.u32 $0xF, v2;
	[tilespmem:v62+s10+$0x0] =	vst.idx.msk $0xffff, v1  }
0x96: {  	[tilespmem:v63+s10+$0x0] =	vst.idx.msk $0xffff, v1  }
0x97: {  	[tilespmem:v7+s10+$0x0] =	vst.idx.msk $0xffff, v1  }
0x98: {  	s11 =	sadd.s32 $0x1, s11;
	[tilespmem:v8+s10+$0x0] =	vst.idx.msk $0xffff, v1  }
0x99: {  	p0 =	sne.s32 s11, s7;
	[tilespmem:v3+s10+$0x0] =	vst.idx.msk $0xffff, v1  }
.Ltmp1:
0x9a: {  	[tilespmem:v2+s10+$0x0] =	vst.idx.msk $0xffff, v1;
	(pc) =	sbr.rel @p0 .LBB2_1-.Ltmp1, $4  }
0x9b: {  	[hbm4b:s6+s2] =	stream.linear.scatter [tilespmem:s10], [sflag:$0x1], $0x6200, $0x38;
	[tilespmem:$0x7860] =	vst v63  }
0x9c: {  	_ =	swait.ge [sflag:s8], $0x6200  }
0x9d: {  	[sflag:s8] =	ssyncset.done $0x0  }
0x9e: {  	[sflag:s8] =	ssyncadd.s32 $0xFFFF9E00  }
0x9f: {  	_ =	sfence.sel $0x180000  }
0xa0: {  	[bflag:$0x0] =	sbarrier.arrive $0xFFFF  }
0xa1: {  	p0 =	sne.s32 s0, $0x0;
	_ =	strace $0x90000047  }
0xa2: {  	s0 =	sadd.s32 @!p0 $0x100000, s1;
	[bflag:$0x2] =	sbarrier.arrive $0xFFFF  }
0xa3: {  	[sflag:s0] =	ssyncadd.tile.s32 @!p0 $0x1;
	_ =	shalt  }
.Lfunc_end2:
_tile_overlayer_lowered:
.L_overlay_start_2:
0xa4: {  	(tag) =	ssettag $0x2  }
0xa5: {  	s0 =	rddreg [dreg:$0x0];
	s2 =	stileid.u32  }
0xa6: {  	s1 =	rddreg [dreg:$0x1];
	p0 =	sne.s32 s2, $0x0  }
0xa7: {  	s3 =	rddreg [dreg:$0x2];
	[bflag:$0x3] =	sbarrier.arrive $0xFFFF;
	s2 =	simm.s32 @!p0 $0x1C01  }
0xa8: {  	[timem:s3], [sflag:s2] =	dma.local @!p0 [hbm:s0], s1  }
0xa9: {  	s0 =	simm.s32 @!p0 $0x1  }
0xaa: {  	_ =	swait.ge @!p0 [sflag:s0], s1  }
0xab: {  	s1 =	ssub.s32 @!p0 $0x0, s1;
	[sflag:s0] =	ssyncset.done @!p0 $0x0  }
0xac: {  	[sflag:s0] =	ssyncadd.s32 @!p0 s1  }
0xad: {  	[bflag:$0x3] =	sbarrier.arrive $0xFFFF  }
0xae: {  	_ =	shalt  }

// kernel: kernel.8.cloned.1.call-start
scs
__scs_entry_jumppad:
0x0: {  	(pc) =	sbr.rel $0x88, $3  }
0x1: {  	(tag) =	ssettag $0x0;
	lr =	simm.s32 $0x1  }
0x2: {  	[smem:$0x3F97] =	sst lr;
	_ =	strace $0xD0000000  }
0x3: {  	_ = 	snop  }
0x4: {  	_ = 	snop  }
0x5: {  	_ = 	snop  }
0x6: {  	_ = 	snop  }
0x7: {  	_ = 	snop  }
__scs_overlays_trampoline_lowered:
0x8: {  	[smem:$0x3FA6] =	sst s0  }
0x9: {  	[smem:$0x3FA7] =	sst s1  }
0xa: {  	[smem:$0x3FA8] =	sst s2  }
0xb: {  	[smem:$0x3FA9] =	sst s3  }
0xc: {  	[smem:$0x3FAA] =	sst s4  }
0xd: {  	[smem:$0x3FAB] =	sst s5  }
0xe: {  	[smem:$0x3FAC] =	sst s6  }
0xf: {  	[smem:$0x3FAD] =	sst s7  }
0x10: {  	[smem:$0x3FAE] =	sst s8  }
0x11: {  	[smem:$0x3FAF] =	sst s9;
	s0 =	simm.s32 @!p0 $0x0  }
0x12: {  	s1 =	sld [smem:$0x3F95];
	s0 =	simm.s32 @p0 $0x1  }
0x13: {  	[smem:$0x3FB0] =	sst s0;
	s0 =	simm.s32 @!p1 $0x0  }
0x14: {  	s2 =	sld [smem:$0x3F94];
	s0 =	simm.s32 @p1 $0x1  }
0x15: {  	[smem:$0x3FB1] =	sst s0;
	s0 =	simm.s32 @!p2 $0x0  }
0x16: {  	s3 =	sld [smem:$0x3FDB];
	s0 =	simm.s32 @p2 $0x1  }
0x17: {  	s4 =	simm.s32 $0x1BF5;
	[smem:$0x3FB3] =	sst s0  }
0x18: {  	s0 =	sld [smem:$0x3F96];
	_ =	swait.ge [sflag:s4], $0x0  }
0x19: {  	s7 =	sld [smem:$0x3F97]  }
0x1a: {  	s8 =	sadd.s32 $0xFFFFE003, lr  }
0x1b: {  	s9 =	sadd.s32 $0xFFFFFEF7, lr;
	s5 =	simm.s32 $0xFFFFFFFF;
	p2 =	slt.u32 s8, $0xFFFFF086  }
0x1c: {  	p1 =	slt.u32 s9, $0xF7A;
	s5 =	simm.s32 @!p2 $0x0  }
0x1d: {  	s5 =	simm.s32 @p1 $0x1;
	p0 =	seq.s32 s7, s2  }
0x1e: {  	s7 =	smul.u32 @!p0 $0xF7A, s2;
	p2 =	seq.s32 @!p0 s5, $0x0  }
0x1f: {  	s9 =	smul.u32 $0xF7A, s1;
	s8 =	simm.s32 @!p0 $0x1BF5;
	p2 =	por !p2, p0  }
0x20: {  	[sflag:s8] =	ssyncset.s32 @!p0 $0xFFFFF086;
	s6 =	sadd.s32 @!p0 s3, s7;
	s7 =	simm.s32 @!p0 $0x108  }
0x21: {  	s3 =	sadd.s32 s3, s9;
	s6 =	sadd.s32 @!p0 $0x88, s6;
	s7 =	simm.s32 @p2 $0x1082  }
0x22: {  	[simem:s7], [sflag:s8] =	dma.local @!p0 [hbm:s6], $0xF7A  }
0x23: {  	s9 =	sor.u32 $0xD0000000, s2;
	s6 =	simm.s32 $0x108;
	_ =	swait.ge @!p0 [sflag:s8], $0x0  }
0x24: {  	s3 =	sadd.s32 $0x88, s3;
	s6 =	simm.s32 @!p1 $0x1082;
	[sflag:s4] =	ssyncset.s32 $0xFFFFF086  }
0x25: {  	[simem:s6], [sflag:s4] =	dma.local [hbm:s3], $0xF7A  }
0x26: {  	[smem:$0x3F97] =	sst s1;
	(tag) =	ssettag s2;
	_ =	strace s9  }
0x27: {  	s1 =	sld [smem:$0x3FA7]  }
0x28: {  	s2 =	sld [smem:$0x3FA8]  }
0x29: {  	s4 =	sld [smem:$0x3FAA]  }
0x2a: {  	p0 =	seq.s32 s5, $0x0;
	s5 =	sld [smem:$0x3FAB]  }
0x2b: {  	s6 =	sld [smem:$0x3FAC]  }
0x2c: {  	s7 =	sld [smem:$0x3FAD]  }
0x2d: {  	s3 =	simm.s32 $0x108;
	s8 =	sld [smem:$0x3FAE]  }
0x2e: {  	s3 =	simm.s32 @!p0 $0x1082;
	s9 =	sld [smem:$0x3FAF]  }
0x2f: {  	lr =	sadd.s32 s0, s3;
	s0 =	sld [smem:$0x3FA6]  }
0x30: {  	s3 =	sld [smem:$0x3FA9]  }
0x31: {  	[smem:$0x3FB2] =	sst s10  }
0x32: {  	s10 =	sld [smem:$0x3FB0];
	_ =	sdelay $0x3  }
0x33: {  	p0 =	seq.s32 s10, $0x1;
	s10 =	sld [smem:$0x3FB2];
	_ =	sdelay $0x3  }
0x34: {  	[smem:$0x3FB2] =	sst s10  }
0x35: {  	s10 =	sld [smem:$0x3FB1];
	_ =	sdelay $0x3  }
0x36: {  	p1 =	seq.s32 s10, $0x1;
	s10 =	sld [smem:$0x3FB2];
	_ =	sdelay $0x3  }
0x37: {  	[smem:$0x3FB2] =	sst s10  }
0x38: {  	s10 =	sld [smem:$0x3FB3]  }
0x39: {  	_ = 	snop;
	(pc) =	sbr.ind lr, $3  }
0x3a: {  	_ = 	snop  }
0x3b: {  	_ = 	snop  }
0x3c: {  	p2 =	seq.s32 s10, $0x1;
	s10 =	sld [smem:$0x3FB2]  }
0x3d: {  	_ =	shalt  }
0x3e: {  	_ =	shalt  }
0x3f: {  	_ =	shalt  }
0x40: {  	_ =	shalt  }
0x41: {  	_ =	shalt  }
0x42: {  	_ =	shalt  }
0x43: {  	_ =	shalt  }
0x44: {  	_ =	shalt  }
0x45: {  	_ =	shalt  }
0x46: {  	_ =	shalt  }
0x47: {  	_ =	shalt  }
0x48: {  	_ =	shalt  }
0x49: {  	_ =	shalt  }
0x4a: {  	_ =	shalt  }
0x4b: {  	_ =	shalt  }
0x4c: {  	_ =	shalt  }
0x4d: {  	_ =	shalt  }
0x4e: {  	_ =	shalt  }
0x4f: {  	_ =	shalt  }
0x50: {  	_ =	shalt  }
0x51: {  	_ =	shalt  }
0x52: {  	_ =	shalt  }
0x53: {  	_ =	shalt  }
0x54: {  	_ =	shalt  }
0x55: {  	_ =	shalt  }
0x56: {  	_ =	shalt  }
0x57: {  	_ =	shalt  }
0x58: {  	_ =	shalt  }
0x59: {  	_ =	shalt  }
0x5a: {  	_ =	shalt  }
0x5b: {  	_ =	shalt  }
0x5c: {  	_ =	shalt  }
0x5d: {  	_ =	shalt  }
0x5e: {  	_ =	shalt  }
0x5f: {  	_ =	shalt  }
0x60: {  	_ =	shalt  }
0x61: {  	_ =	shalt  }
0x62: {  	_ =	shalt  }
0x63: {  	_ =	shalt  }
0x64: {  	_ =	shalt  }
0x65: {  	_ =	shalt  }
0x66: {  	_ =	shalt  }
0x67: {  	_ =	shalt  }
0x68: {  	_ =	shalt  }
0x69: {  	_ =	shalt  }
0x6a: {  	_ =	shalt  }
0x6b: {  	_ =	shalt  }
0x6c: {  	_ =	shalt  }
0x6d: {  	_ =	shalt  }
0x6e: {  	_ =	shalt  }
0x6f: {  	_ =	shalt  }
0x70: {  	_ =	shalt  }
0x71: {  	_ =	shalt  }
0x72: {  	_ =	shalt  }
0x73: {  	_ =	shalt  }
0x74: {  	_ =	shalt  }
0x75: {  	_ =	shalt  }
0x76: {  	_ =	shalt  }
0x77: {  	_ =	shalt  }
0x78: {  	_ =	shalt  }
0x79: {  	_ =	shalt  }
0x7a: {  	_ =	shalt  }
0x7b: {  	_ =	shalt  }
0x7c: {  	_ =	shalt  }
0x7d: {  	_ =	shalt  }
0x7e: {  	_ =	shalt  }
0x7f: {  	_ =	shalt  }
0x80: {  	_ =	shalt  }
0x81: {  	_ =	shalt  }
0x82: {  	_ =	shalt  }
0x83: {  	_ =	shalt  }
0x84: {  	_ =	shalt  }
0x85: {  	_ =	shalt  }
0x86: {  	_ =	shalt  }
0x87: {  	_ =	shalt  }
.Lfunc_end0:
.L_simem_size_0:
called_computation.1_lowered:
.L_overlay_start_0:
0x88: {  	s2 =	sld [smem:$0x3FD9]  }
0x89: {  	s3 =	sld [smem:$0x3FFE];
	_ =	sdelay $0x1  }
0x8a: {  	s1 =	srdreg.scid  }
0x8b: {  	s0 =	sand.u32 $0x1, s1  }
0x8c: {  	s16 =	sshll.u32 s0, $0xA;
	s2 =	sadd.s32 s3, s2  }
0x8d: {  	s2 =	sadd.s32 s2, s16  }
0x8e: {  	[smem:$0x3FBE] =	sst s2  }
0x8f: {  	_ = 	snop  }
0x90: {  	(tm) =	ssettm $0x1  }
0x91: {  	s17 =	sld [smem:$0x3FFB];
	_ =	sdelay $0x3  }
0x92: {  	_ =	strace s17  }
0x93: {  	s2 =	sld [smem:$0x3FFC];
	_ =	sdelay $0x3  }
0x94: {  	_ =	strace s2  }
0x95: {  	s2 =	sld [smem:$0x3FFD];
	_ =	sdelay $0x3  }
0x96: {  	_ =	strace s2  }
0x97: {  	_ =	strace $0x8FFFFFFF  }
0x98: {  	s18 =	sld [smem:$0x3FDB];
	_ =	sdelay $0x1  }
0x99: {  	s19 =	simm.s32 $_scs_section_size  }
0x9a: {  	s4 =	simm.s32 $_size__tile_overlayer_lowered;
	s5 =	simm.s32 $_tile_overlayer_lowered  }
0x9b: {  	s22 =	simm.s32 $0x1BFF;
	s21 =	sshll.u32 s5, $0x1;
	s2 =	sadd.s32 s19, s18  }
0x9c: {  	s6 =	simm.s32 $0x0;
	s20 =	sshll.u32 s4, $0x1;
	s4 =	sadd.s32 s21, s2  }
0x9d: {  	[timem:s6], [sflag:s22] =	dma.local [hbm:s4], s20  }
0x9e: {  	_ =	swait.ge [sflag:s22], s20  }
0x9f: {  	s3 =	ssub.s32 $0x0, s20;
	[sflag:s22] =	ssyncset.done $0x0  }
0xa0: {  	[sflag:s22] =	ssyncadd.s32 s3;
	_ =	sdelay $0x1  }
0xa1: {  	s23 =	simm.s32 $0x1B8B  }
0xa2: {  	_ =	swait.ge [sflag:s23], $0x1  }
0xa3: {  	[sflag:s23] =	ssyncset.done $0x0  }
0xa4: {  	s25 =	simm.s32 $0x1B8E;
	s24 =	sld [smem:$0x3FFE];
	[sflag:s23] =	ssyncadd.s32 $0xFFFFFFFF  }
0xa5: {  	s26 =	simm.s32 $execute0_lowered;
	[smem:$0x3FD2] =	sst s25  }
0xa6: {  	s4 =	sshll.u32 s26, $0x1;
	_ =	strace $0x80000049;
	[dreg:$0x1] =	wrdreg $0xFFFFFFFF  }
0xa7: {  	s28 =	simm.s32 $_size_execute0_lowered;
	s2 =	sadd.s32 s2, s4;
	[dreg:$0x0] =	wrdreg $0x0  }
0xa8: {  	s4 =	sshll.u32 s28, $0x1;
	[dreg:$0x2] =	wrdreg s2  }
0xa9: {  	[dreg:$0x3] =	wrdreg s4  }
0xaa: {  	[dreg:$0x4] =	wrdreg $0xC0  }
0xab: {  	_ =	task [dreg:s6], $0x5FFFF  }
0xac: {  	[dreg:$0x1] =	wrdreg $0xFFFFFFFF  }
0xad: {  	[dreg:$0x0] =	wrdreg $0x60  }
0xae: {  	[dreg:$0x2] =	wrdreg s24  }
0xaf: {  	[dreg:$0x3] =	wrdreg $0x90A00  }
0xb0: {  	[dreg:$0x4] =	wrdreg $0x9  }
0xb1: {  	_ =	task.clear_ibuf [dreg:s6], $0x5FFFF;
	_ =	strace $0x90000049  }
0xb2: {  	s29 =	simm.s32 $0x9;
	_ =	strace $0x8000004B  }
0xb3: {  	_ =	swait.ge [sflag:s29], $0x1  }
0xb4: {  	[sflag:s29] =	ssyncadd.s32 $0xFFFFFFFF  }
0xb5: {  	_ =	strace $0x9000004B  }
0xb6: {  	_ =	sfence  }
0xb7: {  	s30 =	sld [smem:$0x0];
	_ =	sdelay $0x2  }
0xb8: {  	s31 =	sshll.u32 s1, $0xD;
	s1 =	sshrl.u32 s1, $0x2  }
0xb9: {  	s3 =	sand.u32 $0x4000, s31;
	s1 =	sadd.s32 s1, s30  }
0xba: {  	s0 =	sor.u32 s3, s0;
	s1 =	sshll.u32 s1, $0x11  }
0xbb: {  	s0 =	sor.u32 s1, s0  }
0xbc: {  	s0 =	sadd.s32 $0x8F2B, s0  }
0xbd: {  	[sflag:s0] =	ssyncadd.remote.s32 $0x1  }
0xbe: {  	_ =	sfence.sel $0xFFFF  }
0xbf: {  	[dreg:$0x0] =	wrdreg $0xFFFFFFFF;
	(pc) =	sbr.abs _section_cstart, $3  }
0xc0: {  	[dreg:$0x1] =	wrdreg $0xFFFFFFFF  }
0xc1: {  	_ =	task.clear_ibuf [dreg:s6], $0x2FFFF;
	_ =	strace $0x9FFFFFFF  }
0xc2: {  	(tm) =	ssettm $0x7FFFFFFF  }
0xc3: {  	_ =	shalt  }
tec
execute0_lowered:
.L_overlay_start_1:
0x0: {  	(tag) =	ssettag $0x1  }
0x1: {  	s0 =	srdreg.scid  }
0x2: {  	s10 =	stileid.u32;
	s1 =	rddreg [dreg:$0x0]  }
0x3: {  	s16 =	rddreg [dreg:$0x1];
	s3 =	simm.s32 $0x0;
	s6 =	smul.u32 $0xC400, s10  }
0x4: {  	s29 =	simm.s32 $0xB;
	s0 =	sand.u32 $0x1, s0;
	s7 =	smul.u32 $0x31000, s10  }
0x5: {  	[smem:$0x7FF] =	sst s3;
	s21 =	sadd.s32 $0x1EE00, s1;
	s17 =	smul.u32 $0x186A0, s10  }
0x6: {  	s8 =	sshll.u32 s10, $0x1;
	s4 =	smul.u32 $0xC4000, s0;
	_ =	strace $0x8000004A  }
0x7: {  	s12 =	ssub.s32 $0x2, s0;
	s8 =	sor.u32 s0, s8;
	s19 =	smul.u32 $0xC350, s0  }
0x8: {  	p0 =	sne.s32 s0, $0x0;
	[dreg:$0x16] =	wrdreg s21;
	s7 =	sshrl.u32 s7, $0x2  }
0x9: {  	s9 =	sshrl.u32 s12, $0x1;
	s13 =	smul.u32 $0xC350, s8;
	s18 =	sshrl.u32 s6, $0x3  }
0xa: {  	s4 =	sadd.s32 s6, s4;
	s11 =	sadd.s32 s7, s16;
	s6 =	sadd.s32 s6, s16  }
0xb: {  	s5 =	sshrl.u32 s4, $0x3;
	s4 =	sadd.s32 $0x6600, s1;
	[dreg:$0x17] =	wrdreg s11  }
0xc: {  	s7 =	sadd.s32 $0x3100, s11;
	s14 =	sadd.s32 $0x6200, s11;
	[dreg:$0x1b] =	wrdreg s6  }
0xd: {  	s15 =	sadd.s32 $0x9300, s11;
	s6 =	sadd.s32 s19, s17;
	[dreg:$0x18] =	wrdreg s7  }
0xe: {  	s1 =	sadd.s32 s5, s1;
	s5 =	ssub.s32 s12, s9;
	[dreg:$0x19] =	wrdreg s14  }
0xf: {  	[dreg:$0x1a] =	wrdreg s15;
	s7 =	sshrl.u32 s13, $0x3;
	s25 =	sadd.s32 $0x980, s6  }
0x10: {  	s20 =	sadd.s32 s4, s18;
	s28 =	sadd.s32 $0x187380, s6;
	s10 =	sadd.s32 $0x187300, s6  }
0x11: {  	s2 =	sadd.s32 $0x900, s6;
	s12 =	sadd.s32 $0x880, s6;
	s17 =	sadd.s32 $0x187280, s6  }
0x12: {  	s19 =	sadd.s32 $0x800, s6;
	[dreg:$0x1c] =	wrdreg s20;
	s11 =	sadd.s32 s21, s7  }
0x13: {  	s8 =	sshrl.u32 s28, $0x3;
	s9 =	sshrl.u32 s2, $0x3;
	s14 =	sshrl.u32 s12, $0x3  }
0x14: {  	s18 =	sshrl.u32 s17, $0x3;
	s22 =	sadd.s32 $0x30D40, s11;
	[dreg:$0x1d] =	wrdreg s11  }
0x15: {  	s20 =	sadd.s32 $0x187200, s6;
	s23 =	sadd.s32 $0x10, s11;
	[dreg:$0x1e] =	wrdreg s22  }
0x16: {  	s28 =	sadd.s32 $0x187180, s6;
	s7 =	sadd.s32 $0x30D50, s11;
	[dreg:$0x1f] =	wrdreg s23  }
0x17: {  	s24 =	sadd.s32 $0x20, s11;
	s26 =	sadd.s32 $0x30D60, s11;
	[smem:$0x7E8] =	sst s7  }
0x18: {  	s30 =	sadd.s32 $0x30, s11;
	s31 =	sadd.s32 s8, s21;
	[smem:$0x7E9] =	sst s24  }
0x19: {  	s8 =	sshrl.u32 s10, $0x3;
	s10 =	sadd.s32 $0x187100, s6;
	[smem:$0x7EA] =	sst s26  }
0x1a: {  	s15 =	sadd.s32 s14, s21;
	s14 =	sadd.s32 $0x187080, s6;
	[smem:$0x7EB] =	sst s30  }
0x1b: {  	s7 =	sshrl.u32 s25, $0x3;
	[dreg:$0x4] =	wrdreg s31;
	s13 =	sadd.s32 s8, s21  }
0x1c: {  	[dreg:$0x7] =	wrdreg s15;
	s8 =	sshrl.u32 s19, $0x3;
	s23 =	sshrl.u32 s20, $0x3  }
0x1d: {  	s25 =	sadd.s32 $0x780, s6;
	s30 =	sadd.s32 $0x700, s6;
	s12 =	sshrl.u32 s10, $0x3  }
0x1e: {  	s17 =	sshrl.u32 s14, $0x3;
	s14 =	sadd.s32 $0x80A00, s1;
	[dreg:$0x6] =	wrdreg s13  }
0x1f: {  	s19 =	sadd.s32 $0x600, s6;
	s7 =	sadd.s32 s7, s21;
	[smem:$0x7F0] =	sst s14  }
0x20: {  	s22 =	sadd.s32 s8, s21;
	s24 =	sadd.s32 s23, s21;
	[dreg:$0x3] =	wrdreg s7  }
0x21: {  	s26 =	sshrl.u32 s25, $0x3;
	s8 =	sshrl.u32 s28, $0x3;
	[dreg:$0x9] =	wrdreg s22  }
0x22: {  	s20 =	sshrl.u32 s19, $0x3;
	s19 =	sadd.s32 $0x60, s11;
	[dreg:$0xa] =	wrdreg s24  }
0x23: {  	s2 =	sshrl.u32 s30, $0x3;
	s7 =	sadd.s32 s9, s21;
	[smem:$0x7F4] =	sst s19  }
0x24: {  	s13 =	sadd.s32 $0x680, s6;
	s31 =	sadd.s32 s8, s21;
	[dreg:$0x5] =	wrdreg s7  }
0x25: {  	s23 =	sadd.s32 $0x580, s6;
	s9 =	sadd.s32 s2, s21;
	[dreg:$0xc] =	wrdreg s31  }
0x26: {  	s28 =	sadd.s32 $0x186F80, s6;
	s2 =	sadd.s32 $0x30D70, s11;
	[dreg:$0xd] =	wrdreg s9  }
0x27: {  	s8 =	sshrl.u32 s13, $0x3;
	s13 =	sadd.s32 $0x50, s11;
	[smem:$0x7EC] =	sst s2  }
0x28: {  	s25 =	sshrl.u32 s23, $0x3;
	s23 =	sadd.s32 $0x30DB0, s11;
	[smem:$0x7EF] =	sst s13  }
0x29: {  	s30 =	sshrl.u32 s28, $0x3;
	s28 =	sadd.s32 $0x30DD0, s11;
	[smem:$0x7F7] =	sst s23  }
0x2a: {  	s1 =	simm.s32 $0x9;
	s7 =	sadd.s32 s18, s21;
	[smem:$0x7FB] =	sst s28  }
0x2b: {  	s14 =	simm.s32 $0x80;
	s15 =	sadd.s32 s8, s21;
	[dreg:$0x8] =	wrdreg s7  }
0x2c: {  	s22 =	sadd.s32 $0x187000, s6;
	s18 =	sadd.s32 s17, s21;
	[dreg:$0xf] =	wrdreg s15  }
0x2d: {  	s19 =	simm.s32 $0xF;
	s9 =	sadd.s32 $0x40, s11;
	[dreg:$0x10] =	wrdreg s18  }
0x2e: {  	s8 =	sshrl.u32 s22, $0x3;
	s17 =	sadd.s32 $0x500, s6;
	[smem:$0x7ED] =	sst s9  }
0x2f: {  	s31 =	sadd.s32 $0x186F00, s6;
	s22 =	sadd.s32 $0x70, s11;
	[smem:$0x7F2] =	sst s17  }
0x30: {  	s6 =	simm.s32 $0x500;
	s7 =	sadd.s32 s26, s21;
	[smem:$0x7F6] =	sst s22  }
0x31: {  	s13 =	simm.s32 $0xD;
	s24 =	sadd.s32 s8, s21;
	[dreg:$0xb] =	wrdreg s7  }
0x32: {  	s2 =	simm.s32 $0xE;
	s26 =	sadd.s32 s25, s21;
	[dreg:$0x12] =	wrdreg s24  }
0x33: {  	s23 =	simm.s32 $0x15;
	s15 =	smax.u32 s5, $0x1;
	[dreg:$0x13] =	wrdreg s26  }
0x34: {  	s8 =	sshrl.u32 s31, $0x3;
	s18 =	sadd.s32 $0x30D90, s11;
	[smem:$0x7F1] =	sst s15  }
0x35: {  	s25 =	sadd.s32 $0x30DC0, s11;
	s31 =	sadd.s32 $0x325A0, s11;
	[smem:$0x7F3] =	sst s18  }
0x36: {  	s17 =	simm.s32 $0x580;
	s22 =	simm.s32 $0x12;
	[smem:$0x7F9] =	sst s25  }
0x37: {  	s9 =	simm.s32 $0xA;
	s7 =	sadd.s32 s12, s21;
	[smem:$0x7FD] =	sst s31  }
0x38: {  	s5 =	simm.s32 $0x0;
	s10 =	sadd.s32 s8, s21;
	[dreg:$0xe] =	wrdreg s7  }
0x39: {  	s12 =	sadd.s32 $0x30D80, s11;
	s24 =	sadd.s32 $0x80, s11;
	[dreg:$0x15] =	wrdreg s10  }
0x3a: {  	s26 =	sadd.s32 $0x90, s11;
	s15 =	simm.s32 $0x1F;
	[smem:$0x7EE] =	sst s12  }
0x3b: {  	s18 =	simm.s32 $0x100;
	s25 =	simm.s32 $0x14;
	[smem:$0x7F8] =	sst s24  }
0x3c: {  	s8 =	simm.s32 $0x16;
	s7 =	sadd.s32 s20, s21;
	[smem:$0x7FA] =	sst s26  }
0x3d: {  	s20 =	sadd.s32 $0x30DA0, s11;
	s12 =	simm.s32 $0xC;
	[dreg:$0x11] =	wrdreg s7  }
0x3e: {  	s10 =	simm.s32 $0x13;
	s7 =	sadd.s32 s30, s21;
	[smem:$0x7F5] =	sst s20  }
0x3f: {  	s30 =	sadd.s32 $0x1860, s11;
	s20 =	simm.s32 $0x180;
	[dreg:$0x14] =	wrdreg s7  }
0x40: {  	v0 =	vimm.f32 $0.0e+00;
	s11 =	simm.s32 $0x11;
	[smem:$0x7FC] =	sst s30;
	s7 =	simm.s32 $0x10  }
.LBB2_1:
.Ltmp0:
0x41: {  	(pc) =	sbr.rel @p0 .LBB2_3-.Ltmp0, $4  }
0x42: {  	s0 =	stileid.u32;
	s31 =	rddreg [dreg:$0x1b]  }
0x43: {  	[smem:$0x7E5] =	sst s5;
	s0 =	sshll.u32 s0, $0x6;
	s5 =	sshrl.u32 s31, $0x3  }
0x44: {  	s21 =	sor.u32 $0x1C1F, s0;
	[smem:$0x7E6] =	sst s5  }
0x45: {  	[smem:$0x7E7] =	sst s21  }
.Ltmp1:
0x46: {  	s0 =	rddreg [dreg:$0x1c];
	(pc) =	sbr.rel .LBB2_6-.Ltmp1, $4  }
0x47: {  	[spmem:s5], [sflag:s21] =	dma.local [hbm:s0], $0x1880  }
0x48: {  	_ =	swait.ge [sflag:s15], $0x1880  }
0x49: {  	[sflag:s15] =	ssyncset.done $0x0  }
0x4a: {  	[sflag:s15] =	ssyncadd.s32 $0xFFFFE780  }
.LBB2_3:
0x4b: {  	s0 =	simm.s32 $0x40;
	s6 =	simm.s32 $0x0  }
.LBB2_4:
0x4c: {  	p1 =	sne.s32 s0, $0xC3C0;
	[tilespmem:s6+$0x5FA0] =	vst v0;
	s6 =	smov.u32 s0;
	s0 =	sadd.s32 $0x40, s0  }
.Ltmp2:
0x4d: {  	(pc) =	sbr.rel @p1 .LBB2_4-.Ltmp2, $2  }
0x4e: {  	_ =	sdelay $0x2  }
0x4f: {  	s6 =	sshra.s32 s6, $0x2  }
0x50: {  	[tilespmem:s6+$0x5FA0] =	vst v0;
	s0 =	rddreg [dreg:$0x17];
	s5 =	simm.s32 $0x5FA0  }
0x51: {  	[spmem:s0] =	stream.linear.scatter [tilespmem:s5], [sflag:$0x1F], $0x3100, $0x38;
	[tilespmem:$0x154A0] =	vst v63  }
0x52: {  	_ =	swait.ge [sflag:s15], $0x3100  }
0x53: {  	[sflag:s15] =	ssyncset.done $0x0  }
0x54: {  	s28 =	rddreg [dreg:$0x18];
	[sflag:s15] =	ssyncadd.s32 $0xFFFFCF00  }
0x55: {  	[spmem:s28] =	stream.linear.scatter [tilespmem:s5], [sflag:$0x1F], $0x3100, $0x38;
	[tilespmem:$0x154A0] =	vst v63  }
0x56: {  	_ =	swait.ge [sflag:s15], $0x3100  }
0x57: {  	[sflag:s15] =	ssyncset.done $0x0  }
0x58: {  	s30 =	rddreg [dreg:$0x19];
	[sflag:s15] =	ssyncadd.s32 $0xFFFFCF00  }
0x59: {  	[spmem:s30] =	stream.linear.scatter [tilespmem:s5], [sflag:$0x1F], $0x3100, $0x38;
	[tilespmem:$0x154A0] =	vst v63  }
0x5a: {  	_ =	swait.ge [sflag:s15], $0x3100  }
0x5b: {  	[sflag:s15] =	ssyncset.done $0x0  }
0x5c: {  	s31 =	rddreg [dreg:$0x1a];
	[sflag:s15] =	ssyncadd.s32 $0xFFFFCF00  }
0x5d: {  	[spmem:s31] =	stream.linear.scatter [tilespmem:s5], [sflag:$0x1F], $0x3100, $0x38;
	[tilespmem:$0x154A0] =	vst v63  }
0x5e: {  	_ =	swait.ge [sflag:s15], $0x3100  }
0x5f: {  	[sflag:s15] =	ssyncset.done $0x0  }
0x60: {  	s6 =	simm.s32 $0x500;
	[sflag:s15] =	ssyncadd.s32 $0xFFFFCF00  }
.LBB2_6:
0x61: {  	[bflag:$0x0] =	sbarrier.arrive $0xFFFF  }
0x62: {  	s0 =	simm.s32 $0x0;
	s5 =	rddreg [dreg:$0x1d]  }
0x63: {  	[tilespmem:s0], [sflag:$0xB] =	stream.linear.gather [hbm4b:s5+s0], $0x80, $0x38;
	[tilespmem:$0x154A0] =	vst v63  }
0x64: {  	s26 =	rddreg [dreg:$0x1e]  }
0x65: {  	[tilespmem:s6], [sflag:$0xB] =	stream.linear.gather [hbm4b:s26+s0], $0x80, $0x38;
	[tilespmem:$0x154A0] =	vst v63  }
0x66: {  	_ =	swait.ge [sflag:s29], $0x80  }
0x67: {  	[sflag:s29] =	ssyncset.done $0x0  }
0x68: {  	[sflag:s29] =	ssyncadd.s32 $0xFFFFFF80  }
0x69: {  	_ =	swait.ge [sflag:s29], $0x80  }
0x6a: {  	[sflag:s29] =	ssyncset.done $0x0;
	s28 =	rddreg [dreg:$0x1f]  }
0x6b: {  	[sflag:s29] =	ssyncadd.s32 $0xFFFFFF80;
	s29 =	sld [smem:$0x7E8]  }
0x6c: {  	[tilespmem:s14], [sflag:$0xC] =	stream.linear.gather [hbm4b:s28+s0], $0x80, $0x38;
	[tilespmem:$0x154A0] =	vst v63  }
0x6d: {  	_ = 	snop  }
0x6e: {  	[tilespmem:s17], [sflag:$0xC] =	stream.linear.gather [hbm4b:s29+s0], $0x80, $0x38;
	[tilespmem:$0x154A0] =	vst v63  }
0x6f: {  	_ =	swait.ge [sflag:s12], $0x80  }
0x70: {  	[sflag:s12] =	ssyncset.done $0x0  }
0x71: {  	[sflag:s12] =	ssyncadd.s32 $0xFFFFFF80  }
0x72: {  	_ =	swait.ge [sflag:s12], $0x80  }
0x73: {  	s30 =	sld [smem:$0x7E9]  }
0x74: {  	[sflag:s12] =	ssyncset.done $0x0  }
0x75: {  	s31 =	sld [smem:$0x7EA];
	[sflag:s12] =	ssyncadd.s32 $0xFFFFFF80  }
0x76: {  	[tilespmem:s18], [sflag:$0xD] =	stream.linear.gather [hbm4b:s30+s0], $0x80, $0x38;
	[tilespmem:$0x154A0] =	vst v63  }
0x77: {  	s15 =	simm.s32 $0x600  }
0x78: {  	[tilespmem:s15], [sflag:$0xD] =	stream.linear.gather [hbm4b:s31+s0], $0x80, $0x38;
	[tilespmem:$0x154A0] =	vst v63  }
0x79: {  	_ =	swait.ge [sflag:s13], $0x80  }
0x7a: {  	[sflag:s13] =	ssyncset.done $0x0  }
0x7b: {  	[sflag:s13] =	ssyncadd.s32 $0xFFFFFF80  }
0x7c: {  	_ =	swait.ge [sflag:s13], $0x80  }
0x7d: {  	s12 =	sld [smem:$0x7EB]  }
0x7e: {  	[sflag:s13] =	ssyncset.done $0x0  }
0x7f: {  	[sflag:s13] =	ssyncadd.s32 $0xFFFFFF80;
	s13 =	sld [smem:$0x7EC]  }
0x80: {  	[tilespmem:s20], [sflag:$0xE] =	stream.linear.gather [hbm4b:s12+s0], $0x80, $0x38;
	[tilespmem:$0x154A0] =	vst v63  }
0x81: {  	s21 =	simm.s32 $0x680  }
0x82: {  	[tilespmem:s21], [sflag:$0xE] =	stream.linear.gather [hbm4b:s13+s0], $0x80, $0x38;
	[tilespmem:$0x154A0] =	vst v63  }
0x83: {  	_ =	swait.ge [sflag:s2], $0x80  }
0x84: {  	[sflag:s2] =	ssyncset.done $0x0  }
0x85: {  	[sflag:s2] =	ssyncadd.s32 $0xFFFFFF80  }
0x86: {  	_ =	swait.ge [sflag:s2], $0x80  }
0x87: {  	s24 =	sld [smem:$0x7ED]  }
0x88: {  	[sflag:s2] =	ssyncset.done $0x0  }
0x89: {  	s26 =	simm.s32 $0x200;
	s28 =	sld [smem:$0x7EE];
	[sflag:s2] =	ssyncadd.s32 $0xFFFFFF80  }
0x8a: {  	[tilespmem:s26], [sflag:$0xF] =	stream.linear.gather [hbm4b:s24+s0], $0x80, $0x38;
	[tilespmem:$0x154A0] =	vst v63  }
0x8b: {  	s29 =	simm.s32 $0x700  }
0x8c: {  	[tilespmem:s29], [sflag:$0xF] =	stream.linear.gather [hbm4b:s28+s0], $0x80, $0x38;
	[tilespmem:$0x154A0] =	vst v63  }
0x8d: {  	_ =	swait.ge [sflag:s19], $0x80  }
0x8e: {  	[sflag:s19] =	ssyncset.done $0x0  }
0x8f: {  	[sflag:s19] =	ssyncadd.s32 $0xFFFFFF80  }
0x90: {  	_ =	swait.ge [sflag:s19], $0x80  }
0x91: {  	s30 =	sld [smem:$0x7EF]  }
0x92: {  	[sflag:s19] =	ssyncset.done $0x0  }
0x93: {  	s31 =	simm.s32 $0x280;
	s2 =	sld [smem:$0x7F3];
	[sflag:s19] =	ssyncadd.s32 $0xFFFFFF80  }
0x94: {  	[tilespmem:s31], [sflag:$0x10] =	stream.linear.gather [hbm4b:s30+s0], $0x80, $0x38;
	[tilespmem:$0x154A0] =	vst v63  }
0x95: {  	s12 =	simm.s32 $0x780  }
0x96: {  	[tilespmem:s12], [sflag:$0x10] =	stream.linear.gather [hbm4b:s2+s0], $0x80, $0x38;
	[tilespmem:$0x154A0] =	vst v63  }
0x97: {  	_ =	swait.ge [sflag:s7], $0x80  }
0x98: {  	[sflag:s7] =	ssyncset.done $0x0  }
0x99: {  	[sflag:s7] =	ssyncadd.s32 $0xFFFFFF80  }
0x9a: {  	_ =	swait.ge [sflag:s7], $0x80  }
0x9b: {  	s19 =	sld [smem:$0x7F4]  }
0x9c: {  	[sflag:s7] =	ssyncset.done $0x0  }
0x9d: {  	s21 =	simm.s32 $0x300;
	s26 =	sld [smem:$0x7F5];
	[sflag:s7] =	ssyncadd.s32 $0xFFFFFF80  }
0x9e: {  	[tilespmem:s21], [sflag:$0x11] =	stream.linear.gather [hbm4b:s19+s0], $0x80, $0x38;
	[tilespmem:$0x154A0] =	vst v63  }
0x9f: {  	s28 =	simm.s32 $0x800  }
0xa0: {  	[tilespmem:s28], [sflag:$0x11] =	stream.linear.gather [hbm4b:s26+s0], $0x80, $0x38;
	[tilespmem:$0x154A0] =	vst v63  }
0xa1: {  	_ =	swait.ge [sflag:s11], $0x80  }
0xa2: {  	[sflag:s11] =	ssyncset.done $0x0  }
0xa3: {  	[sflag:s11] =	ssyncadd.s32 $0xFFFFFF80  }
0xa4: {  	_ =	swait.ge [sflag:s11], $0x80  }
0xa5: {  	s30 =	sld [smem:$0x7F6]  }
0xa6: {  	[sflag:s11] =	ssyncset.done $0x0  }
0xa7: {  	s31 =	simm.s32 $0x380;
	s2 =	sld [smem:$0x7F7];
	[sflag:s11] =	ssyncadd.s32 $0xFFFFFF80  }
0xa8: {  	[tilespmem:s31], [sflag:$0x12] =	stream.linear.gather [hbm4b:s30+s0], $0x80, $0x38;
	[tilespmem:$0x154A0] =	vst v63  }
0xa9: {  	s7 =	simm.s32 $0x880  }
0xaa: {  	[tilespmem:s7], [sflag:$0x12] =	stream.linear.gather [hbm4b:s2+s0], $0x80, $0x38;
	[tilespmem:$0x154A0] =	vst v63  }
0xab: {  	_ =	swait.ge [sflag:s22], $0x80  }
0xac: {  	[sflag:s22] =	ssyncset.done $0x0  }
0xad: {  	[sflag:s22] =	ssyncadd.s32 $0xFFFFFF80  }
0xae: {  	_ =	swait.ge [sflag:s22], $0x80  }
0xaf: {  	s11 =	sld [smem:$0x7F8]  }
0xb0: {  	[sflag:s22] =	ssyncset.done $0x0  }
0xb1: {  	s12 =	simm.s32 $0x400;
	s19 =	sld [smem:$0x7F9];
	[sflag:s22] =	ssyncadd.s32 $0xFFFFFF80  }
0xb2: {  	[tilespmem:s12], [sflag:$0x13] =	stream.linear.gather [hbm4b:s11+s0], $0x80, $0x38;
	[tilespmem:$0x154A0] =	vst v63  }
0xb3: {  	s22 =	simm.s32 $0x900  }
0xb4: {  	[tilespmem:s22], [sflag:$0x13] =	stream.linear.gather [hbm4b:s19+s0], $0x80, $0x38;
	[tilespmem:$0x154A0] =	vst v63  }
0xb5: {  	_ =	swait.ge [sflag:s10], $0x80  }
0xb6: {  	[sflag:s10] =	ssyncset.done $0x0  }
0xb7: {  	[sflag:s10] =	ssyncadd.s32 $0xFFFFFF80  }
0xb8: {  	_ =	swait.ge [sflag:s10], $0x80  }
0xb9: {  	s30 =	sld [smem:$0x7FA]  }
0xba: {  	[sflag:s10] =	ssyncset.done $0x0  }
0xbb: {  	s31 =	simm.s32 $0x480;
	s7 =	sld [smem:$0x7FB];
	[sflag:s10] =	ssyncadd.s32 $0xFFFFFF80  }
0xbc: {  	[tilespmem:s31], [sflag:$0x14] =	stream.linear.gather [hbm4b:s30+s0], $0x80, $0x38;
	[tilespmem:$0x154A0] =	vst v63  }
0xbd: {  	s10 =	simm.s32 $0x980  }
0xbe: {  	[tilespmem:s10], [sflag:$0x14] =	stream.linear.gather [hbm4b:s7+s0], $0x80, $0x38;
	[tilespmem:$0x154A0] =	vst v63  }
0xbf: {  	_ =	swait.ge [sflag:s25], $0x80  }
0xc0: {  	[sflag:s25] =	ssyncset.done $0x0  }
0xc1: {  	[sflag:s25] =	ssyncadd.s32 $0xFFFFFF80  }
0xc2: {  	_ =	swait.ge [sflag:s25], $0x80  }
0xc3: {  	[sflag:s25] =	ssyncset.done $0x0  }
0xc4: {  	s5 =	simm.s32 $0xA00;
	[sflag:s25] =	ssyncadd.s32 $0xFFFFFF80  }
0xc5: {  	[tilespmem:s5], [sflag:$0x1] =	stream.indirect.gather [hbm4b:s4+s14], $0x10, s0, s14, $0xb8;
	[tilespmem:$0x154A0] =	vst v63  }
0xc6: {  	s12 =	simm.s32 $0x1200  }
0xc7: {  	[tilespmem:s12], [sflag:$0x2] =	stream.indirect.gather [hbm4b:s4+s14], $0x10, s14, s14, $0xb8;
	[tilespmem:$0x154A0] =	vst v63  }
0xc8: {  	s19 =	simm.s32 $0x1A00  }
0xc9: {  	[tilespmem:s19], [sflag:$0x3] =	stream.indirect.gather [hbm4b:s4+s14], $0x10, s18, s14, $0xb8;
	[tilespmem:$0x154A0] =	vst v63  }
0xca: {  	s22 =	simm.s32 $0x2200  }
0xcb: {  	[tilespmem:s22], [sflag:$0x4] =	stream.indirect.gather [hbm4b:s4+s14], $0x10, s20, s14, $0xb8;
	[tilespmem:$0x154A0] =	vst v63  }
0xcc: {  	s24 =	simm.s32 $0x200;
	s25 =	simm.s32 $0x2A00  }
0xcd: {  	[tilespmem:s25], [sflag:$0x5] =	stream.indirect.gather [hbm4b:s4+s14], $0x10, s24, s14, $0xb8;
	[tilespmem:$0x154A0] =	vst v63  }
0xce: {  	s13 =	simm.s32 $0x280;
	s30 =	simm.s32 $0x3200  }
0xcf: {  	[tilespmem:s30], [sflag:$0x6] =	stream.indirect.gather [hbm4b:s4+s14], $0x10, s13, s14, $0xb8;
	[tilespmem:$0x154A0] =	vst v63  }
0xd0: {  	s29 =	simm.s32 $0x300;
	s31 =	simm.s32 $0x3A00  }
0xd1: {  	[tilespmem:s31], [sflag:$0x7] =	stream.indirect.gather [hbm4b:s4+s14], $0x10, s29, s14, $0xb8;
	[tilespmem:$0x154A0] =	vst v63  }
0xd2: {  	s26 =	simm.s32 $0x380;
	s10 =	simm.s32 $0x4200  }
0xd3: {  	[tilespmem:s10], [sflag:$0x8] =	stream.indirect.gather [hbm4b:s4+s14], $0x10, s26, s14, $0xb8;
	[tilespmem:$0x154A0] =	vst v63  }
0xd4: {  	s21 =	simm.s32 $0x400;
	s18 =	simm.s32 $0x4A00  }
0xd5: {  	[tilespmem:s18], [sflag:$0x9] =	stream.indirect.gather [hbm4b:s4+s14], $0x10, s21, s14, $0xb8;
	[tilespmem:$0x154A0] =	vst v63  }
0xd6: {  	s11 =	simm.s32 $0x480;
	s18 =	simm.s32 $0x5200  }
0xd7: {  	[tilespmem:s18], [sflag:$0xA] =	stream.indirect.gather [hbm4b:s4+s14], $0x10, s11, s14, $0xb8;
	[tilespmem:$0x154A0] =	vst v63  }
0xd8: {  	s11 =	simm.s32 $0x1  }
0xd9: {  	_ =	swait.ge [sflag:s11], $0x800  }
0xda: {  	[sflag:s11] =	ssyncset.done $0x0  }
0xdb: {  	[sflag:s11] =	ssyncadd.s32 $0xFFFFF800  }
0xdc: {  	[spmem:s16] =	stream.indirect.scatter.add.f32 [tilespmem:s5], [sflag:$0x15], $0x10, s6, s14, $0xb8;
	[tilespmem:$0x154A0] =	vst v63  }
0xdd: {  	s5 =	simm.s32 $0x2  }
0xde: {  	_ =	swait.ge [sflag:s5], $0x800  }
0xdf: {  	[sflag:s5] =	ssyncset.done $0x0  }
0xe0: {  	s2 =	simm.s32 $0x1200;
	s6 =	simm.s32 $0x3;
	[sflag:s5] =	ssyncadd.s32 $0xFFFFF800  }
0xe1: {  	[spmem:s16] =	stream.indirect.scatter.add.f32 [tilespmem:s2], [sflag:$0x16], $0x10, s17, s14, $0xb8;
	[tilespmem:$0x154A0] =	vst v63  }
0xe2: {  	_ =	swait.ge [sflag:s6], $0x800  }
0xe3: {  	[sflag:s6] =	ssyncset.done $0x0  }
0xe4: {  	s7 =	simm.s32 $0x1A00;
	s11 =	simm.s32 $0x4;
	[sflag:s6] =	ssyncadd.s32 $0xFFFFF800  }
0xe5: {  	[spmem:s16] =	stream.indirect.scatter.add.f32 [tilespmem:s7], [sflag:$0x17], $0x10, s15, s14, $0xb8;
	[tilespmem:$0x154A0] =	vst v63  }
0xe6: {  	_ =	swait.ge [sflag:s11], $0x800  }
0xe7: {  	s12 =	simm.s32 $0x2200;
	[sflag:s11] =	ssyncset.done $0x0  }
0xe8: {  	s2 =	simm.s32 $0x680;
	s17 =	simm.s32 $0x5;
	[sflag:s11] =	ssyncadd.s32 $0xFFFFF800  }
0xe9: {  	[spmem:s16] =	stream.indirect.scatter.add.f32 [tilespmem:s12], [sflag:$0x18], $0x10, s2, s14, $0xb8;
	[tilespmem:$0x154A0] =	vst v63  }
0xea: {  	_ =	swait.ge [sflag:s17], $0x800  }
0xeb: {  	[sflag:s17] =	ssyncset.done $0x0  }
0xec: {  	s19 =	simm.s32 $0x2A00;
	s12 =	simm.s32 $0x700;
	[sflag:s17] =	ssyncadd.s32 $0xFFFFF800  }
0xed: {  	[spmem:s16] =	stream.indirect.scatter.add.f32 [tilespmem:s19], [sflag:$0x19], $0x10, s12, s14, $0xb8;
	[tilespmem:$0x154A0] =	vst v63  }
0xee: {  	s19 =	simm.s32 $0x6  }
0xef: {  	_ =	swait.ge [sflag:s19], $0x800  }
0xf0: {  	s22 =	simm.s32 $0x3200;
	[sflag:s19] =	ssyncset.done $0x0  }
0xf1: {  	s5 =	simm.s32 $0x7;
	s7 =	simm.s32 $0x780;
	[sflag:s19] =	ssyncadd.s32 $0xFFFFF800  }
0xf2: {  	[spmem:s16] =	stream.indirect.scatter.add.f32 [tilespmem:s22], [sflag:$0x1A], $0x10, s7, s14, $0xb8;
	[tilespmem:$0x154A0] =	vst v63  }
0xf3: {  	_ =	swait.ge [sflag:s5], $0x800  }
0xf4: {  	s24 =	simm.s32 $0x3A00;
	[sflag:s5] =	ssyncset.done $0x0  }
0xf5: {  	s6 =	simm.s32 $0x8;
	s11 =	simm.s32 $0x800;
	[sflag:s5] =	ssyncadd.s32 $0xFFFFF800  }
0xf6: {  	[spmem:s16] =	stream.indirect.scatter.add.f32 [tilespmem:s24], [sflag:$0x1B], $0x10, s11, s14, $0xb8;
	[tilespmem:$0x154A0] =	vst v63  }
0xf7: {  	_ =	swait.ge [sflag:s6], $0x800  }
0xf8: {  	[sflag:s6] =	ssyncset.done $0x0  }
0xf9: {  	s26 =	simm.s32 $0x4200;
	s24 =	simm.s32 $0x880;
	[sflag:s6] =	ssyncadd.s32 $0xFFFFF800  }
0xfa: {  	[spmem:s16] =	stream.indirect.scatter.add.f32 [tilespmem:s26], [sflag:$0x1C], $0x10, s24, s14, $0xb8;
	[tilespmem:$0x154A0] =	vst v63  }
0xfb: {  	_ =	swait.ge [sflag:s1], $0x800  }
0xfc: {  	[sflag:s1] =	ssyncset.done $0x0  }
0xfd: {  	s21 =	simm.s32 $0x4A00;
	s22 =	simm.s32 $0x900;
	[sflag:s1] =	ssyncadd.s32 $0xFFFFF800  }
0xfe: {  	[spmem:s16] =	stream.indirect.scatter.add.f32 [tilespmem:s21], [sflag:$0x1D], $0x10, s22, s14, $0xb8;
	[tilespmem:$0x154A0] =	vst v63  }
0xff: {  	_ =	swait.ge [sflag:s9], $0x800  }
0x100: {  	[sflag:s9] =	ssyncset.done $0x0  }
0x101: {  	s17 =	simm.s32 $0x980;
	[sflag:s9] =	ssyncadd.s32 $0xFFFFF800  }
0x102: {  	[spmem:s16] =	stream.indirect.scatter.add.f32 [tilespmem:s18], [sflag:$0x1E], $0x10, s17, s14, $0xb8;
	[tilespmem:$0x154A0] =	vst v63  }
0x103: {  	_ =	swait.ge [sflag:s23], $0x800  }
0x104: {  	s5 =	sld [smem:$0x7F2];
	_ =	sdelay $0x1  }
0x105: {  	[sflag:s23] =	ssyncset.done $0x0  }
0x106: {  	[sflag:s23] =	ssyncadd.s32 $0xFFFFF800;
	s23 =	rddreg [dreg:$0x16];
	s18 =	sshrl.u32 s5, $0x3  }
0x107: {  	s6 =	rddreg [dreg:$0x15];
	s0 =	sadd.s32 s23, s18  }
0x108: {  	[tilespmem:s3], [sflag:$0xB] =	stream.linear.gather [hbm4b:s0+s3], $0x80, $0x38;
	[tilespmem:$0x154A0] =	vst v63  }
0x109: {  	s9 =	simm.s32 $0x500;
	s6 =	sadd.s32 $0x0, s6  }
0x10a: {  	[tilespmem:s9], [sflag:$0xB] =	stream.linear.gather [hbm4b:s6+s3], $0x80, $0x38;
	[tilespmem:$0x154A0] =	vst v63  }
0x10b: {  	_ =	swait.ge [sflag:s8], $0x800  }
0x10c: {  	s18 =	rddreg [dreg:$0x13];
	[sflag:s8] =	ssyncset.done $0x0  }
0x10d: {  	s23 =	rddreg [dreg:$0x14];
	[sflag:s8] =	ssyncadd.s32 $0xFFFFF800;
	s0 =	sadd.s32 $0x0, s18  }
0x10e: {  	[tilespmem:s14], [sflag:$0xC] =	stream.linear.gather [hbm4b:s0+s3], $0x80, $0x38;
	[tilespmem:$0x154A0] =	vst v63  }
0x10f: {  	s1 =	simm.s32 $0x580;
	s9 =	simm.s32 $0x17;
	s8 =	sadd.s32 $0x0, s23  }
0x110: {  	[tilespmem:s1], [sflag:$0xC] =	stream.linear.gather [hbm4b:s8+s3], $0x80, $0x38;
	[tilespmem:$0x154A0] =	vst v63  }
0x111: {  	_ =	swait.ge [sflag:s9], $0x800  }
0x112: {  	s17 =	simm.s32 $0x100;
	s18 =	rddreg [dreg:$0x11];
	[sflag:s9] =	ssyncset.done $0x0  }
0x113: {  	s23 =	rddreg [dreg:$0x12];
	[sflag:s9] =	ssyncadd.s32 $0xFFFFF800;
	s0 =	sadd.s32 $0x0, s18  }
0x114: {  	[tilespmem:s17], [sflag:$0xD] =	stream.linear.gather [hbm4b:s0+s3], $0x80, $0x38;
	[tilespmem:$0x154A0] =	vst v63  }
0x115: {  	s8 =	sadd.s32 $0x0, s23;
	s9 =	simm.s32 $0x18  }
0x116: {  	[tilespmem:s15], [sflag:$0xD] =	stream.linear.gather [hbm4b:s8+s3], $0x80, $0x38;
	[tilespmem:$0x154A0] =	vst v63  }
0x117: {  	_ =	swait.ge [sflag:s9], $0x800  }
0x118: {  	s18 =	rddreg [dreg:$0xf];
	[sflag:s9] =	ssyncset.done $0x0  }
0x119: {  	s23 =	rddreg [dreg:$0x10];
	[sflag:s9] =	ssyncadd.s32 $0xFFFFF800;
	s0 =	sadd.s32 $0x0, s18  }
0x11a: {  	[tilespmem:s20], [sflag:$0xE] =	stream.linear.gather [hbm4b:s0+s3], $0x80, $0x38;
	[tilespmem:$0x154A0] =	vst v63  }
0x11b: {  	s8 =	sadd.s32 $0x0, s23;
	s9 =	simm.s32 $0x19  }
0x11c: {  	[tilespmem:s2], [sflag:$0xE] =	stream.linear.gather [hbm4b:s8+s3], $0x80, $0x38;
	[tilespmem:$0x154A0] =	vst v63  }
0x11d: {  	_ =	swait.ge [sflag:s9], $0x800  }
0x11e: {  	s2 =	simm.s32 $0x200;
	s18 =	rddreg [dreg:$0xd];
	[sflag:s9] =	ssyncset.done $0x0  }
0x11f: {  	s23 =	rddreg [dreg:$0xe];
	[sflag:s9] =	ssyncadd.s32 $0xFFFFF800;
	s0 =	sadd.s32 $0x0, s18  }
0x120: {  	[tilespmem:s2], [sflag:$0xF] =	stream.linear.gather [hbm4b:s0+s3], $0x80, $0x38;
	[tilespmem:$0x154A0] =	vst v63  }
0x121: {  	s8 =	sadd.s32 $0x0, s23;
	s9 =	simm.s32 $0x1A  }
0x122: {  	[tilespmem:s12], [sflag:$0xF] =	stream.linear.gather [hbm4b:s8+s3], $0x80, $0x38;
	[tilespmem:$0x154A0] =	vst v63  }
0x123: {  	_ =	swait.ge [sflag:s9], $0x800  }
0x124: {  	s23 =	simm.s32 $0x280;
	s12 =	rddreg [dreg:$0xb];
	[sflag:s9] =	ssyncset.done $0x0  }
0x125: {  	s18 =	rddreg [dreg:$0xc];
	[sflag:s9] =	ssyncadd.s32 $0xFFFFF800;
	s0 =	sadd.s32 $0x0, s12  }
0x126: {  	[tilespmem:s23], [sflag:$0x10] =	stream.linear.gather [hbm4b:s0+s3], $0x80, $0x38;
	[tilespmem:$0x154A0] =	vst v63  }
0x127: {  	s8 =	sadd.s32 $0x0, s18;
	s9 =	simm.s32 $0x1B  }
0x128: {  	[tilespmem:s7], [sflag:$0x10] =	stream.linear.gather [hbm4b:s8+s3], $0x80, $0x38;
	[tilespmem:$0x154A0] =	vst v63  }
0x129: {  	_ =	swait.ge [sflag:s9], $0x800  }
0x12a: {  	s7 =	simm.s32 $0x300;
	s12 =	rddreg [dreg:$0x9];
	[sflag:s9] =	ssyncset.done $0x0  }
0x12b: {  	s18 =	rddreg [dreg:$0xa];
	[sflag:s9] =	ssyncadd.s32 $0xFFFFF800;
	s0 =	sadd.s32 $0x0, s12  }
0x12c: {  	[tilespmem:s7], [sflag:$0x11] =	stream.linear.gather [hbm4b:s0+s3], $0x80, $0x38;
	[tilespmem:$0x154A0] =	vst v63  }
0x12d: {  	s8 =	sadd.s32 $0x0, s18;
	s9 =	simm.s32 $0x1C  }
0x12e: {  	[tilespmem:s11], [sflag:$0x11] =	stream.linear.gather [hbm4b:s8+s3], $0x80, $0x38;
	[tilespmem:$0x154A0] =	vst v63  }
0x12f: {  	_ =	swait.ge [sflag:s9], $0x800  }
0x130: {  	s18 =	simm.s32 $0x380;
	s11 =	rddreg [dreg:$0x7];
	[sflag:s9] =	ssyncset.done $0x0  }
0x131: {  	s12 =	rddreg [dreg:$0x8];
	[sflag:s9] =	ssyncadd.s32 $0xFFFFF800;
	s0 =	sadd.s32 $0x0, s11  }
0x132: {  	[tilespmem:s18], [sflag:$0x12] =	stream.linear.gather [hbm4b:s0+s3], $0x80, $0x38;
	[tilespmem:$0x154A0] =	vst v63  }
0x133: {  	s9 =	sadd.s32 $0x0, s12;
	s11 =	simm.s32 $0x1D  }
0x134: {  	[tilespmem:s24], [sflag:$0x12] =	stream.linear.gather [hbm4b:s9+s3], $0x80, $0x38;
	[tilespmem:$0x154A0] =	vst v63  }
0x135: {  	_ =	swait.ge [sflag:s11], $0x800  }
0x136: {  	s9 =	simm.s32 $0x400;
	s12 =	rddreg [dreg:$0x5];
	[sflag:s11] =	ssyncset.done $0x0  }
0x137: {  	s24 =	rddreg [dreg:$0x6];
	[sflag:s11] =	ssyncadd.s32 $0xFFFFF800;
	s0 =	sadd.s32 $0x0, s12  }
0x138: {  	[tilespmem:s9], [sflag:$0x13] =	stream.linear.gather [hbm4b:s0+s3], $0x80, $0x38;
	[tilespmem:$0x154A0] =	vst v63  }
0x139: {  	s8 =	sadd.s32 $0x0, s24;
	s11 =	simm.s32 $0x1E  }
0x13a: {  	[tilespmem:s22], [sflag:$0x13] =	stream.linear.gather [hbm4b:s8+s3], $0x80, $0x38;
	[tilespmem:$0x154A0] =	vst v63  }
0x13b: {  	_ =	swait.ge [sflag:s11], $0x800  }
0x13c: {  	s24 =	simm.s32 $0x480;
	s12 =	rddreg [dreg:$0x3];
	[sflag:s11] =	ssyncset.done $0x0  }
0x13d: {  	s22 =	rddreg [dreg:$0x4];
	[sflag:s11] =	ssyncadd.s32 $0xFFFFF800;
	s0 =	sadd.s32 $0x0, s12  }
0x13e: {  	[tilespmem:s24], [sflag:$0x14] =	stream.linear.gather [hbm4b:s0+s3], $0x80, $0x38;
	[tilespmem:$0x154A0] =	vst v63  }
0x13f: {  	s21 =	simm.s32 $0x980;
	s1 =	simm.s32 $0xB;
	s8 =	sadd.s32 $0x0, s22  }
0x140: {  	[tilespmem:s21], [sflag:$0x14] =	stream.linear.gather [hbm4b:s8+s3], $0x80, $0x38;
	[tilespmem:$0x154A0] =	vst v63  }
0x141: {  	_ =	swait.ge [sflag:s1], $0x80  }
0x142: {  	[sflag:s1] =	ssyncset.done $0x0  }
0x143: {  	[sflag:s1] =	ssyncadd.s32 $0xFFFFFF80  }
0x144: {  	_ =	swait.ge [sflag:s1], $0x80  }
0x145: {  	[sflag:s1] =	ssyncset.done $0x0  }
0x146: {  	s28 =	simm.s32 $0xC;
	s21 =	simm.s32 $0xA00;
	[sflag:s1] =	ssyncadd.s32 $0xFFFFFF80  }
0x147: {  	[tilespmem:s21], [sflag:$0x1] =	stream.indirect.gather [hbm4b:s4+s14], $0x10, s3, s14, $0xb8;
	[tilespmem:$0x154A0] =	vst v63  }
0x148: {  	_ =	swait.ge [sflag:s28], $0x80  }
0x149: {  	[sflag:s28] =	ssyncset.done $0x0  }
0x14a: {  	[sflag:s28] =	ssyncadd.s32 $0xFFFFFF80  }
0x14b: {  	_ =	swait.ge [sflag:s28], $0x80  }
0x14c: {  	[sflag:s28] =	ssyncset.done $0x0  }
0x14d: {  	s10 =	simm.s32 $0xD;
	s11 =	simm.s32 $0x1200;
	[sflag:s28] =	ssyncadd.s32 $0xFFFFFF80  }
0x14e: {  	[tilespmem:s11], [sflag:$0x2] =	stream.indirect.gather [hbm4b:s4+s14], $0x10, s14, s14, $0xb8;
	[tilespmem:$0x154A0] =	vst v63  }
0x14f: {  	_ =	swait.ge [sflag:s10], $0x80  }
0x150: {  	[sflag:s10] =	ssyncset.done $0x0  }
0x151: {  	[sflag:s10] =	ssyncadd.s32 $0xFFFFFF80  }
0x152: {  	_ =	swait.ge [sflag:s10], $0x80  }
0x153: {  	[sflag:s10] =	ssyncset.done $0x0  }
0x154: {  	s13 =	simm.s32 $0xE;
	s12 =	simm.s32 $0x1A00;
	[sflag:s10] =	ssyncadd.s32 $0xFFFFFF80  }
0x155: {  	[tilespmem:s12], [sflag:$0x3] =	stream.indirect.gather [hbm4b:s4+s14], $0x10, s17, s14, $0xb8;
	[tilespmem:$0x154A0] =	vst v63  }
0x156: {  	_ =	swait.ge [sflag:s13], $0x80  }
0x157: {  	[sflag:s13] =	ssyncset.done $0x0  }
0x158: {  	[sflag:s13] =	ssyncadd.s32 $0xFFFFFF80  }
0x159: {  	_ =	swait.ge [sflag:s13], $0x80  }
0x15a: {  	[sflag:s13] =	ssyncset.done $0x0  }
0x15b: {  	s22 =	simm.s32 $0xF;
	s17 =	simm.s32 $0x2200;
	[sflag:s13] =	ssyncadd.s32 $0xFFFFFF80  }
0x15c: {  	[tilespmem:s17], [sflag:$0x4] =	stream.indirect.gather [hbm4b:s4+s14], $0x10, s20, s14, $0xb8;
	[tilespmem:$0x154A0] =	vst v63  }
0x15d: {  	_ =	swait.ge [sflag:s22], $0x80  }
0x15e: {  	[sflag:s22] =	ssyncset.done $0x0  }
0x15f: {  	[sflag:s22] =	ssyncadd.s32 $0xFFFFFF80  }
0x160: {  	_ =	swait.ge [sflag:s22], $0x80  }
0x161: {  	s25 =	simm.s32 $0x10;
	[sflag:s22] =	ssyncset.done $0x0  }
0x162: {  	s2 =	simm.s32 $0x200;
	s24 =	simm.s32 $0x2A00;
	[sflag:s22] =	ssyncadd.s32 $0xFFFFFF80  }
0x163: {  	[tilespmem:s24], [sflag:$0x5] =	stream.indirect.gather [hbm4b:s4+s14], $0x10, s2, s14, $0xb8;
	[tilespmem:$0x154A0] =	vst v63  }
0x164: {  	_ =	swait.ge [sflag:s25], $0x80  }
0x165: {  	[sflag:s25] =	ssyncset.done $0x0  }
0x166: {  	[sflag:s25] =	ssyncadd.s32 $0xFFFFFF80  }
0x167: {  	_ =	swait.ge [sflag:s25], $0x80  }
0x168: {  	[sflag:s25] =	ssyncset.done $0x0  }
0x169: {  	s29 =	simm.s32 $0x11;
	s28 =	simm.s32 $0x3200;
	[sflag:s25] =	ssyncadd.s32 $0xFFFFFF80  }
0x16a: {  	[tilespmem:s28], [sflag:$0x6] =	stream.indirect.gather [hbm4b:s4+s14], $0x10, s23, s14, $0xb8;
	[tilespmem:$0x154A0] =	vst v63  }
0x16b: {  	_ =	swait.ge [sflag:s29], $0x80  }
0x16c: {  	[sflag:s29] =	ssyncset.done $0x0  }
0x16d: {  	[sflag:s29] =	ssyncadd.s32 $0xFFFFFF80  }
0x16e: {  	_ =	swait.ge [sflag:s29], $0x80  }
0x16f: {  	[sflag:s29] =	ssyncset.done $0x0  }
0x170: {  	s30 =	simm.s32 $0x12;
	s19 =	simm.s32 $0x3A00;
	[sflag:s29] =	ssyncadd.s32 $0xFFFFFF80  }
0x171: {  	[tilespmem:s19], [sflag:$0x7] =	stream.indirect.gather [hbm4b:s4+s14], $0x10, s7, s14, $0xb8;
	[tilespmem:$0x154A0] =	vst v63  }
0x172: {  	_ =	swait.ge [sflag:s30], $0x80  }
0x173: {  	[sflag:s30] =	ssyncset.done $0x0  }
0x174: {  	[sflag:s30] =	ssyncadd.s32 $0xFFFFFF80  }
0x175: {  	_ =	swait.ge [sflag:s30], $0x80  }
0x176: {  	[sflag:s30] =	ssyncset.done $0x0  }
0x177: {  	s31 =	simm.s32 $0x13;
	s29 =	simm.s32 $0x4200;
	[sflag:s30] =	ssyncadd.s32 $0xFFFFFF80  }
0x178: {  	[tilespmem:s29], [sflag:$0x8] =	stream.indirect.gather [hbm4b:s4+s14], $0x10, s18, s14, $0xb8;
	[tilespmem:$0x154A0] =	vst v63  }
0x179: {  	_ =	swait.ge [sflag:s31], $0x80  }
0x17a: {  	[sflag:s31] =	ssyncset.done $0x0  }
0x17b: {  	[sflag:s31] =	ssyncadd.s32 $0xFFFFFF80  }
0x17c: {  	_ =	swait.ge [sflag:s31], $0x80  }
0x17d: {  	[sflag:s31] =	ssyncset.done $0x0  }
0x17e: {  	s26 =	simm.s32 $0x4A00;
	s30 =	simm.s32 $0x14;
	[sflag:s31] =	ssyncadd.s32 $0xFFFFFF80  }
0x17f: {  	[tilespmem:s26], [sflag:$0x9] =	stream.indirect.gather [hbm4b:s4+s14], $0x10, s9, s14, $0xb8;
	[tilespmem:$0x154A0] =	vst v63  }
0x180: {  	_ =	swait.ge [sflag:s30], $0x80  }
0x181: {  	[sflag:s30] =	ssyncset.done $0x0  }
0x182: {  	[sflag:s30] =	ssyncadd.s32 $0xFFFFFF80  }
0x183: {  	_ =	swait.ge [sflag:s30], $0x80  }
0x184: {  	s0 =	simm.s32 $0xA0;
	s31 =	simm.s32 $0x14;
	[sflag:s30] =	ssyncset.done $0x0  }
0x185: {  	s12 =	sadd.s32 $0x500, s5;
	s5 =	simm.s32 $0x980;
	[sflag:s31] =	ssyncadd.s32 $0xFFFFFF80  }
.LBB2_7:
0x186: {  	s8 =	simm.s32 $0x5200;
	s11 =	simm.s32 $0x480;
	s20 =	simm.s32 $0x1  }
0x187: {  	[tilespmem:s8], [sflag:$0xA] =	stream.indirect.gather [hbm4b:s4+s14], $0x10, s11, s14, $0xb8;
	[tilespmem:$0x154A0] =	vst v63  }
0x188: {  	_ =	swait.ge [sflag:s20], $0x800  }
0x189: {  	[sflag:s20] =	ssyncset.done $0x0  }
0x18a: {  	s17 =	simm.s32 $0x500;
	s1 =	simm.s32 $0x2;
	[sflag:s20] =	ssyncadd.s32 $0xFFFFF800  }
0x18b: {  	[spmem:s16] =	stream.indirect.scatter.add.f32 [tilespmem:s21], [sflag:$0x15], $0x10, s17, s14, $0xb8;
	[tilespmem:$0x154A0] =	vst v63  }
0x18c: {  	_ =	swait.ge [sflag:s1], $0x800  }
0x18d: {  	s25 =	simm.s32 $0x1200;
	[sflag:s1] =	ssyncset.done $0x0  }
0x18e: {  	s13 =	simm.s32 $0x580;
	s9 =	simm.s32 $0x3;
	[sflag:s1] =	ssyncadd.s32 $0xFFFFF800  }
0x18f: {  	[spmem:s16] =	stream.indirect.scatter.add.f32 [tilespmem:s25], [sflag:$0x16], $0x10, s13, s14, $0xb8;
	[tilespmem:$0x154A0] =	vst v63  }
0x190: {  	_ =	swait.ge [sflag:s9], $0x800  }
0x191: {  	[sflag:s9] =	ssyncset.done $0x0  }
0x192: {  	s7 =	simm.s32 $0x1A00;
	s10 =	simm.s32 $0x4;
	[sflag:s9] =	ssyncadd.s32 $0xFFFFF800  }
0x193: {  	[spmem:s16] =	stream.indirect.scatter.add.f32 [tilespmem:s7], [sflag:$0x17], $0x10, s15, s14, $0xb8;
	[tilespmem:$0x154A0] =	vst v63  }
0x194: {  	_ =	swait.ge [sflag:s10], $0x800  }
0x195: {  	s26 =	simm.s32 $0x2200;
	[sflag:s10] =	ssyncset.done $0x0  }
0x196: {  	s9 =	simm.s32 $0x680;
	s15 =	simm.s32 $0x5;
	[sflag:s10] =	ssyncadd.s32 $0xFFFFF800  }
0x197: {  	[spmem:s16] =	stream.indirect.scatter.add.f32 [tilespmem:s26], [sflag:$0x18], $0x10, s9, s14, $0xb8;
	[tilespmem:$0x154A0] =	vst v63  }
0x198: {  	_ =	swait.ge [sflag:s15], $0x800  }
0x199: {  	s19 =	simm.s32 $0x2A00;
	[sflag:s15] =	ssyncset.done $0x0  }
0x19a: {  	s2 =	simm.s32 $0x6;
	s1 =	simm.s32 $0x700;
	[sflag:s15] =	ssyncadd.s32 $0xFFFFF800  }
0x19b: {  	[spmem:s16] =	stream.indirect.scatter.add.f32 [tilespmem:s19], [sflag:$0x19], $0x10, s1, s14, $0xb8;
	[tilespmem:$0x154A0] =	vst v63  }
0x19c: {  	_ =	swait.ge [sflag:s2], $0x800  }
0x19d: {  	s28 =	simm.s32 $0x780;
	[sflag:s2] =	ssyncset.done $0x0  }
0x19e: {  	s18 =	simm.s32 $0x3200;
	s10 =	simm.s32 $0x7;
	[sflag:s2] =	ssyncadd.s32 $0xFFFFF800  }
0x19f: {  	[spmem:s16] =	stream.indirect.scatter.add.f32 [tilespmem:s18], [sflag:$0x1A], $0x10, s28, s14, $0xb8;
	[tilespmem:$0x154A0] =	vst v63  }
0x1a0: {  	_ =	swait.ge [sflag:s10], $0x800  }
0x1a1: {  	s23 =	simm.s32 $0x800;
	[sflag:s10] =	ssyncset.done $0x0  }
0x1a2: {  	s20 =	simm.s32 $0x3A00;
	s21 =	simm.s32 $0x8;
	[sflag:s10] =	ssyncadd.s32 $0xFFFFF800  }
0x1a3: {  	[spmem:s16] =	stream.indirect.scatter.add.f32 [tilespmem:s20], [sflag:$0x1B], $0x10, s23, s14, $0xb8;
	[tilespmem:$0x154A0] =	vst v63  }
0x1a4: {  	_ =	swait.ge [sflag:s21], $0x800  }
0x1a5: {  	s24 =	simm.s32 $0x880;
	[sflag:s21] =	ssyncset.done $0x0  }
0x1a6: {  	s22 =	simm.s32 $0x4200;
	s30 =	simm.s32 $0x9;
	[sflag:s21] =	ssyncadd.s32 $0xFFFFF800  }
0x1a7: {  	[spmem:s16] =	stream.indirect.scatter.add.f32 [tilespmem:s22], [sflag:$0x1C], $0x10, s24, s14, $0xb8;
	[tilespmem:$0x154A0] =	vst v63  }
0x1a8: {  	_ =	swait.ge [sflag:s30], $0x800  }
0x1a9: {  	s29 =	simm.s32 $0x900;
	[sflag:s30] =	ssyncset.done $0x0  }
0x1aa: {  	s15 =	simm.s32 $0xA;
	s10 =	simm.s32 $0x4A00;
	[sflag:s30] =	ssyncadd.s32 $0xFFFFF800  }
0x1ab: {  	[spmem:s16] =	stream.indirect.scatter.add.f32 [tilespmem:s10], [sflag:$0x1D], $0x10, s29, s14, $0xb8;
	[tilespmem:$0x154A0] =	vst v63  }
0x1ac: {  	_ =	swait.ge [sflag:s15], $0x800  }
0x1ad: {  	[sflag:s15] =	ssyncset.done $0x0  }
0x1ae: {  	s18 =	simm.s32 $0x15;
	[sflag:s15] =	ssyncadd.s32 $0xFFFFF800  }
0x1af: {  	[spmem:s16] =	stream.indirect.scatter.add.f32 [tilespmem:s8], [sflag:$0x1E], $0x10, s5, s14, $0xb8;
	[tilespmem:$0x154A0] =	vst v63  }
0x1b0: {  	s6 =	smov.u32 s0;
	_ =	swait.ge [sflag:s18], $0x800  }
0x1b1: {  	s22 =	sshrl.u32 s12, $0x3;
	[sflag:s18] =	ssyncset.done $0x0;
	s10 =	rddreg [dreg:$0x16]  }
0x1b2: {  	s30 =	rddreg [dreg:$0x15];
	[sflag:s18] =	ssyncadd.s32 $0xFFFFF800;
	s5 =	sadd.s32 s10, s22  }
0x1b3: {  	[tilespmem:s3], [sflag:$0xB] =	stream.linear.gather [hbm4b:s5+s3], $0x80, $0x38;
	[tilespmem:$0x154A0] =	vst v63  }
0x1b4: {  	s18 =	sadd.s32 s6, s30;
	s22 =	simm.s32 $0x16  }
0x1b5: {  	[tilespmem:s17], [sflag:$0xB] =	stream.linear.gather [hbm4b:s18+s3], $0x80, $0x38;
	[tilespmem:$0x154A0] =	vst v63  }
0x1b6: {  	_ =	swait.ge [sflag:s22], $0x800  }
0x1b7: {  	s30 =	rddreg [dreg:$0x13];
	[sflag:s22] =	ssyncset.done $0x0  }
0x1b8: {  	s2 =	rddreg [dreg:$0x14];
	[sflag:s22] =	ssyncadd.s32 $0xFFFFF800;
	s5 =	sadd.s32 s6, s30  }
0x1b9: {  	[tilespmem:s14], [sflag:$0xC] =	stream.linear.gather [hbm4b:s5+s3], $0x80, $0x38;
	[tilespmem:$0x154A0] =	vst v63  }
0x1ba: {  	s10 =	sadd.s32 s6, s2  }
0x1bb: {  	[tilespmem:s13], [sflag:$0xC] =	stream.linear.gather [hbm4b:s10+s3], $0x80, $0x38;
	[tilespmem:$0x154A0] =	vst v63  }
0x1bc: {  	s13 =	simm.s32 $0x17  }
0x1bd: {  	_ =	swait.ge [sflag:s13], $0x800  }
0x1be: {  	s2 =	simm.s32 $0x100;
	s15 =	rddreg [dreg:$0x11];
	[sflag:s13] =	ssyncset.done $0x0  }
0x1bf: {  	s17 =	rddreg [dreg:$0x12];
	[sflag:s13] =	ssyncadd.s32 $0xFFFFF800;
	s5 =	sadd.s32 s6, s15  }
0x1c0: {  	[tilespmem:s2], [sflag:$0xD] =	stream.linear.gather [hbm4b:s5+s3], $0x80, $0x38;
	[tilespmem:$0x154A0] =	vst v63  }
0x1c1: {  	s20 =	simm.s32 $0x600;
	s22 =	simm.s32 $0x18;
	s18 =	sadd.s32 s6, s17  }
0x1c2: {  	[tilespmem:s20], [sflag:$0xD] =	stream.linear.gather [hbm4b:s18+s3], $0x80, $0x38;
	[tilespmem:$0x154A0] =	vst v63  }
0x1c3: {  	_ =	swait.ge [sflag:s22], $0x800  }
0x1c4: {  	s20 =	simm.s32 $0x180;
	s30 =	rddreg [dreg:$0xf];
	[sflag:s22] =	ssyncset.done $0x0  }
0x1c5: {  	s10 =	rddreg [dreg:$0x10];
	[sflag:s22] =	ssyncadd.s32 $0xFFFFF800;
	s5 =	sadd.s32 s6, s30  }
0x1c6: {  	[tilespmem:s20], [sflag:$0xE] =	stream.linear.gather [hbm4b:s5+s3], $0x80, $0x38;
	[tilespmem:$0x154A0] =	vst v63  }
0x1c7: {  	s15 =	simm.s32 $0x19;
	s13 =	sadd.s32 s6, s10  }
0x1c8: {  	[tilespmem:s9], [sflag:$0xE] =	stream.linear.gather [hbm4b:s13+s3], $0x80, $0x38;
	[tilespmem:$0x154A0] =	vst v63  }
0x1c9: {  	_ =	swait.ge [sflag:s15], $0x800  }
0x1ca: {  	s31 =	simm.s32 $0x200;
	s18 =	rddreg [dreg:$0xd];
	[sflag:s15] =	ssyncset.done $0x0  }
0x1cb: {  	s22 =	rddreg [dreg:$0xe];
	[sflag:s15] =	ssyncadd.s32 $0xFFFFF800;
	s5 =	sadd.s32 s6, s18  }
0x1cc: {  	[tilespmem:s31], [sflag:$0xF] =	stream.linear.gather [hbm4b:s5+s3], $0x80, $0x38;
	[tilespmem:$0x154A0] =	vst v63  }
0x1cd: {  	s8 =	simm.s32 $0x1A;
	s30 =	sadd.s32 s6, s22  }
0x1ce: {  	[tilespmem:s1], [sflag:$0xF] =	stream.linear.gather [hbm4b:s30+s3], $0x80, $0x38;
	[tilespmem:$0x154A0] =	vst v63  }
0x1cf: {  	_ =	swait.ge [sflag:s8], $0x800  }
0x1d0: {  	s10 =	rddreg [dreg:$0xb]  }
0x1d1: {  	[sflag:s8] =	ssyncset.done $0x0;
	s13 =	rddreg [dreg:$0xc]  }
0x1d2: {  	[sflag:s8] =	ssyncadd.s32 $0xFFFFF800;
	s5 =	sadd.s32 s6, s10;
	s8 =	simm.s32 $0x280  }
0x1d3: {  	[tilespmem:s8], [sflag:$0x10] =	stream.linear.gather [hbm4b:s5+s3], $0x80, $0x38;
	[tilespmem:$0x154A0] =	vst v63  }
0x1d4: {  	s22 =	simm.s32 $0x1B;
	s18 =	sadd.s32 s6, s13  }
0x1d5: {  	[tilespmem:s28], [sflag:$0x10] =	stream.linear.gather [hbm4b:s18+s3], $0x80, $0x38;
	[tilespmem:$0x154A0] =	vst v63  }
0x1d6: {  	_ =	swait.ge [sflag:s22], $0x800  }
0x1d7: {  	s18 =	simm.s32 $0x300;
	s30 =	rddreg [dreg:$0x9];
	[sflag:s22] =	ssyncset.done $0x0  }
0x1d8: {  	s13 =	rddreg [dreg:$0xa];
	[sflag:s22] =	ssyncadd.s32 $0xFFFFF800;
	s5 =	sadd.s32 s6, s30  }
0x1d9: {  	[tilespmem:s18], [sflag:$0x11] =	stream.linear.gather [hbm4b:s5+s3], $0x80, $0x38;
	[tilespmem:$0x154A0] =	vst v63  }
0x1da: {  	s22 =	sadd.s32 s6, s13  }
0x1db: {  	[tilespmem:s23], [sflag:$0x11] =	stream.linear.gather [hbm4b:s22+s3], $0x80, $0x38;
	[tilespmem:$0x154A0] =	vst v63  }
0x1dc: {  	s23 =	simm.s32 $0x1C  }
0x1dd: {  	_ =	swait.ge [sflag:s23], $0x800  }
0x1de: {  	s30 =	rddreg [dreg:$0x7]  }
0x1df: {  	[sflag:s23] =	ssyncset.done $0x0;
	s13 =	rddreg [dreg:$0x8]  }
0x1e0: {  	[sflag:s23] =	ssyncadd.s32 $0xFFFFF800;
	s5 =	sadd.s32 s6, s30;
	s30 =	simm.s32 $0x380  }
0x1e1: {  	[tilespmem:s30], [sflag:$0x12] =	stream.linear.gather [hbm4b:s5+s3], $0x80, $0x38;
	[tilespmem:$0x154A0] =	vst v63  }
0x1e2: {  	s22 =	simm.s32 $0x1D;
	s15 =	sadd.s32 s6, s13  }
0x1e3: {  	[tilespmem:s24], [sflag:$0x12] =	stream.linear.gather [hbm4b:s15+s3], $0x80, $0x38;
	[tilespmem:$0x154A0] =	vst v63  }
0x1e4: {  	_ =	swait.ge [sflag:s22], $0x800  }
0x1e5: {  	s24 =	rddreg [dreg:$0x5]  }
0x1e6: {  	[sflag:s22] =	ssyncset.done $0x0;
	s13 =	rddreg [dreg:$0x6]  }
0x1e7: {  	[sflag:s22] =	ssyncadd.s32 $0xFFFFF800;
	s5 =	sadd.s32 s6, s24;
	s22 =	simm.s32 $0x400  }
0x1e8: {  	[tilespmem:s22], [sflag:$0x13] =	stream.linear.gather [hbm4b:s5+s3], $0x80, $0x38;
	[tilespmem:$0x154A0] =	vst v63  }
0x1e9: {  	s15 =	sadd.s32 s6, s13;
	s5 =	simm.s32 $0x1E  }
0x1ea: {  	[tilespmem:s29], [sflag:$0x13] =	stream.linear.gather [hbm4b:s15+s3], $0x80, $0x38;
	[tilespmem:$0x154A0] =	vst v63  }
0x1eb: {  	_ =	swait.ge [sflag:s5], $0x800  }
0x1ec: {  	s15 =	rddreg [dreg:$0x3];
	[sflag:s5] =	ssyncset.done $0x0  }
0x1ed: {  	s13 =	rddreg [dreg:$0x4];
	[sflag:s5] =	ssyncadd.s32 $0xFFFFF800;
	s5 =	sadd.s32 s6, s15  }
0x1ee: {  	[tilespmem:s11], [sflag:$0x14] =	stream.linear.gather [hbm4b:s5+s3], $0x80, $0x38;
	[tilespmem:$0x154A0] =	vst v63  }
0x1ef: {  	s21 =	simm.s32 $0x980;
	s29 =	simm.s32 $0xB;
	s11 =	sadd.s32 s6, s13  }
0x1f0: {  	[tilespmem:s21], [sflag:$0x14] =	stream.linear.gather [hbm4b:s11+s3], $0x80, $0x38;
	[tilespmem:$0x154A0] =	vst v63  }
0x1f1: {  	_ =	swait.ge [sflag:s29], $0x80  }
0x1f2: {  	[sflag:s29] =	ssyncset.done $0x0  }
0x1f3: {  	[sflag:s29] =	ssyncadd.s32 $0xFFFFFF80  }
0x1f4: {  	_ =	swait.ge [sflag:s29], $0x80  }
0x1f5: {  	[sflag:s29] =	ssyncset.done $0x0  }
0x1f6: {  	s13 =	simm.s32 $0xC;
	s21 =	simm.s32 $0xA00;
	[sflag:s29] =	ssyncadd.s32 $0xFFFFFF80  }
0x1f7: {  	[tilespmem:s21], [sflag:$0x1] =	stream.indirect.gather [hbm4b:s4+s14], $0x10, s3, s14, $0xb8;
	[tilespmem:$0x154A0] =	vst v63  }
0x1f8: {  	_ =	swait.ge [sflag:s13], $0x80  }
0x1f9: {  	[sflag:s13] =	ssyncset.done $0x0  }
0x1fa: {  	[sflag:s13] =	ssyncadd.s32 $0xFFFFFF80  }
0x1fb: {  	_ =	swait.ge [sflag:s13], $0x80  }
0x1fc: {  	[sflag:s13] =	ssyncset.done $0x0  }
0x1fd: {  	s11 =	simm.s32 $0xD;
	[sflag:s13] =	ssyncadd.s32 $0xFFFFFF80  }
0x1fe: {  	[tilespmem:s25], [sflag:$0x2] =	stream.indirect.gather [hbm4b:s4+s14], $0x10, s14, s14, $0xb8;
	[tilespmem:$0x154A0] =	vst v63  }
0x1ff: {  	_ =	swait.ge [sflag:s11], $0x80  }
0x200: {  	[sflag:s11] =	ssyncset.done $0x0  }
0x201: {  	[sflag:s11] =	ssyncadd.s32 $0xFFFFFF80  }
0x202: {  	_ =	swait.ge [sflag:s11], $0x80  }
0x203: {  	[sflag:s11] =	ssyncset.done $0x0  }
0x204: {  	s25 =	simm.s32 $0xE;
	[sflag:s11] =	ssyncadd.s32 $0xFFFFFF80  }
0x205: {  	[tilespmem:s7], [sflag:$0x3] =	stream.indirect.gather [hbm4b:s4+s14], $0x10, s2, s14, $0xb8;
	[tilespmem:$0x154A0] =	vst v63  }
0x206: {  	_ =	swait.ge [sflag:s25], $0x80  }
0x207: {  	[sflag:s25] =	ssyncset.done $0x0  }
0x208: {  	[sflag:s25] =	ssyncadd.s32 $0xFFFFFF80  }
0x209: {  	_ =	swait.ge [sflag:s25], $0x80  }
0x20a: {  	[sflag:s25] =	ssyncset.done $0x0  }
0x20b: {  	s2 =	simm.s32 $0xF;
	[sflag:s25] =	ssyncadd.s32 $0xFFFFFF80  }
0x20c: {  	[tilespmem:s26], [sflag:$0x4] =	stream.indirect.gather [hbm4b:s4+s14], $0x10, s20, s14, $0xb8;
	[tilespmem:$0x154A0] =	vst v63  }
0x20d: {  	_ =	swait.ge [sflag:s2], $0x80  }
0x20e: {  	[sflag:s2] =	ssyncset.done $0x0  }
0x20f: {  	[sflag:s2] =	ssyncadd.s32 $0xFFFFFF80  }
0x210: {  	_ =	swait.ge [sflag:s2], $0x80  }
0x211: {  	[sflag:s2] =	ssyncset.done $0x0  }
0x212: {  	[sflag:s2] =	ssyncadd.s32 $0xFFFFFF80  }
0x213: {  	[tilespmem:s19], [sflag:$0x5] =	stream.indirect.gather [hbm4b:s4+s14], $0x10, s31, s14, $0xb8;
	[tilespmem:$0x154A0] =	vst v63  }
0x214: {  	s19 =	simm.s32 $0x10  }
0x215: {  	_ =	swait.ge [sflag:s19], $0x80  }
0x216: {  	[sflag:s19] =	ssyncset.done $0x0  }
0x217: {  	[sflag:s19] =	ssyncadd.s32 $0xFFFFFF80  }
0x218: {  	_ =	swait.ge [sflag:s19], $0x80  }
0x219: {  	[sflag:s19] =	ssyncset.done $0x0  }
0x21a: {  	s6 =	simm.s32 $0x11;
	s25 =	simm.s32 $0x3200;
	[sflag:s19] =	ssyncadd.s32 $0xFFFFFF80  }
0x21b: {  	[tilespmem:s25], [sflag:$0x6] =	stream.indirect.gather [hbm4b:s4+s14], $0x10, s8, s14, $0xb8;
	[tilespmem:$0x154A0] =	vst v63  }
0x21c: {  	_ =	swait.ge [sflag:s6], $0x80  }
0x21d: {  	[sflag:s6] =	ssyncset.done $0x0  }
0x21e: {  	[sflag:s6] =	ssyncadd.s32 $0xFFFFFF80  }
0x21f: {  	_ =	swait.ge [sflag:s6], $0x80  }
0x220: {  	[sflag:s6] =	ssyncset.done $0x0  }
0x221: {  	s8 =	simm.s32 $0x3A00;
	s25 =	simm.s32 $0x12;
	[sflag:s6] =	ssyncadd.s32 $0xFFFFFF80  }
0x222: {  	[tilespmem:s8], [sflag:$0x7] =	stream.indirect.gather [hbm4b:s4+s14], $0x10, s18, s14, $0xb8;
	[tilespmem:$0x154A0] =	vst v63  }
0x223: {  	_ =	swait.ge [sflag:s25], $0x80  }
0x224: {  	[sflag:s25] =	ssyncset.done $0x0  }
0x225: {  	[sflag:s25] =	ssyncadd.s32 $0xFFFFFF80  }
0x226: {  	_ =	swait.ge [sflag:s25], $0x80  }
0x227: {  	[sflag:s25] =	ssyncset.done $0x0  }
0x228: {  	s6 =	simm.s32 $0x4200;
	s18 =	simm.s32 $0x13;
	[sflag:s25] =	ssyncadd.s32 $0xFFFFFF80  }
0x229: {  	[tilespmem:s6], [sflag:$0x8] =	stream.indirect.gather [hbm4b:s4+s14], $0x10, s30, s14, $0xb8;
	[tilespmem:$0x154A0] =	vst v63  }
0x22a: {  	p1 =	sne.s32 s0, $0x1720;
	_ =	swait.ge [sflag:s18], $0x80  }
0x22b: {  	s0 =	sadd.s32 $0xA0, s0;
	s12 =	sadd.s32 $0x500, s12;
	[sflag:s18] =	ssyncset.done $0x0  }
0x22c: {  	s17 =	simm.s32 $0x680;
	s9 =	simm.s32 $0x700;
	[sflag:s18] =	ssyncadd.s32 $0xFFFFFF80  }
0x22d: {  	s1 =	simm.s32 $0x780;
	s10 =	simm.s32 $0x480;
	_ =	swait.ge [sflag:s18], $0x80  }
0x22e: {  	s28 =	simm.s32 $0x800;
	s23 =	simm.s32 $0x880;
	[sflag:s18] =	ssyncset.done $0x0  }
0x22f: {  	s25 =	simm.s32 $0x4A00;
	s30 =	simm.s32 $0x14;
	[sflag:s18] =	ssyncadd.s32 $0xFFFFFF80  }
0x230: {  	[tilespmem:s25], [sflag:$0x9] =	stream.indirect.gather [hbm4b:s4+s14], $0x10, s22, s14, $0xb8;
	[tilespmem:$0x154A0] =	vst v63  }
0x231: {  	s24 =	simm.s32 $0x900;
	s15 =	simm.s32 $0x600;
	_ =	swait.ge [sflag:s30], $0x80  }
.Ltmp3:
0x232: {  	s5 =	simm.s32 $0x980;
	[sflag:s30] =	ssyncset.done $0x0;
	(pc) =	sbr.rel @p1 .LBB2_7-.Ltmp3, $4  }
0x233: {  	s13 =	simm.s32 $0x1200;
	s11 =	simm.s32 $0x1A00;
	[sflag:s30] =	ssyncadd.s32 $0xFFFFFF80  }
0x234: {  	s7 =	simm.s32 $0x2200;
	s26 =	simm.s32 $0x2A00;
	_ =	swait.ge [sflag:s30], $0x80  }
0x235: {  	s31 =	simm.s32 $0x3A00;
	s19 =	simm.s32 $0x3200;
	[sflag:s30] =	ssyncset.done $0x0  }
0x236: {  	s8 =	simm.s32 $0x4200;
	s6 =	simm.s32 $0x4A00;
	[sflag:s30] =	ssyncadd.s32 $0xFFFFFF80  }
0x237: {  	s0 =	simm.s32 $0x5200;
	s12 =	simm.s32 $0x1  }
0x238: {  	[tilespmem:s0], [sflag:$0xA] =	stream.indirect.gather [hbm4b:s4+s14], $0x10, s10, s14, $0xb8;
	[tilespmem:$0x154A0] =	vst v63  }
0x239: {  	_ =	swait.ge [sflag:s12], $0x800  }
0x23a: {  	[sflag:s12] =	ssyncset.done $0x0  }
0x23b: {  	s2 =	simm.s32 $0x500;
	s30 =	simm.s32 $0x2;
	[sflag:s12] =	ssyncadd.s32 $0xFFFFF800  }
0x23c: {  	[spmem:s16] =	stream.indirect.scatter.add.f32 [tilespmem:s21], [sflag:$0x15], $0x10, s2, s14, $0xb8;
	[tilespmem:$0x154A0] =	vst v63  }
0x23d: {  	_ =	swait.ge [sflag:s30], $0x800  }
0x23e: {  	[sflag:s30] =	ssyncset.done $0x0  }
0x23f: {  	s18 =	simm.s32 $0x3;
	s10 =	simm.s32 $0x580;
	[sflag:s30] =	ssyncadd.s32 $0xFFFFF800  }
0x240: {  	[spmem:s16] =	stream.indirect.scatter.add.f32 [tilespmem:s13], [sflag:$0x16], $0x10, s10, s14, $0xb8;
	[tilespmem:$0x154A0] =	vst v63  }
0x241: {  	_ =	swait.ge [sflag:s18], $0x800  }
0x242: {  	[sflag:s18] =	ssyncset.done $0x0  }
0x243: {  	s21 =	simm.s32 $0x4;
	[sflag:s18] =	ssyncadd.s32 $0xFFFFF800  }
0x244: {  	[spmem:s16] =	stream.indirect.scatter.add.f32 [tilespmem:s11], [sflag:$0x17], $0x10, s15, s14, $0xb8;
	[tilespmem:$0x154A0] =	vst v63  }
0x245: {  	_ =	swait.ge [sflag:s21], $0x800  }
0x246: {  	[sflag:s21] =	ssyncset.done $0x0  }
0x247: {  	s22 =	simm.s32 $0x5;
	[sflag:s21] =	ssyncadd.s32 $0xFFFFF800  }
0x248: {  	[spmem:s16] =	stream.indirect.scatter.add.f32 [tilespmem:s7], [sflag:$0x18], $0x10, s17, s14, $0xb8;
	[tilespmem:$0x154A0] =	vst v63  }
0x249: {  	_ =	swait.ge [sflag:s22], $0x800  }
0x24a: {  	[sflag:s22] =	ssyncset.done $0x0  }
0x24b: {  	s25 =	simm.s32 $0x6;
	[sflag:s22] =	ssyncadd.s32 $0xFFFFF800  }
0x24c: {  	[spmem:s16] =	stream.indirect.scatter.add.f32 [tilespmem:s26], [sflag:$0x19], $0x10, s9, s14, $0xb8;
	[tilespmem:$0x154A0] =	vst v63  }
0x24d: {  	_ =	swait.ge [sflag:s25], $0x800  }
0x24e: {  	[sflag:s25] =	ssyncset.done $0x0  }
0x24f: {  	s26 =	simm.s32 $0x7;
	[sflag:s25] =	ssyncadd.s32 $0xFFFFF800  }
0x250: {  	[spmem:s16] =	stream.indirect.scatter.add.f32 [tilespmem:s19], [sflag:$0x1A], $0x10, s1, s14, $0xb8;
	[tilespmem:$0x154A0] =	vst v63  }
0x251: {  	_ =	swait.ge [sflag:s26], $0x800  }
0x252: {  	[sflag:s26] =	ssyncset.done $0x0  }
0x253: {  	s30 =	simm.s32 $0x8;
	[sflag:s26] =	ssyncadd.s32 $0xFFFFF800  }
0x254: {  	[spmem:s16] =	stream.indirect.scatter.add.f32 [tilespmem:s31], [sflag:$0x1B], $0x10, s28, s14, $0xb8;
	[tilespmem:$0x154A0] =	vst v63  }
0x255: {  	_ =	swait.ge [sflag:s30], $0x800  }
0x256: {  	[sflag:s30] =	ssyncset.done $0x0  }
0x257: {  	s31 =	simm.s32 $0x9;
	[sflag:s30] =	ssyncadd.s32 $0xFFFFF800  }
0x258: {  	[spmem:s16] =	stream.indirect.scatter.add.f32 [tilespmem:s8], [sflag:$0x1C], $0x10, s23, s14, $0xb8;
	[tilespmem:$0x154A0] =	vst v63  }
0x259: {  	_ =	swait.ge [sflag:s31], $0x800  }
0x25a: {  	[sflag:s31] =	ssyncset.done $0x0  }
0x25b: {  	s2 =	simm.s32 $0xA;
	[sflag:s31] =	ssyncadd.s32 $0xFFFFF800  }
0x25c: {  	[spmem:s16] =	stream.indirect.scatter.add.f32 [tilespmem:s6], [sflag:$0x1D], $0x10, s24, s14, $0xb8;
	[tilespmem:$0x154A0] =	vst v63  }
0x25d: {  	_ =	swait.ge [sflag:s2], $0x800  }
0x25e: {  	[sflag:s2] =	ssyncset.done $0x0  }
0x25f: {  	[sflag:s2] =	ssyncadd.s32 $0xFFFFF800  }
0x260: {  	[spmem:s16] =	stream.indirect.scatter.add.f32 [tilespmem:s0], [sflag:$0x1E], $0x10, s5, s14, $0xb8;
	[tilespmem:$0x154A0] =	vst v63  }
0x261: {  	s5 =	simm.s32 $0x15  }
0x262: {  	_ =	swait.ge [sflag:s5], $0x800  }
0x263: {  	[sflag:s5] =	ssyncset.done $0x0  }
0x264: {  	s6 =	simm.s32 $0x16;
	[sflag:s5] =	ssyncadd.s32 $0xFFFFF800  }
0x265: {  	_ =	swait.ge [sflag:s6], $0x800  }
0x266: {  	[sflag:s6] =	ssyncset.done $0x0  }
0x267: {  	s7 =	simm.s32 $0x17;
	[sflag:s6] =	ssyncadd.s32 $0xFFFFF800  }
0x268: {  	_ =	swait.ge [sflag:s7], $0x800  }
0x269: {  	[sflag:s7] =	ssyncset.done $0x0  }
0x26a: {  	s8 =	simm.s32 $0x18;
	[sflag:s7] =	ssyncadd.s32 $0xFFFFF800  }
0x26b: {  	_ =	swait.ge [sflag:s8], $0x800  }
0x26c: {  	[sflag:s8] =	ssyncset.done $0x0  }
0x26d: {  	s9 =	simm.s32 $0x19;
	[sflag:s8] =	ssyncadd.s32 $0xFFFFF800  }
0x26e: {  	_ =	swait.ge [sflag:s9], $0x800  }
0x26f: {  	[sflag:s9] =	ssyncset.done $0x0  }
0x270: {  	s10 =	simm.s32 $0x1A;
	[sflag:s9] =	ssyncadd.s32 $0xFFFFF800  }
0x271: {  	_ =	swait.ge [sflag:s10], $0x800  }
0x272: {  	[sflag:s10] =	ssyncset.done $0x0  }
0x273: {  	s11 =	simm.s32 $0x1B;
	[sflag:s10] =	ssyncadd.s32 $0xFFFFF800  }
0x274: {  	_ =	swait.ge [sflag:s11], $0x800  }
0x275: {  	[sflag:s11] =	ssyncset.done $0x0  }
0x276: {  	s13 =	simm.s32 $0x1C;
	[sflag:s11] =	ssyncadd.s32 $0xFFFFF800  }
0x277: {  	_ =	swait.ge [sflag:s13], $0x800  }
0x278: {  	[sflag:s13] =	ssyncset.done $0x0  }
0x279: {  	s15 =	simm.s32 $0x1D;
	[sflag:s13] =	ssyncadd.s32 $0xFFFFF800  }
0x27a: {  	_ =	swait.ge [sflag:s15], $0x800  }
0x27b: {  	[sflag:s15] =	ssyncset.done $0x0  }
0x27c: {  	s17 =	simm.s32 $0x1E;
	[sflag:s15] =	ssyncadd.s32 $0xFFFFF800  }
0x27d: {  	_ =	swait.ge [sflag:s17], $0x800  }
0x27e: {  	s18 =	sld [smem:$0x7FC]  }
0x27f: {  	[sflag:s17] =	ssyncset.done $0x0  }
0x280: {  	s19 =	simm.s32 $0x5A00;
	s15 =	simm.s32 $0x1F;
	[sflag:s17] =	ssyncadd.s32 $0xFFFFF800  }
0x281: {  	[tilespmem:s19], [sflag:$0x1F] =	stream.linear.gather [hbm4b:s18+s3], $0x50, $0x38;
	[tilespmem:$0x154A0] =	vst v63  }
0x282: {  	_ =	swait.ge [sflag:s15], $0x50  }
0x283: {  	s21 =	sld [smem:$0x7FD]  }
0x284: {  	[sflag:s15] =	ssyncset.done $0x0  }
0x285: {  	s22 =	simm.s32 $0x5A50;
	[sflag:s15] =	ssyncadd.s32 $0xFFFFFFB0  }
0x286: {  	[tilespmem:s22], [sflag:$0x1F] =	stream.linear.gather [hbm4b:s21+s3], $0x50, $0x38;
	[tilespmem:$0x154A0] =	vst v63  }
0x287: {  	_ =	swait.ge [sflag:s15], $0x50  }
0x288: {  	[sflag:s15] =	ssyncset.done $0x0  }
0x289: {  	s23 =	simm.s32 $0x50;
	s24 =	simm.s32 $0x5AA0;
	[sflag:s15] =	ssyncadd.s32 $0xFFFFFFB0  }
0x28a: {  	[tilespmem:s24], [sflag:$0x1] =	stream.indirect.gather [hbm4b:s4+s23], $0x10, s19, s23, $0xb8;
	[tilespmem:$0x154A0] =	vst v63  }
0x28b: {  	_ =	swait.ge [sflag:s12], $0x500  }
0x28c: {  	[sflag:s12] =	ssyncset.done $0x0  }
0x28d: {  	[sflag:s12] =	ssyncadd.s32 $0xFFFFFB00  }
0x28e: {  	[spmem:s16] =	stream.indirect.scatter.add.f32 [tilespmem:s24], [sflag:$0x1F], $0x10, s22, s23, $0xb8;
	[tilespmem:$0x154A0] =	vst v63  }
0x28f: {  	_ =	swait.ge [sflag:s15], $0x500  }
0x290: {  	[sflag:s15] =	ssyncset.done $0x0  }
0x291: {  	[sflag:s15] =	ssyncadd.s32 $0xFFFFFB00  }
0x292: {  	[bflag:$0x0] =	sbarrier.arrive $0xFFFF  }
0x293: {  	s25 =	sld [smem:$0x7F0]  }
0x294: {  	s26 =	sld [smem:$0x7E6]  }
0x295: {  	s28 =	sld [smem:$0x7E7];
	_ =	sdelay $0x2  }
0x296: {  	[hbm:s25], [sflag:s28] =	dma.local [spmem:s26], $0x1880  }
0x297: {  	_ =	swait.ge [sflag:s15], $0x1880  }
0x298: {  	s30 =	sld [smem:$0x7E5]  }
0x299: {  	s31 =	sld [smem:$0x7F1];
	_ =	sdelay $0x1  }
0x29a: {  	s1 =	simm.s32 $0x9;
	s2 =	simm.s32 $0xE;
	s5 =	sadd.s32 $0x1, s30  }
0x29b: {  	s6 =	simm.s32 $0x500;
	s7 =	simm.s32 $0x10;
	p1 =	sne.s32 s5, s31  }
.Ltmp4:
0x29c: {  	s8 =	simm.s32 $0x16;
	s9 =	simm.s32 $0xA;
	(pc) =	sbr.rel @p1 .LBB2_1-.Ltmp4, $4  }
0x29d: {  	s10 =	simm.s32 $0x13;
	s11 =	simm.s32 $0x11;
	s13 =	simm.s32 $0xD  }
0x29e: {  	s17 =	simm.s32 $0x580;
	s18 =	simm.s32 $0x100;
	s19 =	simm.s32 $0xF  }
0x29f: {  	s12 =	simm.s32 $0xC;
	s23 =	simm.s32 $0x15;
	[sflag:s15] =	ssyncset.done $0x0  }
0x2a0: {  	s22 =	simm.s32 $0x12;
	s25 =	simm.s32 $0x14;
	[sflag:s15] =	ssyncadd.s32 $0xFFFFE780  }
0x2a1: {  	_ =	sfence.sel $0x180000  }
0x2a2: {  	[bflag:$0x0] =	sbarrier.arrive $0xFFFF  }
0x2a3: {  	_ =	strace $0x9000004A  }
0x2a4: {  	s0 =	stileid.u32;
	[bflag:$0x2] =	sbarrier.arrive $0xFFFF  }
0x2a5: {  	p0 =	sne.s32 s0, $0x0;
	s0 =	rddreg [dreg:$0x2]  }
0x2a6: {  	s0 =	sadd.s32 @!p0 $0x100000, s0  }
0x2a7: {  	[sflag:s0] =	ssyncadd.tile.s32 @!p0 $0x1;
	_ =	shalt  }
.Lfunc_end2:
_tile_overlayer_lowered:
.L_overlay_start_2:
0x2a8: {  	(tag) =	ssettag $0x2  }
0x2a9: {  	s0 =	rddreg [dreg:$0x0];
	s2 =	stileid.u32  }
0x2aa: {  	s1 =	rddreg [dreg:$0x1];
	p0 =	sne.s32 s2, $0x0  }
0x2ab: {  	s3 =	rddreg [dreg:$0x2];
	[bflag:$0x3] =	sbarrier.arrive $0xFFFF;
	s2 =	simm.s32 @!p0 $0x1C1F  }
0x2ac: {  	[timem:s3], [sflag:s2] =	dma.local @!p0 [hbm:s0], s1  }
0x2ad: {  	s0 =	simm.s32 @!p0 $0x1F  }
0x2ae: {  	_ =	swait.ge @!p0 [sflag:s0], s1  }
0x2af: {  	s1 =	ssub.s32 @!p0 $0x0, s1;
	[sflag:s0] =	ssyncset.done @!p0 $0x0  }
0x2b0: {  	[sflag:s0] =	ssyncadd.s32 @!p0 s1  }
0x2b1: {  	[bflag:$0x3] =	sbarrier.arrive $0xFFFF  }
0x2b2: {  	_ =	shalt  }

</sc_bundles>
